<compile_context>
chip_gen: v7x
topology: tpu7x:2x2x1
jax: 0.10.2.dev20260603
libtpu: 0.0.44.dev20260713+nightly
codegen_flags: <defaults>
</compile_context>

<pallas_src>
import jax
import jax.numpy as jnp
from jax import lax
from jax.experimental import pallas as pl
from jax.experimental.pallas import tpu as pltpu
from jax.experimental.pallas import tpu_sc as plsc

_IN_CH = 16
_OUT_CH = 32
_ROW = 32
_COL = 32
_ROW_P = 34
_COL_P = 34
_NPIX = _ROW * _COL
_IMG_WORDS = _IN_CH * _ROW * _COL
_PAD_WORDS = _IN_CH * _ROW_P * _COL_P
_OUT_WORDS = _OUT_CH * _NPIX
_NC = 2
_NS = 16
_REGS = 16
_PASSES = _NPIX // (_REGS * 16)


def _sc_body(img_hbm, widx_hbm, wval_hbm, starts_hbm, bias_hbm, out_hbm,
             stage, img, acc, widx_v, wval_v, starts_v, bias_v,
             starts_s, bias_s):
    nw = widx_hbm.shape[0]
    cid = lax.axis_index("c")
    sid = lax.axis_index("s")
    b = sid * _NC + cid

    pltpu.sync_copy(img_hbm.at[b], stage)
    pltpu.sync_copy(widx_hbm, widx_v.at[pl.ds(0, nw)])
    pltpu.sync_copy(wval_hbm, wval_v.at[pl.ds(0, nw)])
    pltpu.sync_copy(starts_hbm, starts_v.at[pl.ds(0, _OUT_CH + 1)])
    pltpu.sync_copy(bias_hbm, bias_v)

    sv = [starts_v[pl.ds(0, 16)], starts_v[pl.ds(16, 16)],
          starts_v[pl.ds(32, 16)]]
    for i in range(_OUT_CH + 1):
        starts_s[i] = sv[i // 16][i % 16]
    bv = [bias_v[pl.ds(0, 16)], bias_v[pl.ds(16, 16)]]
    for i in range(_OUT_CH):
        bias_s[i] = bv[i // 16][i % 16]

    zero = jnp.zeros((16,), jnp.float32)

    @plsc.parallel_loop(0, _PAD_WORDS // 16, unroll=8)
    def _zero_pad(i):
        img[pl.ds(i * 16, 16)] = zero

    @plsc.parallel_loop(0, _IN_CH * _ROW, unroll=4)
    def _relayout(i):
        ch = i >> 5
        r = i & 31
        dst = ch * (_ROW_P * _COL_P) + (r + 1) * _COL_P + 1
        img[pl.ds(dst, 16)] = stage[ch, r, pl.ds(0, 16)]
        img[pl.ds(dst + 16, 16)] = stage[ch, r, pl.ds(16, 16)]

    iota = lax.iota(jnp.int32, 16)

    @pl.loop(0, _OUT_CH)
    def _chan(oc):
        lo = starts_s[oc]
        hi = starts_s[oc + 1]
        bvec = jnp.full((16,), bias_s[oc], jnp.float32)
        for ps in range(_PASSES):
            piota = iota + ps * (_NPIX // _PASSES // _COL) * _COL_P

            def _wbody(l, accs):
                iv16 = widx_v[pl.ds(l, 16)]
                wv16 = wval_v[pl.ds(l, 16)]
                cur = piota + iv16[0]
                w = wv16[0]
                out = []
                for k in range(_REGS):
                    g = plsc.load_gather(img, [cur])
                    out.append(accs[k] + g * w)
                    if k + 1 < _REGS:
                        cur = cur + (16 if (k & 1) == 0 else _COL_P - 16)
                return tuple(out)

            accs = pl.loop(lo, hi, init_carry=(bvec,) * _REGS)(_wbody)
            for k in range(_REGS):
                acc[pl.ds(oc * _NPIX + ps * _REGS * 16 + k * 16, 16)] = accs[k]

    pltpu.sync_copy(acc, out_hbm.at[b])


def kernel(images, weight_value, bias_value, image_weight_index,
           image_range_flat, weight_oc_ids, bias_index):
    del image_range_flat
    bsz = images.shape[0]
    nw = weight_value.shape[0]
    assert bsz == _NC * _NS

    widx = image_weight_index.astype(jnp.int32)
    starts = jnp.sum(weight_oc_ids[None, :] < jnp.arange(_OUT_CH + 1)[:, None],
                     axis=1).astype(jnp.int32)
    onehot = (bias_index[:, None] == jnp.arange(_OUT_CH)[None, :])
    bias_full = jnp.sum(jnp.where(onehot, bias_value[:, None], 0.0), axis=0)

    mesh = plsc.VectorSubcoreMesh(core_axis_name="c", subcore_axis_name="s",
                                  num_cores=_NC, num_subcores=_NS)
    conv = pl.kernel(
        _sc_body,
        out_type=jax.ShapeDtypeStruct((bsz, _OUT_WORDS), jnp.float32),
        mesh=mesh,
        compiler_params=pltpu.CompilerParams(needs_layout_passes=False,
                                             skip_device_barrier=True),
        scratch_types=[
            pltpu.VMEM((_IN_CH, _ROW, _COL), jnp.float32),
            pltpu.VMEM((_PAD_WORDS,), jnp.float32),
            pltpu.VMEM((_OUT_WORDS,), jnp.float32),
            pltpu.VMEM((nw + 16,), jnp.int32),
            pltpu.VMEM((nw + 16,), jnp.float32),
            pltpu.VMEM((48,), jnp.int32),
            pltpu.VMEM((_OUT_CH,), jnp.float32),
            pltpu.SMEM((_OUT_CH + 8,), jnp.int32),
            pltpu.SMEM((_OUT_CH,), jnp.float32),
        ],
    )
    out = conv(images, widx, weight_value, starts, bias_full)
    return out.reshape(bsz, _OUT_CH, _ROW, _COL)

# --- scband reference (transcript-rebuilt; emitter-appended) ---
"""Pipeline reference for scband-re-conv-torch-20246475833696 (READ-ONLY COPY).

The authoritative reference and input builder live on the scoring server;
editing this copy changes nothing except your own understanding.
"""

import jax, jax.numpy as jnp
import numpy as np

IN_CH = 16
OUT_CH = 32
K = 3
STRIDE = 1
ROW = 32
COL = 32
PAD = 1
B = 32
ROW_P = ROW + 2 * PAD
COL_P = COL + 2 * PAD
H_OUT = (ROW - K + 2 * PAD) // STRIDE + 1
W_OUT = (COL - K + 2 * PAD) // STRIDE + 1
NP_INPUT = ROW_P * COL_P  # per-channel padded image size


def _make_state():
    # Mirrors the construction of weight_state_dict / bias_state_dict and the
    # derived buffers built in ReConv_torch.__init__ .
    rng = np.random.RandomState(0)
    lengths = rng.randint(32, 65, size=OUT_CH)            # filter_lengths (weight_state_dict[2])
    start = np.concatenate([[0], np.cumsum(lengths)[:-1]]).astype(np.int32)  # start_points
    total = int(lengths.sum())
    c = rng.randint(0, IN_CH, size=total)
    r = rng.randint(0, K, size=total)
    q = rng.randint(0, K, size=total)
    # weight_index = c*100 + r*10 + q ; image_weight_index decodes it against the PADDED image:
    # idx = (weight_index//100)*NP_INPUT + (weight_index//10 % 10)*COL_P + weight_index % 10
    img_idx = (c * NP_INPUT + r * COL_P + q).astype(np.int32)
    wval = (rng.randn(total) * 0.1).astype(np.float32)    # weight_state_dict[1]
    oc_ids = np.repeat(np.arange(OUT_CH), lengths).astype(np.int32)  # which filter each weight belongs to
    bidx = np.arange(OUT_CH, dtype=np.int32)              # bias_state_dict[0]
    bval = (rng.randn(OUT_CH) * 0.1).astype(np.float32)   # bias_state_dict[1]
    w = np.arange(0, STRIDE * W_OUT, STRIDE, dtype=np.int32)[None, :]
    h = np.arange(0, STRIDE * W_OUT, STRIDE, dtype=np.int32)[:, None] * COL_P
    irange = (w + h).reshape(-1).astype(np.int32)         # self.image_range flattened [W_OUT*W_OUT]
    return img_idx, wval, oc_ids, bidx, bval, irange


def setup_inputs(seed: int = 0) -> dict:
    key = jax.random.key(seed)
    img_idx, wval, oc_ids, bidx, bval, irange = _make_state()
    images = jax.random.normal(key, (B, IN_CH, ROW, COL), dtype=jnp.float32)
    return {
        "images": images,
        "weight_value": jnp.asarray(wval),
        "bias_value": jnp.asarray(bval),
        "image_weight_index": jnp.asarray(img_idx),
        "image_range_flat": jnp.asarray(irange),
        "weight_oc_ids": jnp.asarray(oc_ids),
        "bias_index": jnp.asarray(bidx),
    }


def reference(images, weight_value, bias_value, image_weight_index,
              image_range_flat, weight_oc_ids, bias_index):
    # Faithful translation of the CUDA `convolution` + `add_bias` kernels:
    # output[b, oc, pix] = sum_{l in filter oc} image_flat[b, image_weight_index[l] + image_range[pix]]
    #                      * weight_value[l]   (+ bias_value[j] if oc == bias_index[j])
    Bn = images.shape[0]
    padded = jnp.pad(images, ((0, 0), (0, 0), (PAD, PAD), (PAD, PAD)))
    flat = padded.reshape(Bn, -1)                               # [B, C*ROW_P*COL_P]
    idx = image_weight_index[:, None] + image_range_flat[None, :]  # [Wtot, P]
    gathered = flat[:, idx]                                     # [B, Wtot, P]
    contrib = gathered * weight_value[None, :, None]            # [B, Wtot, P]
    contrib = jnp.transpose(contrib, (1, 0, 2))                 # [Wtot, B, P]
    summed = jax.ops.segment_sum(contrib, weight_oc_ids, num_segments=OUT_CH)  # [OC, B, P]
    out = jnp.transpose(summed, (1, 0, 2)).reshape(Bn, OUT_CH, W_OUT, H_OUT)
    out = out.at[:, bias_index].add(bias_value[None, :, None, None])
    return out

if __name__ == "__main__":
    import jax
    _d = setup_inputs()
    print(jax.jit(kernel)(*tuple(_d.values())))

</pallas_src>

<mosaic_0001>
#map = affine_map<(d0, d1) -> (0, 0, 0, 0)>
#map1 = affine_map<(d0, d1) -> (0)>
#map2 = affine_map<(d0, d1) -> (0, 0)>
module attributes {stable_mosaic.version = 14 : i64} {
  func.func @_sc_body(%arg0: i32, %arg1: i32, %arg2: memref<32x16x32x32xf32, #tpu.memory_space<hbm>>, %arg3: memref<1500xi32, #tpu.memory_space<hbm>>, %arg4: memref<1500xf32, #tpu.memory_space<hbm>>, %arg5: memref<33xi32, #tpu.memory_space<hbm>>, %arg6: memref<32xf32, #tpu.memory_space<hbm>>, %arg7: memref<32x32768xf32, #tpu.memory_space<hbm>>, %arg8: memref<16x32x32xf32, #tpu.memory_space<vmem>>, %arg9: memref<18496xf32, #tpu.memory_space<vmem>>, %arg10: memref<32768xf32, #tpu.memory_space<vmem>>, %arg11: memref<1516xi32, #tpu.memory_space<vmem>>, %arg12: memref<1516xf32, #tpu.memory_space<vmem>>, %arg13: memref<48xi32, #tpu.memory_space<vmem>>, %arg14: memref<32xf32, #tpu.memory_space<vmem>>, %arg15: memref<40xi32, #tpu.memory_space<smem>>, %arg16: memref<32xf32, #tpu.memory_space<smem>>) attributes {dimension_semantics = [#tpu.dimension_semantics<core_parallel>, #tpu.dimension_semantics<subcore_parallel>], iteration_bounds = array<i64: 2, 16>, scalar_prefetch = 0 : i64, scratch_operands = 9 : i64, tpu.core_type = #tpu.core_type<sc_vector_subcore>, window_params = [{transform_indices = #map}, {transform_indices = #map1}, {transform_indices = #map1}, {transform_indices = #map1}, {transform_indices = #map1}, {transform_indices = #map2}]} {
    %mul3A = arith.constant 2 : i32
    %mul3A_0 = arith.muli %arg1, %mul3A : i32
    %add3A = arith.addi %mul3A_0, %arg0 : i32
    "tpu.region"() ({
      %run_scoped3A = tpu.sem_alloc : memref<!tpu.dma_semaphore, #tpu.memory_space<semaphore_mem>>
      %dma_start3A = arith.constant 0 : i32
      %dma_start3A_342 = arith.constant 0 : i32
      %dma_start3A_343 = arith.constant 0 : i32
      %dma_start3A_344 = tpu.memref_slice %arg2[%add3A, %dma_start3A, %dma_start3A_342, %dma_start3A_343] : memref<32x16x32x32xf32, #tpu.memory_space<hbm>> -> memref<1x16x32x32xf32, #tpu.memory_space<hbm>>
      %dma_start3A_345 = tpu.memref_squeeze %dma_start3A_344 : memref<1x16x32x32xf32, #tpu.memory_space<hbm>> -> memref<16x32x32xf32, #tpu.memory_space<hbm>>
      %dma_start3A_346 = arith.constant 0 : i32
      %dma_start3A_347 = arith.constant 0 : i32
      %dma_start3A_348 = arith.constant 0 : i32
      %dma_start3A_349 = tpu.memref_slice %arg2[%add3A, %dma_start3A_346, %dma_start3A_347, %dma_start3A_348] : memref<32x16x32x32xf32, #tpu.memory_space<hbm>> -> memref<1x16x32x32xf32, #tpu.memory_space<hbm>>
      %dma_start3A_350 = tpu.memref_squeeze %dma_start3A_349 : memref<1x16x32x32xf32, #tpu.memory_space<hbm>> -> memref<16x32x32xf32, #tpu.memory_space<hbm>>
      tpu.enqueue_dma source(%dma_start3A_350 : memref<16x32x32xf32, #tpu.memory_space<hbm>>) target(%arg8 : memref<16x32x32xf32, #tpu.memory_space<vmem>>) target_semaphore(%run_scoped3A : memref<!tpu.dma_semaphore, #tpu.memory_space<semaphore_mem>>)
      %dma_wait3A = arith.constant 0 : i32
      %dma_wait3A_351 = arith.constant 0 : i32
      %dma_wait3A_352 = arith.constant 0 : i32
      %dma_wait3A_353 = tpu.memref_slice %arg2[%add3A, %dma_wait3A, %dma_wait3A_351, %dma_wait3A_352] : memref<32x16x32x32xf32, #tpu.memory_space<hbm>> -> memref<1x16x32x32xf32, #tpu.memory_space<hbm>>
      %dma_wait3A_354 = tpu.memref_squeeze %dma_wait3A_353 : memref<1x16x32x32xf32, #tpu.memory_space<hbm>> -> memref<16x32x32xf32, #tpu.memory_space<hbm>>
      %dma_wait3A_355 = arith.constant 0 : i32
      %dma_wait3A_356 = arith.constant 0 : i32
      %dma_wait3A_357 = arith.constant 0 : i32
      %dma_wait3A_358 = tpu.memref_slice %arg2[%add3A, %dma_wait3A_355, %dma_wait3A_356, %dma_wait3A_357] : memref<32x16x32x32xf32, #tpu.memory_space<hbm>> -> memref<1x16x32x32xf32, #tpu.memory_space<hbm>>
      %dma_wait3A_359 = tpu.memref_squeeze %dma_wait3A_358 : memref<1x16x32x32xf32, #tpu.memory_space<hbm>> -> memref<16x32x32xf32, #tpu.memory_space<hbm>>
      tpu.wait_dma2 semaphore(%run_scoped3A : memref<!tpu.dma_semaphore, #tpu.memory_space<semaphore_mem>>) src(%dma_wait3A_359 : memref<16x32x32xf32, #tpu.memory_space<hbm>>) dst(%arg8 : memref<16x32x32xf32, #tpu.memory_space<vmem>>)
      tpu.yield
    }) : () -> ()
    "tpu.region"() ({
      %run_scoped3A = tpu.sem_alloc : memref<!tpu.dma_semaphore, #tpu.memory_space<semaphore_mem>>
      %dma_start3A = arith.constant 0 : i32
      %dma_start3A_342 = tpu.memref_slice %arg11[%dma_start3A] : memref<1516xi32, #tpu.memory_space<vmem>> -> memref<1500xi32, #tpu.memory_space<vmem>>
      %dma_start3A_343 = arith.constant 0 : i32
      %dma_start3A_344 = tpu.memref_slice %arg11[%dma_start3A_343] : memref<1516xi32, #tpu.memory_space<vmem>> -> memref<1500xi32, #tpu.memory_space<vmem>>
      tpu.enqueue_dma source(%arg3 : memref<1500xi32, #tpu.memory_space<hbm>>) target(%dma_start3A_344 : memref<1500xi32, #tpu.memory_space<vmem>>) target_semaphore(%run_scoped3A : memref<!tpu.dma_semaphore, #tpu.memory_space<semaphore_mem>>)
      %dma_wait3A = arith.constant 0 : i32
      %dma_wait3A_345 = tpu.memref_slice %arg11[%dma_wait3A] : memref<1516xi32, #tpu.memory_space<vmem>> -> memref<1500xi32, #tpu.memory_space<vmem>>
      %dma_wait3A_346 = arith.constant 0 : i32
      %dma_wait3A_347 = tpu.memref_slice %arg11[%dma_wait3A_346] : memref<1516xi32, #tpu.memory_space<vmem>> -> memref<1500xi32, #tpu.memory_space<vmem>>
      tpu.wait_dma2 semaphore(%run_scoped3A : memref<!tpu.dma_semaphore, #tpu.memory_space<semaphore_mem>>) src(%arg3 : memref<1500xi32, #tpu.memory_space<hbm>>) dst(%dma_wait3A_347 : memref<1500xi32, #tpu.memory_space<vmem>>)
      tpu.yield
    }) : () -> ()
    "tpu.region"() ({
      %run_scoped3A = tpu.sem_alloc : memref<!tpu.dma_semaphore, #tpu.memory_space<semaphore_mem>>
      %dma_start3A = arith.constant 0 : i32
      %dma_start3A_342 = tpu.memref_slice %arg12[%dma_start3A] : memref<1516xf32, #tpu.memory_space<vmem>> -> memref<1500xf32, #tpu.memory_space<vmem>>
      %dma_start3A_343 = arith.constant 0 : i32
      %dma_start3A_344 = tpu.memref_slice %arg12[%dma_start3A_343] : memref<1516xf32, #tpu.memory_space<vmem>> -> memref<1500xf32, #tpu.memory_space<vmem>>
      tpu.enqueue_dma source(%arg4 : memref<1500xf32, #tpu.memory_space<hbm>>) target(%dma_start3A_344 : memref<1500xf32, #tpu.memory_space<vmem>>) target_semaphore(%run_scoped3A : memref<!tpu.dma_semaphore, #tpu.memory_space<semaphore_mem>>)
      %dma_wait3A = arith.constant 0 : i32
      %dma_wait3A_345 = tpu.memref_slice %arg12[%dma_wait3A] : memref<1516xf32, #tpu.memory_space<vmem>> -> memref<1500xf32, #tpu.memory_space<vmem>>
      %dma_wait3A_346 = arith.constant 0 : i32
      %dma_wait3A_347 = tpu.memref_slice %arg12[%dma_wait3A_346] : memref<1516xf32, #tpu.memory_space<vmem>> -> memref<1500xf32, #tpu.memory_space<vmem>>
      tpu.wait_dma2 semaphore(%run_scoped3A : memref<!tpu.dma_semaphore, #tpu.memory_space<semaphore_mem>>) src(%arg4 : memref<1500xf32, #tpu.memory_space<hbm>>) dst(%dma_wait3A_347 : memref<1500xf32, #tpu.memory_space<vmem>>)
      tpu.yield
    }) : () -> ()
    "tpu.region"() ({
      %run_scoped3A = tpu.sem_alloc : memref<!tpu.dma_semaphore, #tpu.memory_space<semaphore_mem>>
      %dma_start3A = arith.constant 0 : i32
      %dma_start3A_342 = tpu.memref_slice %arg13[%dma_start3A] : memref<48xi32, #tpu.memory_space<vmem>> -> memref<33xi32, #tpu.memory_space<vmem>>
      %dma_start3A_343 = arith.constant 0 : i32
      %dma_start3A_344 = tpu.memref_slice %arg13[%dma_start3A_343] : memref<48xi32, #tpu.memory_space<vmem>> -> memref<33xi32, #tpu.memory_space<vmem>>
      tpu.enqueue_dma source(%arg5 : memref<33xi32, #tpu.memory_space<hbm>>) target(%dma_start3A_344 : memref<33xi32, #tpu.memory_space<vmem>>) target_semaphore(%run_scoped3A : memref<!tpu.dma_semaphore, #tpu.memory_space<semaphore_mem>>)
      %dma_wait3A = arith.constant 0 : i32
      %dma_wait3A_345 = tpu.memref_slice %arg13[%dma_wait3A] : memref<48xi32, #tpu.memory_space<vmem>> -> memref<33xi32, #tpu.memory_space<vmem>>
      %dma_wait3A_346 = arith.constant 0 : i32
      %dma_wait3A_347 = tpu.memref_slice %arg13[%dma_wait3A_346] : memref<48xi32, #tpu.memory_space<vmem>> -> memref<33xi32, #tpu.memory_space<vmem>>
      tpu.wait_dma2 semaphore(%run_scoped3A : memref<!tpu.dma_semaphore, #tpu.memory_space<semaphore_mem>>) src(%arg5 : memref<33xi32, #tpu.memory_space<hbm>>) dst(%dma_wait3A_347 : memref<33xi32, #tpu.memory_space<vmem>>)
      tpu.yield
    }) : () -> ()
    "tpu.region"() ({
      %run_scoped3A = tpu.sem_alloc : memref<!tpu.dma_semaphore, #tpu.memory_space<semaphore_mem>>
      tpu.enqueue_dma source(%arg6 : memref<32xf32, #tpu.memory_space<hbm>>) target(%arg14 : memref<32xf32, #tpu.memory_space<vmem>>) target_semaphore(%run_scoped3A : memref<!tpu.dma_semaphore, #tpu.memory_space<semaphore_mem>>)
      tpu.wait_dma2 semaphore(%run_scoped3A : memref<!tpu.dma_semaphore, #tpu.memory_space<semaphore_mem>>) src(%arg6 : memref<32xf32, #tpu.memory_space<hbm>>) dst(%arg14 : memref<32xf32, #tpu.memory_space<vmem>>)
      tpu.yield
    }) : () -> ()
    %get3A = arith.constant 0 : index
    %get3A_1 = tpu.vector_load %arg13[%get3A] {strides = array<i32>} : memref<48xi32, #tpu.memory_space<vmem>>, vector<16xi32>,
    %get3A_2 = arith.constant 16 : index
    %get3A_3 = tpu.vector_load %arg13[%get3A_2] {strides = array<i32>} : memref<48xi32, #tpu.memory_space<vmem>>, vector<16xi32>,
    %get3A_4 = arith.constant 32 : index
    %get3A_5 = tpu.vector_load %arg13[%get3A_4] {strides = array<i32>} : memref<48xi32, #tpu.memory_space<vmem>>, vector<16xi32>,
    %slice3A = vector.extract_strided_slice %get3A_1 {offsets = [0], sizes = [1], strides = [1]} : vector<16xi32> to vector<1xi32>
    %squeeze3A = vector.extract %slice3A[0] : i32 from vector<1xi32>
    %swap3A = arith.constant 0 : i32
    %swap3A_6 = arith.index_cast %swap3A : i32 to index
    %swap3A_7 = memref.load %arg15[%swap3A_6] : memref<40xi32, #tpu.memory_space<smem>>
    memref.store %squeeze3A, %arg15[%swap3A_6] : memref<40xi32, #tpu.memory_space<smem>>
    %slice3A_8 = vector.extract_strided_slice %get3A_1 {offsets = [1], sizes = [1], strides = [1]} : vector<16xi32> to vector<1xi32>
    %squeeze3A_9 = vector.extract %slice3A_8[0] : i32 from vector<1xi32>
    %swap3A_10 = arith.constant 1 : i32
    %swap3A_11 = arith.index_cast %swap3A_10 : i32 to index
    %swap3A_12 = memref.load %arg15[%swap3A_11] : memref<40xi32, #tpu.memory_space<smem>>
    memref.store %squeeze3A_9, %arg15[%swap3A_11] : memref<40xi32, #tpu.memory_space<smem>>
    %slice3A_13 = vector.extract_strided_slice %get3A_1 {offsets = [2], sizes = [1], strides = [1]} : vector<16xi32> to vector<1xi32>
    %squeeze3A_14 = vector.extract %slice3A_13[0] : i32 from vector<1xi32>
    %swap3A_15 = arith.constant 2 : i32
    %swap3A_16 = arith.index_cast %swap3A_15 : i32 to index
    %swap3A_17 = memref.load %arg15[%swap3A_16] : memref<40xi32, #tpu.memory_space<smem>>
    memref.store %squeeze3A_14, %arg15[%swap3A_16] : memref<40xi32, #tpu.memory_space<smem>>
    %slice3A_18 = vector.extract_strided_slice %get3A_1 {offsets = [3], sizes = [1], strides = [1]} : vector<16xi32> to vector<1xi32>
    %squeeze3A_19 = vector.extract %slice3A_18[0] : i32 from vector<1xi32>
    %swap3A_20 = arith.constant 3 : i32
    %swap3A_21 = arith.index_cast %swap3A_20 : i32 to index
    %swap3A_22 = memref.load %arg15[%swap3A_21] : memref<40xi32, #tpu.memory_space<smem>>
    memref.store %squeeze3A_19, %arg15[%swap3A_21] : memref<40xi32, #tpu.memory_space<smem>>
    %slice3A_23 = vector.extract_strided_slice %get3A_1 {offsets = [4], sizes = [1], strides = [1]} : vector<16xi32> to vector<1xi32>
    %squeeze3A_24 = vector.extract %slice3A_23[0] : i32 from vector<1xi32>
    %swap3A_25 = arith.constant 4 : i32
    %swap3A_26 = arith.index_cast %swap3A_25 : i32 to index
    %swap3A_27 = memref.load %arg15[%swap3A_26] : memref<40xi32, #tpu.memory_space<smem>>
    memref.store %squeeze3A_24, %arg15[%swap3A_26] : memref<40xi32, #tpu.memory_space<smem>>
    %slice3A_28 = vector.extract_strided_slice %get3A_1 {offsets = [5], sizes = [1], strides = [1]} : vector<16xi32> to vector<1xi32>
    %squeeze3A_29 = vector.extract %slice3A_28[0] : i32 from vector<1xi32>
    %swap3A_30 = arith.constant 5 : i32
    %swap3A_31 = arith.index_cast %swap3A_30 : i32 to index
    %swap3A_32 = memref.load %arg15[%swap3A_31] : memref<40xi32, #tpu.memory_space<smem>>
    memref.store %squeeze3A_29, %arg15[%swap3A_31] : memref<40xi32, #tpu.memory_space<smem>>
    %slice3A_33 = vector.extract_strided_slice %get3A_1 {offsets = [6], sizes = [1], strides = [1]} : vector<16xi32> to vector<1xi32>
    %squeeze3A_34 = vector.extract %slice3A_33[0] : i32 from vector<1xi32>
    %swap3A_35 = arith.constant 6 : i32
    %swap3A_36 = arith.index_cast %swap3A_35 : i32 to index
    %swap3A_37 = memref.load %arg15[%swap3A_36] : memref<40xi32, #tpu.memory_space<smem>>
    memref.store %squeeze3A_34, %arg15[%swap3A_36] : memref<40xi32, #tpu.memory_space<smem>>
    %slice3A_38 = vector.extract_strided_slice %get3A_1 {offsets = [7], sizes = [1], strides = [1]} : vector<16xi32> to vector<1xi32>
    %squeeze3A_39 = vector.extract %slice3A_38[0] : i32 from vector<1xi32>
    %swap3A_40 = arith.constant 7 : i32
    %swap3A_41 = arith.index_cast %swap3A_40 : i32 to index
    %swap3A_42 = memref.load %arg15[%swap3A_41] : memref<40xi32, #tpu.memory_space<smem>>
    memref.store %squeeze3A_39, %arg15[%swap3A_41] : memref<40xi32, #tpu.memory_space<smem>>
    %slice3A_43 = vector.extract_strided_slice %get3A_1 {offsets = [8], sizes = [1], strides = [1]} : vector<16xi32> to vector<1xi32>
    %squeeze3A_44 = vector.extract %slice3A_43[0] : i32 from vector<1xi32>
    %swap3A_45 = arith.constant 8 : i32
    %swap3A_46 = arith.index_cast %swap3A_45 : i32 to index
    %swap3A_47 = memref.load %arg15[%swap3A_46] : memref<40xi32, #tpu.memory_space<smem>>
    memref.store %squeeze3A_44, %arg15[%swap3A_46] : memref<40xi32, #tpu.memory_space<smem>>
    %slice3A_48 = vector.extract_strided_slice %get3A_1 {offsets = [9], sizes = [1], strides = [1]} : vector<16xi32> to vector<1xi32>
    %squeeze3A_49 = vector.extract %slice3A_48[0] : i32 from vector<1xi32>
    %swap3A_50 = arith.constant 9 : i32
    %swap3A_51 = arith.index_cast %swap3A_50 : i32 to index
    %swap3A_52 = memref.load %arg15[%swap3A_51] : memref<40xi32, #tpu.memory_space<smem>>
    memref.store %squeeze3A_49, %arg15[%swap3A_51] : memref<40xi32, #tpu.memory_space<smem>>
    %slice3A_53 = vector.extract_strided_slice %get3A_1 {offsets = [10], sizes = [1], strides = [1]} : vector<16xi32> to vector<1xi32>
    %squeeze3A_54 = vector.extract %slice3A_53[0] : i32 from vector<1xi32>
    %swap3A_55 = arith.constant 10 : i32
    %swap3A_56 = arith.index_cast %swap3A_55 : i32 to index
    %swap3A_57 = memref.load %arg15[%swap3A_56] : memref<40xi32, #tpu.memory_space<smem>>
    memref.store %squeeze3A_54, %arg15[%swap3A_56] : memref<40xi32, #tpu.memory_space<smem>>
    %slice3A_58 = vector.extract_strided_slice %get3A_1 {offsets = [11], sizes = [1], strides = [1]} : vector<16xi32> to vector<1xi32>
    %squeeze3A_59 = vector.extract %slice3A_58[0] : i32 from vector<1xi32>
    %swap3A_60 = arith.constant 11 : i32
    %swap3A_61 = arith.index_cast %swap3A_60 : i32 to index
    %swap3A_62 = memref.load %arg15[%swap3A_61] : memref<40xi32, #tpu.memory_space<smem>>
    memref.store %squeeze3A_59, %arg15[%swap3A_61] : memref<40xi32, #tpu.memory_space<smem>>
    %slice3A_63 = vector.extract_strided_slice %get3A_1 {offsets = [12], sizes = [1], strides = [1]} : vector<16xi32> to vector<1xi32>
    %squeeze3A_64 = vector.extract %slice3A_63[0] : i32 from vector<1xi32>
    %swap3A_65 = arith.constant 12 : i32
    %swap3A_66 = arith.index_cast %swap3A_65 : i32 to index
    %swap3A_67 = memref.load %arg15[%swap3A_66] : memref<40xi32, #tpu.memory_space<smem>>
    memref.store %squeeze3A_64, %arg15[%swap3A_66] : memref<40xi32, #tpu.memory_space<smem>>
    %slice3A_68 = vector.extract_strided_slice %get3A_1 {offsets = [13], sizes = [1], strides = [1]} : vector<16xi32> to vector<1xi32>
    %squeeze3A_69 = vector.extract %slice3A_68[0] : i32 from vector<1xi32>
    %swap3A_70 = arith.constant 13 : i32
    %swap3A_71 = arith.index_cast %swap3A_70 : i32 to index
    %swap3A_72 = memref.load %arg15[%swap3A_71] : memref<40xi32, #tpu.memory_space<smem>>
    memref.store %squeeze3A_69, %arg15[%swap3A_71] : memref<40xi32, #tpu.memory_space<smem>>
    %slice3A_73 = vector.extract_strided_slice %get3A_1 {offsets = [14], sizes = [1], strides = [1]} : vector<16xi32> to vector<1xi32>
    %squeeze3A_74 = vector.extract %slice3A_73[0] : i32 from vector<1xi32>
    %swap3A_75 = arith.constant 14 : i32
    %swap3A_76 = arith.index_cast %swap3A_75 : i32 to index
    %swap3A_77 = memref.load %arg15[%swap3A_76] : memref<40xi32, #tpu.memory_space<smem>>
    memref.store %squeeze3A_74, %arg15[%swap3A_76] : memref<40xi32, #tpu.memory_space<smem>>
    %slice3A_78 = vector.extract_strided_slice %get3A_1 {offsets = [15], sizes = [1], strides = [1]} : vector<16xi32> to vector<1xi32>
    %squeeze3A_79 = vector.extract %slice3A_78[0] : i32 from vector<1xi32>
    %swap3A_80 = arith.constant 15 : i32
    %swap3A_81 = arith.index_cast %swap3A_80 : i32 to index
    %swap3A_82 = memref.load %arg15[%swap3A_81] : memref<40xi32, #tpu.memory_space<smem>>
    memref.store %squeeze3A_79, %arg15[%swap3A_81] : memref<40xi32, #tpu.memory_space<smem>>
    %slice3A_83 = vector.extract_strided_slice %get3A_3 {offsets = [0], sizes = [1], strides = [1]} : vector<16xi32> to vector<1xi32>
    %squeeze3A_84 = vector.extract %slice3A_83[0] : i32 from vector<1xi32>
    %swap3A_85 = arith.constant 16 : i32
    %swap3A_86 = arith.index_cast %swap3A_85 : i32 to index
    %swap3A_87 = memref.load %arg15[%swap3A_86] : memref<40xi32, #tpu.memory_space<smem>>
    memref.store %squeeze3A_84, %arg15[%swap3A_86] : memref<40xi32, #tpu.memory_space<smem>>
    %slice3A_88 = vector.extract_strided_slice %get3A_3 {offsets = [1], sizes = [1], strides = [1]} : vector<16xi32> to vector<1xi32>
    %squeeze3A_89 = vector.extract %slice3A_88[0] : i32 from vector<1xi32>
    %swap3A_90 = arith.constant 17 : i32
    %swap3A_91 = arith.index_cast %swap3A_90 : i32 to index
    %swap3A_92 = memref.load %arg15[%swap3A_91] : memref<40xi32, #tpu.memory_space<smem>>
    memref.store %squeeze3A_89, %arg15[%swap3A_91] : memref<40xi32, #tpu.memory_space<smem>>
    %slice3A_93 = vector.extract_strided_slice %get3A_3 {offsets = [2], sizes = [1], strides = [1]} : vector<16xi32> to vector<1xi32>
    %squeeze3A_94 = vector.extract %slice3A_93[0] : i32 from vector<1xi32>
    %swap3A_95 = arith.constant 18 : i32
    %swap3A_96 = arith.index_cast %swap3A_95 : i32 to index
    %swap3A_97 = memref.load %arg15[%swap3A_96] : memref<40xi32, #tpu.memory_space<smem>>
    memref.store %squeeze3A_94, %arg15[%swap3A_96] : memref<40xi32, #tpu.memory_space<smem>>
    %slice3A_98 = vector.extract_strided_slice %get3A_3 {offsets = [3], sizes = [1], strides = [1]} : vector<16xi32> to vector<1xi32>
    %squeeze3A_99 = vector.extract %slice3A_98[0] : i32 from vector<1xi32>
    %swap3A_100 = arith.constant 19 : i32
    %swap3A_101 = arith.index_cast %swap3A_100 : i32 to index
    %swap3A_102 = memref.load %arg15[%swap3A_101] : memref<40xi32, #tpu.memory_space<smem>>
    memref.store %squeeze3A_99, %arg15[%swap3A_101] : memref<40xi32, #tpu.memory_space<smem>>
    %slice3A_103 = vector.extract_strided_slice %get3A_3 {offsets = [4], sizes = [1], strides = [1]} : vector<16xi32> to vector<1xi32>
    %squeeze3A_104 = vector.extract %slice3A_103[0] : i32 from vector<1xi32>
    %swap3A_105 = arith.constant 20 : i32
    %swap3A_106 = arith.index_cast %swap3A_105 : i32 to index
    %swap3A_107 = memref.load %arg15[%swap3A_106] : memref<40xi32, #tpu.memory_space<smem>>
    memref.store %squeeze3A_104, %arg15[%swap3A_106] : memref<40xi32, #tpu.memory_space<smem>>
    %slice3A_108 = vector.extract_strided_slice %get3A_3 {offsets = [5], sizes = [1], strides = [1]} : vector<16xi32> to vector<1xi32>
    %squeeze3A_109 = vector.extract %slice3A_108[0] : i32 from vector<1xi32>
    %swap3A_110 = arith.constant 21 : i32
    %swap3A_111 = arith.index_cast %swap3A_110 : i32 to index
    %swap3A_112 = memref.load %arg15[%swap3A_111] : memref<40xi32, #tpu.memory_space<smem>>
    memref.store %squeeze3A_109, %arg15[%swap3A_111] : memref<40xi32, #tpu.memory_space<smem>>
    %slice3A_113 = vector.extract_strided_slice %get3A_3 {offsets = [6], sizes = [1], strides = [1]} : vector<16xi32> to vector<1xi32>
    %squeeze3A_114 = vector.extract %slice3A_113[0] : i32 from vector<1xi32>
    %swap3A_115 = arith.constant 22 : i32
    %swap3A_116 = arith.index_cast %swap3A_115 : i32 to index
    %swap3A_117 = memref.load %arg15[%swap3A_116] : memref<40xi32, #tpu.memory_space<smem>>
    memref.store %squeeze3A_114, %arg15[%swap3A_116] : memref<40xi32, #tpu.memory_space<smem>>
    %slice3A_118 = vector.extract_strided_slice %get3A_3 {offsets = [7], sizes = [1], strides = [1]} : vector<16xi32> to vector<1xi32>
    %squeeze3A_119 = vector.extract %slice3A_118[0] : i32 from vector<1xi32>
    %swap3A_120 = arith.constant 23 : i32
    %swap3A_121 = arith.index_cast %swap3A_120 : i32 to index
    %swap3A_122 = memref.load %arg15[%swap3A_121] : memref<40xi32, #tpu.memory_space<smem>>
    memref.store %squeeze3A_119, %arg15[%swap3A_121] : memref<40xi32, #tpu.memory_space<smem>>
    %slice3A_123 = vector.extract_strided_slice %get3A_3 {offsets = [8], sizes = [1], strides = [1]} : vector<16xi32> to vector<1xi32>
    %squeeze3A_124 = vector.extract %slice3A_123[0] : i32 from vector<1xi32>
    %swap3A_125 = arith.constant 24 : i32
    %swap3A_126 = arith.index_cast %swap3A_125 : i32 to index
    %swap3A_127 = memref.load %arg15[%swap3A_126] : memref<40xi32, #tpu.memory_space<smem>>
    memref.store %squeeze3A_124, %arg15[%swap3A_126] : memref<40xi32, #tpu.memory_space<smem>>
    %slice3A_128 = vector.extract_strided_slice %get3A_3 {offsets = [9], sizes = [1], strides = [1]} : vector<16xi32> to vector<1xi32>
    %squeeze3A_129 = vector.extract %slice3A_128[0] : i32 from vector<1xi32>
    %swap3A_130 = arith.constant 25 : i32
    %swap3A_131 = arith.index_cast %swap3A_130 : i32 to index
    %swap3A_132 = memref.load %arg15[%swap3A_131] : memref<40xi32, #tpu.memory_space<smem>>
    memref.store %squeeze3A_129, %arg15[%swap3A_131] : memref<40xi32, #tpu.memory_space<smem>>
    %slice3A_133 = vector.extract_strided_slice %get3A_3 {offsets = [10], sizes = [1], strides = [1]} : vector<16xi32> to vector<1xi32>
    %squeeze3A_134 = vector.extract %slice3A_133[0] : i32 from vector<1xi32>
    %swap3A_135 = arith.constant 26 : i32
    %swap3A_136 = arith.index_cast %swap3A_135 : i32 to index
    %swap3A_137 = memref.load %arg15[%swap3A_136] : memref<40xi32, #tpu.memory_space<smem>>
    memref.store %squeeze3A_134, %arg15[%swap3A_136] : memref<40xi32, #tpu.memory_space<smem>>
    %slice3A_138 = vector.extract_strided_slice %get3A_3 {offsets = [11], sizes = [1], strides = [1]} : vector<16xi32> to vector<1xi32>
    %squeeze3A_139 = vector.extract %slice3A_138[0] : i32 from vector<1xi32>
    %swap3A_140 = arith.constant 27 : i32
    %swap3A_141 = arith.index_cast %swap3A_140 : i32 to index
    %swap3A_142 = memref.load %arg15[%swap3A_141] : memref<40xi32, #tpu.memory_space<smem>>
    memref.store %squeeze3A_139, %arg15[%swap3A_141] : memref<40xi32, #tpu.memory_space<smem>>
    %slice3A_143 = vector.extract_strided_slice %get3A_3 {offsets = [12], sizes = [1], strides = [1]} : vector<16xi32> to vector<1xi32>
    %squeeze3A_144 = vector.extract %slice3A_143[0] : i32 from vector<1xi32>
    %swap3A_145 = arith.constant 28 : i32
    %swap3A_146 = arith.index_cast %swap3A_145 : i32 to index
    %swap3A_147 = memref.load %arg15[%swap3A_146] : memref<40xi32, #tpu.memory_space<smem>>
    memref.store %squeeze3A_144, %arg15[%swap3A_146] : memref<40xi32, #tpu.memory_space<smem>>
    %slice3A_148 = vector.extract_strided_slice %get3A_3 {offsets = [13], sizes = [1], strides = [1]} : vector<16xi32> to vector<1xi32>
    %squeeze3A_149 = vector.extract %slice3A_148[0] : i32 from vector<1xi32>
    %swap3A_150 = arith.constant 29 : i32
    %swap3A_151 = arith.index_cast %swap3A_150 : i32 to index
    %swap3A_152 = memref.load %arg15[%swap3A_151] : memref<40xi32, #tpu.memory_space<smem>>
    memref.store %squeeze3A_149, %arg15[%swap3A_151] : memref<40xi32, #tpu.memory_space<smem>>
    %slice3A_153 = vector.extract_strided_slice %get3A_3 {offsets = [14], sizes = [1], strides = [1]} : vector<16xi32> to vector<1xi32>
    %squeeze3A_154 = vector.extract %slice3A_153[0] : i32 from vector<1xi32>
    %swap3A_155 = arith.constant 30 : i32
    %swap3A_156 = arith.index_cast %swap3A_155 : i32 to index
    %swap3A_157 = memref.load %arg15[%swap3A_156] : memref<40xi32, #tpu.memory_space<smem>>
    memref.store %squeeze3A_154, %arg15[%swap3A_156] : memref<40xi32, #tpu.memory_space<smem>>
    %slice3A_158 = vector.extract_strided_slice %get3A_3 {offsets = [15], sizes = [1], strides = [1]} : vector<16xi32> to vector<1xi32>
    %squeeze3A_159 = vector.extract %slice3A_158[0] : i32 from vector<1xi32>
    %swap3A_160 = arith.constant 31 : i32
    %swap3A_161 = arith.index_cast %swap3A_160 : i32 to index
    %swap3A_162 = memref.load %arg15[%swap3A_161] : memref<40xi32, #tpu.memory_space<smem>>
    memref.store %squeeze3A_159, %arg15[%swap3A_161] : memref<40xi32, #tpu.memory_space<smem>>
    %slice3A_163 = vector.extract_strided_slice %get3A_5 {offsets = [0], sizes = [1], strides = [1]} : vector<16xi32> to vector<1xi32>
    %squeeze3A_164 = vector.extract %slice3A_163[0] : i32 from vector<1xi32>
    %swap3A_165 = arith.constant 32 : i32
    %swap3A_166 = arith.index_cast %swap3A_165 : i32 to index
    %swap3A_167 = memref.load %arg15[%swap3A_166] : memref<40xi32, #tpu.memory_space<smem>>
    memref.store %squeeze3A_164, %arg15[%swap3A_166] : memref<40xi32, #tpu.memory_space<smem>>
    %get3A_168 = arith.constant 0 : index
    %get3A_169 = tpu.vector_load %arg14[%get3A_168] {strides = array<i32>} : memref<32xf32, #tpu.memory_space<vmem>>, vector<16xf32>,
    %get3A_170 = arith.constant 16 : index
    %get3A_171 = tpu.vector_load %arg14[%get3A_170] {strides = array<i32>} : memref<32xf32, #tpu.memory_space<vmem>>, vector<16xf32>,
    %slice3A_172 = vector.extract_strided_slice %get3A_169 {offsets = [0], sizes = [1], strides = [1]} : vector<16xf32> to vector<1xf32>
    %squeeze3A_173 = vector.extract %slice3A_172[0] : f32 from vector<1xf32>
    %swap3A_174 = arith.constant 0 : i32
    %swap3A_175 = arith.index_cast %swap3A_174 : i32 to index
    %swap3A_176 = memref.load %arg16[%swap3A_175] : memref<32xf32, #tpu.memory_space<smem>>
    memref.store %squeeze3A_173, %arg16[%swap3A_175] : memref<32xf32, #tpu.memory_space<smem>>
    %slice3A_177 = vector.extract_strided_slice %get3A_169 {offsets = [1], sizes = [1], strides = [1]} : vector<16xf32> to vector<1xf32>
    %squeeze3A_178 = vector.extract %slice3A_177[0] : f32 from vector<1xf32>
    %swap3A_179 = arith.constant 1 : i32
    %swap3A_180 = arith.index_cast %swap3A_179 : i32 to index
    %swap3A_181 = memref.load %arg16[%swap3A_180] : memref<32xf32, #tpu.memory_space<smem>>
    memref.store %squeeze3A_178, %arg16[%swap3A_180] : memref<32xf32, #tpu.memory_space<smem>>
    %slice3A_182 = vector.extract_strided_slice %get3A_169 {offsets = [2], sizes = [1], strides = [1]} : vector<16xf32> to vector<1xf32>
    %squeeze3A_183 = vector.extract %slice3A_182[0] : f32 from vector<1xf32>
    %swap3A_184 = arith.constant 2 : i32
    %swap3A_185 = arith.index_cast %swap3A_184 : i32 to index
    %swap3A_186 = memref.load %arg16[%swap3A_185] : memref<32xf32, #tpu.memory_space<smem>>
    memref.store %squeeze3A_183, %arg16[%swap3A_185] : memref<32xf32, #tpu.memory_space<smem>>
    %slice3A_187 = vector.extract_strided_slice %get3A_169 {offsets = [3], sizes = [1], strides = [1]} : vector<16xf32> to vector<1xf32>
    %squeeze3A_188 = vector.extract %slice3A_187[0] : f32 from vector<1xf32>
    %swap3A_189 = arith.constant 3 : i32
    %swap3A_190 = arith.index_cast %swap3A_189 : i32 to index
    %swap3A_191 = memref.load %arg16[%swap3A_190] : memref<32xf32, #tpu.memory_space<smem>>
    memref.store %squeeze3A_188, %arg16[%swap3A_190] : memref<32xf32, #tpu.memory_space<smem>>
    %slice3A_192 = vector.extract_strided_slice %get3A_169 {offsets = [4], sizes = [1], strides = [1]} : vector<16xf32> to vector<1xf32>
    %squeeze3A_193 = vector.extract %slice3A_192[0] : f32 from vector<1xf32>
    %swap3A_194 = arith.constant 4 : i32
    %swap3A_195 = arith.index_cast %swap3A_194 : i32 to index
    %swap3A_196 = memref.load %arg16[%swap3A_195] : memref<32xf32, #tpu.memory_space<smem>>
    memref.store %squeeze3A_193, %arg16[%swap3A_195] : memref<32xf32, #tpu.memory_space<smem>>
    %slice3A_197 = vector.extract_strided_slice %get3A_169 {offsets = [5], sizes = [1], strides = [1]} : vector<16xf32> to vector<1xf32>
    %squeeze3A_198 = vector.extract %slice3A_197[0] : f32 from vector<1xf32>
    %swap3A_199 = arith.constant 5 : i32
    %swap3A_200 = arith.index_cast %swap3A_199 : i32 to index
    %swap3A_201 = memref.load %arg16[%swap3A_200] : memref<32xf32, #tpu.memory_space<smem>>
    memref.store %squeeze3A_198, %arg16[%swap3A_200] : memref<32xf32, #tpu.memory_space<smem>>
    %slice3A_202 = vector.extract_strided_slice %get3A_169 {offsets = [6], sizes = [1], strides = [1]} : vector<16xf32> to vector<1xf32>
    %squeeze3A_203 = vector.extract %slice3A_202[0] : f32 from vector<1xf32>
    %swap3A_204 = arith.constant 6 : i32
    %swap3A_205 = arith.index_cast %swap3A_204 : i32 to index
    %swap3A_206 = memref.load %arg16[%swap3A_205] : memref<32xf32, #tpu.memory_space<smem>>
    memref.store %squeeze3A_203, %arg16[%swap3A_205] : memref<32xf32, #tpu.memory_space<smem>>
    %slice3A_207 = vector.extract_strided_slice %get3A_169 {offsets = [7], sizes = [1], strides = [1]} : vector<16xf32> to vector<1xf32>
    %squeeze3A_208 = vector.extract %slice3A_207[0] : f32 from vector<1xf32>
    %swap3A_209 = arith.constant 7 : i32
    %swap3A_210 = arith.index_cast %swap3A_209 : i32 to index
    %swap3A_211 = memref.load %arg16[%swap3A_210] : memref<32xf32, #tpu.memory_space<smem>>
    memref.store %squeeze3A_208, %arg16[%swap3A_210] : memref<32xf32, #tpu.memory_space<smem>>
    %slice3A_212 = vector.extract_strided_slice %get3A_169 {offsets = [8], sizes = [1], strides = [1]} : vector<16xf32> to vector<1xf32>
    %squeeze3A_213 = vector.extract %slice3A_212[0] : f32 from vector<1xf32>
    %swap3A_214 = arith.constant 8 : i32
    %swap3A_215 = arith.index_cast %swap3A_214 : i32 to index
    %swap3A_216 = memref.load %arg16[%swap3A_215] : memref<32xf32, #tpu.memory_space<smem>>
    memref.store %squeeze3A_213, %arg16[%swap3A_215] : memref<32xf32, #tpu.memory_space<smem>>
    %slice3A_217 = vector.extract_strided_slice %get3A_169 {offsets = [9], sizes = [1], strides = [1]} : vector<16xf32> to vector<1xf32>
    %squeeze3A_218 = vector.extract %slice3A_217[0] : f32 from vector<1xf32>
    %swap3A_219 = arith.constant 9 : i32
    %swap3A_220 = arith.index_cast %swap3A_219 : i32 to index
    %swap3A_221 = memref.load %arg16[%swap3A_220] : memref<32xf32, #tpu.memory_space<smem>>
    memref.store %squeeze3A_218, %arg16[%swap3A_220] : memref<32xf32, #tpu.memory_space<smem>>
    %slice3A_222 = vector.extract_strided_slice %get3A_169 {offsets = [10], sizes = [1], strides = [1]} : vector<16xf32> to vector<1xf32>
    %squeeze3A_223 = vector.extract %slice3A_222[0] : f32 from vector<1xf32>
    %swap3A_224 = arith.constant 10 : i32
    %swap3A_225 = arith.index_cast %swap3A_224 : i32 to index
    %swap3A_226 = memref.load %arg16[%swap3A_225] : memref<32xf32, #tpu.memory_space<smem>>
    memref.store %squeeze3A_223, %arg16[%swap3A_225] : memref<32xf32, #tpu.memory_space<smem>>
    %slice3A_227 = vector.extract_strided_slice %get3A_169 {offsets = [11], sizes = [1], strides = [1]} : vector<16xf32> to vector<1xf32>
    %squeeze3A_228 = vector.extract %slice3A_227[0] : f32 from vector<1xf32>
    %swap3A_229 = arith.constant 11 : i32
    %swap3A_230 = arith.index_cast %swap3A_229 : i32 to index
    %swap3A_231 = memref.load %arg16[%swap3A_230] : memref<32xf32, #tpu.memory_space<smem>>
    memref.store %squeeze3A_228, %arg16[%swap3A_230] : memref<32xf32, #tpu.memory_space<smem>>
    %slice3A_232 = vector.extract_strided_slice %get3A_169 {offsets = [12], sizes = [1], strides = [1]} : vector<16xf32> to vector<1xf32>
    %squeeze3A_233 = vector.extract %slice3A_232[0] : f32 from vector<1xf32>
    %swap3A_234 = arith.constant 12 : i32
    %swap3A_235 = arith.index_cast %swap3A_234 : i32 to index
    %swap3A_236 = memref.load %arg16[%swap3A_235] : memref<32xf32, #tpu.memory_space<smem>>
    memref.store %squeeze3A_233, %arg16[%swap3A_235] : memref<32xf32, #tpu.memory_space<smem>>
    %slice3A_237 = vector.extract_strided_slice %get3A_169 {offsets = [13], sizes = [1], strides = [1]} : vector<16xf32> to vector<1xf32>
    %squeeze3A_238 = vector.extract %slice3A_237[0] : f32 from vector<1xf32>
    %swap3A_239 = arith.constant 13 : i32
    %swap3A_240 = arith.index_cast %swap3A_239 : i32 to index
    %swap3A_241 = memref.load %arg16[%swap3A_240] : memref<32xf32, #tpu.memory_space<smem>>
    memref.store %squeeze3A_238, %arg16[%swap3A_240] : memref<32xf32, #tpu.memory_space<smem>>
    %slice3A_242 = vector.extract_strided_slice %get3A_169 {offsets = [14], sizes = [1], strides = [1]} : vector<16xf32> to vector<1xf32>
    %squeeze3A_243 = vector.extract %slice3A_242[0] : f32 from vector<1xf32>
    %swap3A_244 = arith.constant 14 : i32
    %swap3A_245 = arith.index_cast %swap3A_244 : i32 to index
    %swap3A_246 = memref.load %arg16[%swap3A_245] : memref<32xf32, #tpu.memory_space<smem>>
    memref.store %squeeze3A_243, %arg16[%swap3A_245] : memref<32xf32, #tpu.memory_space<smem>>
    %slice3A_247 = vector.extract_strided_slice %get3A_169 {offsets = [15], sizes = [1], strides = [1]} : vector<16xf32> to vector<1xf32>
    %squeeze3A_248 = vector.extract %slice3A_247[0] : f32 from vector<1xf32>
    %swap3A_249 = arith.constant 15 : i32
    %swap3A_250 = arith.index_cast %swap3A_249 : i32 to index
    %swap3A_251 = memref.load %arg16[%swap3A_250] : memref<32xf32, #tpu.memory_space<smem>>
    memref.store %squeeze3A_248, %arg16[%swap3A_250] : memref<32xf32, #tpu.memory_space<smem>>
    %slice3A_252 = vector.extract_strided_slice %get3A_171 {offsets = [0], sizes = [1], strides = [1]} : vector<16xf32> to vector<1xf32>
    %squeeze3A_253 = vector.extract %slice3A_252[0] : f32 from vector<1xf32>
    %swap3A_254 = arith.constant 16 : i32
    %swap3A_255 = arith.index_cast %swap3A_254 : i32 to index
    %swap3A_256 = memref.load %arg16[%swap3A_255] : memref<32xf32, #tpu.memory_space<smem>>
    memref.store %squeeze3A_253, %arg16[%swap3A_255] : memref<32xf32, #tpu.memory_space<smem>>
    %slice3A_257 = vector.extract_strided_slice %get3A_171 {offsets = [1], sizes = [1], strides = [1]} : vector<16xf32> to vector<1xf32>
    %squeeze3A_258 = vector.extract %slice3A_257[0] : f32 from vector<1xf32>
    %swap3A_259 = arith.constant 17 : i32
    %swap3A_260 = arith.index_cast %swap3A_259 : i32 to index
    %swap3A_261 = memref.load %arg16[%swap3A_260] : memref<32xf32, #tpu.memory_space<smem>>
    memref.store %squeeze3A_258, %arg16[%swap3A_260] : memref<32xf32, #tpu.memory_space<smem>>
    %slice3A_262 = vector.extract_strided_slice %get3A_171 {offsets = [2], sizes = [1], strides = [1]} : vector<16xf32> to vector<1xf32>
    %squeeze3A_263 = vector.extract %slice3A_262[0] : f32 from vector<1xf32>
    %swap3A_264 = arith.constant 18 : i32
    %swap3A_265 = arith.index_cast %swap3A_264 : i32 to index
    %swap3A_266 = memref.load %arg16[%swap3A_265] : memref<32xf32, #tpu.memory_space<smem>>
    memref.store %squeeze3A_263, %arg16[%swap3A_265] : memref<32xf32, #tpu.memory_space<smem>>
    %slice3A_267 = vector.extract_strided_slice %get3A_171 {offsets = [3], sizes = [1], strides = [1]} : vector<16xf32> to vector<1xf32>
    %squeeze3A_268 = vector.extract %slice3A_267[0] : f32 from vector<1xf32>
    %swap3A_269 = arith.constant 19 : i32
    %swap3A_270 = arith.index_cast %swap3A_269 : i32 to index
    %swap3A_271 = memref.load %arg16[%swap3A_270] : memref<32xf32, #tpu.memory_space<smem>>
    memref.store %squeeze3A_268, %arg16[%swap3A_270] : memref<32xf32, #tpu.memory_space<smem>>
    %slice3A_272 = vector.extract_strided_slice %get3A_171 {offsets = [4], sizes = [1], strides = [1]} : vector<16xf32> to vector<1xf32>
    %squeeze3A_273 = vector.extract %slice3A_272[0] : f32 from vector<1xf32>
    %swap3A_274 = arith.constant 20 : i32
    %swap3A_275 = arith.index_cast %swap3A_274 : i32 to index
    %swap3A_276 = memref.load %arg16[%swap3A_275] : memref<32xf32, #tpu.memory_space<smem>>
    memref.store %squeeze3A_273, %arg16[%swap3A_275] : memref<32xf32, #tpu.memory_space<smem>>
    %slice3A_277 = vector.extract_strided_slice %get3A_171 {offsets = [5], sizes = [1], strides = [1]} : vector<16xf32> to vector<1xf32>
    %squeeze3A_278 = vector.extract %slice3A_277[0] : f32 from vector<1xf32>
    %swap3A_279 = arith.constant 21 : i32
    %swap3A_280 = arith.index_cast %swap3A_279 : i32 to index
    %swap3A_281 = memref.load %arg16[%swap3A_280] : memref<32xf32, #tpu.memory_space<smem>>
    memref.store %squeeze3A_278, %arg16[%swap3A_280] : memref<32xf32, #tpu.memory_space<smem>>
    %slice3A_282 = vector.extract_strided_slice %get3A_171 {offsets = [6], sizes = [1], strides = [1]} : vector<16xf32> to vector<1xf32>
    %squeeze3A_283 = vector.extract %slice3A_282[0] : f32 from vector<1xf32>
    %swap3A_284 = arith.constant 22 : i32
    %swap3A_285 = arith.index_cast %swap3A_284 : i32 to index
    %swap3A_286 = memref.load %arg16[%swap3A_285] : memref<32xf32, #tpu.memory_space<smem>>
    memref.store %squeeze3A_283, %arg16[%swap3A_285] : memref<32xf32, #tpu.memory_space<smem>>
    %slice3A_287 = vector.extract_strided_slice %get3A_171 {offsets = [7], sizes = [1], strides = [1]} : vector<16xf32> to vector<1xf32>
    %squeeze3A_288 = vector.extract %slice3A_287[0] : f32 from vector<1xf32>
    %swap3A_289 = arith.constant 23 : i32
    %swap3A_290 = arith.index_cast %swap3A_289 : i32 to index
    %swap3A_291 = memref.load %arg16[%swap3A_290] : memref<32xf32, #tpu.memory_space<smem>>
    memref.store %squeeze3A_288, %arg16[%swap3A_290] : memref<32xf32, #tpu.memory_space<smem>>
    %slice3A_292 = vector.extract_strided_slice %get3A_171 {offsets = [8], sizes = [1], strides = [1]} : vector<16xf32> to vector<1xf32>
    %squeeze3A_293 = vector.extract %slice3A_292[0] : f32 from vector<1xf32>
    %swap3A_294 = arith.constant 24 : i32
    %swap3A_295 = arith.index_cast %swap3A_294 : i32 to index
    %swap3A_296 = memref.load %arg16[%swap3A_295] : memref<32xf32, #tpu.memory_space<smem>>
    memref.store %squeeze3A_293, %arg16[%swap3A_295] : memref<32xf32, #tpu.memory_space<smem>>
    %slice3A_297 = vector.extract_strided_slice %get3A_171 {offsets = [9], sizes = [1], strides = [1]} : vector<16xf32> to vector<1xf32>
    %squeeze3A_298 = vector.extract %slice3A_297[0] : f32 from vector<1xf32>
    %swap3A_299 = arith.constant 25 : i32
    %swap3A_300 = arith.index_cast %swap3A_299 : i32 to index
    %swap3A_301 = memref.load %arg16[%swap3A_300] : memref<32xf32, #tpu.memory_space<smem>>
    memref.store %squeeze3A_298, %arg16[%swap3A_300] : memref<32xf32, #tpu.memory_space<smem>>
    %slice3A_302 = vector.extract_strided_slice %get3A_171 {offsets = [10], sizes = [1], strides = [1]} : vector<16xf32> to vector<1xf32>
    %squeeze3A_303 = vector.extract %slice3A_302[0] : f32 from vector<1xf32>
    %swap3A_304 = arith.constant 26 : i32
    %swap3A_305 = arith.index_cast %swap3A_304 : i32 to index
    %swap3A_306 = memref.load %arg16[%swap3A_305] : memref<32xf32, #tpu.memory_space<smem>>
    memref.store %squeeze3A_303, %arg16[%swap3A_305] : memref<32xf32, #tpu.memory_space<smem>>
    %slice3A_307 = vector.extract_strided_slice %get3A_171 {offsets = [11], sizes = [1], strides = [1]} : vector<16xf32> to vector<1xf32>
    %squeeze3A_308 = vector.extract %slice3A_307[0] : f32 from vector<1xf32>
    %swap3A_309 = arith.constant 27 : i32
    %swap3A_310 = arith.index_cast %swap3A_309 : i32 to index
    %swap3A_311 = memref.load %arg16[%swap3A_310] : memref<32xf32, #tpu.memory_space<smem>>
    memref.store %squeeze3A_308, %arg16[%swap3A_310] : memref<32xf32, #tpu.memory_space<smem>>
    %slice3A_312 = vector.extract_strided_slice %get3A_171 {offsets = [12], sizes = [1], strides = [1]} : vector<16xf32> to vector<1xf32>
    %squeeze3A_313 = vector.extract %slice3A_312[0] : f32 from vector<1xf32>
    %swap3A_314 = arith.constant 28 : i32
    %swap3A_315 = arith.index_cast %swap3A_314 : i32 to index
    %swap3A_316 = memref.load %arg16[%swap3A_315] : memref<32xf32, #tpu.memory_space<smem>>
    memref.store %squeeze3A_313, %arg16[%swap3A_315] : memref<32xf32, #tpu.memory_space<smem>>
    %slice3A_317 = vector.extract_strided_slice %get3A_171 {offsets = [13], sizes = [1], strides = [1]} : vector<16xf32> to vector<1xf32>
    %squeeze3A_318 = vector.extract %slice3A_317[0] : f32 from vector<1xf32>
    %swap3A_319 = arith.constant 29 : i32
    %swap3A_320 = arith.index_cast %swap3A_319 : i32 to index
    %swap3A_321 = memref.load %arg16[%swap3A_320] : memref<32xf32, #tpu.memory_space<smem>>
    memref.store %squeeze3A_318, %arg16[%swap3A_320] : memref<32xf32, #tpu.memory_space<smem>>
    %slice3A_322 = vector.extract_strided_slice %get3A_171 {offsets = [14], sizes = [1], strides = [1]} : vector<16xf32> to vector<1xf32>
    %squeeze3A_323 = vector.extract %slice3A_322[0] : f32 from vector<1xf32>
    %swap3A_324 = arith.constant 30 : i32
    %swap3A_325 = arith.index_cast %swap3A_324 : i32 to index
    %swap3A_326 = memref.load %arg16[%swap3A_325] : memref<32xf32, #tpu.memory_space<smem>>
    memref.store %squeeze3A_323, %arg16[%swap3A_325] : memref<32xf32, #tpu.memory_space<smem>>
    %slice3A_327 = vector.extract_strided_slice %get3A_171 {offsets = [15], sizes = [1], strides = [1]} : vector<16xf32> to vector<1xf32>
    %squeeze3A_328 = vector.extract %slice3A_327[0] : f32 from vector<1xf32>
    %swap3A_329 = arith.constant 31 : i32
    %swap3A_330 = arith.index_cast %swap3A_329 : i32 to index
    %swap3A_331 = memref.load %arg16[%swap3A_330] : memref<32xf32, #tpu.memory_space<smem>>
    memref.store %squeeze3A_328, %arg16[%swap3A_330] : memref<32xf32, #tpu.memory_space<smem>>
    %broadcast_in_dim3A = arith.constant 0.000000e+00 : f32
    %broadcast_in_dim3A_332 = vector.broadcast %broadcast_in_dim3A : f32 to vector<16xf32>
    %parallel_loop3A = arith.constant 0 : i32
    %parallel_loop3A_333 = arith.constant 1156 : i32
    %parallel_loop3A_334 = arith.constant 1 : i32
    scf.for %parallel_loop3A_342 = %parallel_loop3A to %parallel_loop3A_333 step %parallel_loop3A_334  : i32 {
      %parallel_loop3A_343 = arith.constant 16 : i32
      %parallel_loop3A_344 = arith.muli %parallel_loop3A_342, %parallel_loop3A_343 : i32
      %parallel_loop3A_345 = arith.index_cast %parallel_loop3A_344 : i32 to index
      %parallel_loop3A_346 = tpu.vector_load %arg9[%parallel_loop3A_345] {strides = array<i32>} : memref<18496xf32, #tpu.memory_space<vmem>>, vector<16xf32>,
      tpu.vector_store %arg9[%parallel_loop3A_345], %broadcast_in_dim3A_332 {strides = array<i32>} : memref<18496xf32, #tpu.memory_space<vmem>>, vector<16xf32>,
    } {sc.loop_unroll_factor = 8 : i64, sc.parallel_access}
    %parallel_loop3A_335 = arith.constant 0 : i32
    %parallel_loop3A_336 = arith.constant 512 : i32
    %parallel_loop3A_337 = arith.constant 1 : i32
    scf.for %parallel_loop3A_342 = %parallel_loop3A_335 to %parallel_loop3A_336 step %parallel_loop3A_337  : i32 {
      %parallel_loop3A_343 = arith.constant 5 : i32
      %parallel_loop3A_344 = arith.shrsi %parallel_loop3A_342, %parallel_loop3A_343 : i32
      %parallel_loop3A_345 = arith.constant 31 : i32
      %parallel_loop3A_346 = arith.andi %parallel_loop3A_342, %parallel_loop3A_345 : i32
      %parallel_loop3A_347 = arith.constant 1156 : i32
      %parallel_loop3A_348 = arith.muli %parallel_loop3A_344, %parallel_loop3A_347 : i32
      %parallel_loop3A_349 = arith.constant 1 : i32
      %parallel_loop3A_350 = arith.addi %parallel_loop3A_346, %parallel_loop3A_349 : i32
      %parallel_loop3A_351 = arith.constant 34 : i32
      %parallel_loop3A_352 = arith.muli %parallel_loop3A_350, %parallel_loop3A_351 : i32
      %parallel_loop3A_353 = arith.addi %parallel_loop3A_348, %parallel_loop3A_352 : i32
      %parallel_loop3A_354 = arith.constant 1 : i32
      %parallel_loop3A_355 = arith.addi %parallel_loop3A_353, %parallel_loop3A_354 : i32
      %parallel_loop3A_356 = arith.index_cast %parallel_loop3A_344 : i32 to index
      %parallel_loop3A_357 = arith.index_cast %parallel_loop3A_346 : i32 to index
      %parallel_loop3A_358 = arith.constant 0 : index
      %parallel_loop3A_359 = tpu.vector_load %arg8[%parallel_loop3A_356, %parallel_loop3A_357, %parallel_loop3A_358] {strides = array<i32>} : memref<16x32x32xf32, #tpu.memory_space<vmem>>, vector<16xf32>,
      %parallel_loop3A_360 = arith.index_cast %parallel_loop3A_355 : i32 to index
      %parallel_loop3A_361 = tpu.vector_load %arg9[%parallel_loop3A_360] {strides = array<i32>} : memref<18496xf32, #tpu.memory_space<vmem>>, vector<16xf32>,
      tpu.vector_store %arg9[%parallel_loop3A_360], %parallel_loop3A_359 {strides = array<i32>} : memref<18496xf32, #tpu.memory_space<vmem>>, vector<16xf32>,
      %parallel_loop3A_362 = arith.index_cast %parallel_loop3A_344 : i32 to index
      %parallel_loop3A_363 = arith.index_cast %parallel_loop3A_346 : i32 to index
      %parallel_loop3A_364 = arith.constant 16 : index
      %parallel_loop3A_365 = tpu.vector_load %arg8[%parallel_loop3A_362, %parallel_loop3A_363, %parallel_loop3A_364] {strides = array<i32>} : memref<16x32x32xf32, #tpu.memory_space<vmem>>, vector<16xf32>,
      %parallel_loop3A_366 = arith.constant 16 : i32
      %parallel_loop3A_367 = arith.addi %parallel_loop3A_355, %parallel_loop3A_366 : i32
      %parallel_loop3A_368 = arith.index_cast %parallel_loop3A_367 : i32 to index
      %parallel_loop3A_369 = tpu.vector_load %arg9[%parallel_loop3A_368] {strides = array<i32>} : memref<18496xf32, #tpu.memory_space<vmem>>, vector<16xf32>,
      tpu.vector_store %arg9[%parallel_loop3A_368], %parallel_loop3A_365 {strides = array<i32>} : memref<18496xf32, #tpu.memory_space<vmem>>, vector<16xf32>,
    } {sc.loop_unroll_factor = 4 : i64, sc.parallel_access}
    %iota3A = tpu.iota {dimensions = array<i32: 0>} : vector<16xi32>
    %scan3A = arith.constant 0 : i32
    %scan3A_338 = arith.constant 32 : i32
    %scan3A_339 = arith.addi %scan3A, %scan3A_338 : i32
    %scan3A_340 = arith.constant 1 : i32
    scf.for %scan3A_342 = %scan3A to %scan3A_339 step %scan3A_340  : i32 {
      %mul3A_343 = arith.constant 1 : i32
      %mul3A_344 = arith.muli %scan3A_342, %mul3A_343 : i32
      %add3A_345 = arith.constant 0 : i32
      %add3A_346 = arith.addi %add3A_345, %mul3A_344 : i32
      %get3A_347 = arith.index_cast %add3A_346 : i32 to index
      %get3A_348 = memref.load %arg15[%get3A_347] : memref<40xi32, #tpu.memory_space<smem>>
      %add3A_349 = arith.constant 1 : i32
      %add3A_350 = arith.addi %add3A_346, %add3A_349 : i32
      %get3A_351 = arith.index_cast %add3A_350 : i32 to index
      %get3A_352 = memref.load %arg15[%get3A_351] : memref<40xi32, #tpu.memory_space<smem>>
      %get3A_353 = arith.index_cast %add3A_346 : i32 to index
      %get3A_354 = memref.load %arg16[%get3A_353] : memref<32xf32, #tpu.memory_space<smem>>
      %broadcast_in_dim3A_355 = vector.broadcast %get3A_354 : f32 to vector<16xf32>
      %add3A_356 = arith.constant 0 : i32
      %add3A_357 = vector.broadcast %add3A_356 : i32 to vector<16xi32>
      %add3A_358 = arith.addi %iota3A, %add3A_357 : vector<16xi32>
      %sub3A = arith.subi %get3A_352, %get3A_348 : i32
      %sub3A_359 = arith.constant 1 : i32
      %sub3A_360 = arith.constant 1 : i32
      %sub3A_361 = arith.subi %sub3A_359, %sub3A_360 : i32
      %add3A_362 = arith.addi %sub3A, %sub3A_361 : i32
      %div3A = arith.constant 1 : i32
      %div3A_363 = arith.divsi %add3A_362, %div3A : i32
      %while3A = arith.constant 1 : i32
      %while3A_364 = arith.constant 0 : i32
      %while3A_365 = arith.subi %div3A_363, %while3A_364 : i32
      %while3A_366 = arith.addi %while3A_364, %while3A_365 : i32
      %while3A_367 = arith.constant 1 : i32
      %while3A_368 = arith.divsi %while3A_365, %while3A_367 : i32
      %while3A_369 = arith.muli %while3A_368, %while3A_367 : i32
      %while3A_370 = arith.addi %while3A_364, %while3A_369 : i32
      %while3A_371 = arith.constant 1 : i32
      %while3A_372:16 = scf.for %while3A_953 = %while3A_364 to %while3A_370 step %while3A_371 iter_args(%while3A_954 = %broadcast_in_dim3A_355, %while3A_955 = %broadcast_in_dim3A_355, %while3A_956 = %broadcast_in_dim3A_355, %while3A_957 = %broadcast_in_dim3A_355, %while3A_958 = %broadcast_in_dim3A_355, %while3A_959 = %broadcast_in_dim3A_355, %while3A_960 = %broadcast_in_dim3A_355, %while3A_961 = %broadcast_in_dim3A_355, %while3A_962 = %broadcast_in_dim3A_355, %while3A_963 = %broadcast_in_dim3A_355, %while3A_964 = %broadcast_in_dim3A_355, %while3A_965 = %broadcast_in_dim3A_355, %while3A_966 = %broadcast_in_dim3A_355, %while3A_967 = %broadcast_in_dim3A_355, %while3A_968 = %broadcast_in_dim3A_355, %while3A_969 = %broadcast_in_dim3A_355) -> (vector<16xf32>, vector<16xf32>, vector<16xf32>, vector<16xf32>, vector<16xf32>, vector<16xf32>, vector<16xf32>, vector<16xf32>, vector<16xf32>, vector<16xf32>, vector<16xf32>, vector<16xf32>, vector<16xf32>, vector<16xf32>, vector<16xf32>, vector<16xf32>)  : i32 {
        %mul3A_970 = arith.muli %while3A_953, %while3A : i32
        %add3A_971 = arith.addi %get3A_348, %mul3A_970 : i32
        %get3A_972 = arith.index_cast %add3A_971 : i32 to index
        %get3A_973 = tpu.vector_load %arg11[%get3A_972] {strides = array<i32>} : memref<1516xi32, #tpu.memory_space<vmem>>, vector<16xi32>,
        %get3A_974 = arith.index_cast %add3A_971 : i32 to index
        %get3A_975 = tpu.vector_load %arg12[%get3A_974] {strides = array<i32>} : memref<1516xf32, #tpu.memory_space<vmem>>, vector<16xf32>,
        %slice3A_976 = vector.extract_strided_slice %get3A_973 {offsets = [0], sizes = [1], strides = [1]} : vector<16xi32> to vector<1xi32>
        %squeeze3A_977 = vector.extract %slice3A_976[0] : i32 from vector<1xi32>
        %add3A_978 = vector.broadcast %squeeze3A_977 : i32 to vector<16xi32>
        %add3A_979 = arith.addi %add3A_358, %add3A_978 : vector<16xi32>
        %slice3A_980 = vector.extract_strided_slice %get3A_975 {offsets = [0], sizes = [1], strides = [1]} : vector<16xf32> to vector<1xf32>
        %squeeze3A_981 = vector.extract %slice3A_980[0] : f32 from vector<1xf32>
        %gather3A = tpu.vector_load_idx %arg9[%add3A_979] : memref<18496xf32, #tpu.memory_space<vmem>>[vector<16xi32>], vector<16xf32>,
        %mul3A_982 = vector.broadcast %squeeze3A_981 : f32 to vector<16xf32>
        %mul3A_983 = arith.mulf %gather3A, %mul3A_982 : vector<16xf32>
        %add3A_984 = arith.addf %while3A_954, %mul3A_983 : vector<16xf32>
        %add3A_985 = arith.constant 16 : i32
        %add3A_986 = vector.broadcast %add3A_985 : i32 to vector<16xi32>
        %add3A_987 = arith.addi %add3A_979, %add3A_986 : vector<16xi32>
        %gather3A_988 = tpu.vector_load_idx %arg9[%add3A_987] : memref<18496xf32, #tpu.memory_space<vmem>>[vector<16xi32>], vector<16xf32>,
        %mul3A_989 = vector.broadcast %squeeze3A_981 : f32 to vector<16xf32>
        %mul3A_990 = arith.mulf %gather3A_988, %mul3A_989 : vector<16xf32>
        %add3A_991 = arith.addf %while3A_955, %mul3A_990 : vector<16xf32>
        %add3A_992 = arith.constant 18 : i32
        %add3A_993 = vector.broadcast %add3A_992 : i32 to vector<16xi32>
        %add3A_994 = arith.addi %add3A_987, %add3A_993 : vector<16xi32>
        %gather3A_995 = tpu.vector_load_idx %arg9[%add3A_994] : memref<18496xf32, #tpu.memory_space<vmem>>[vector<16xi32>], vector<16xf32>,
        %mul3A_996 = vector.broadcast %squeeze3A_981 : f32 to vector<16xf32>
        %mul3A_997 = arith.mulf %gather3A_995, %mul3A_996 : vector<16xf32>
        %add3A_998 = arith.addf %while3A_956, %mul3A_997 : vector<16xf32>
        %add3A_999 = arith.constant 16 : i32
        %add3A_1000 = vector.broadcast %add3A_999 : i32 to vector<16xi32>
        %add3A_1001 = arith.addi %add3A_994, %add3A_1000 : vector<16xi32>
        %gather3A_1002 = tpu.vector_load_idx %arg9[%add3A_1001] : memref<18496xf32, #tpu.memory_space<vmem>>[vector<16xi32>], vector<16xf32>,
        %mul3A_1003 = vector.broadcast %squeeze3A_981 : f32 to vector<16xf32>
        %mul3A_1004 = arith.mulf %gather3A_1002, %mul3A_1003 : vector<16xf32>
        %add3A_1005 = arith.addf %while3A_957, %mul3A_1004 : vector<16xf32>
        %add3A_1006 = arith.constant 18 : i32
        %add3A_1007 = vector.broadcast %add3A_1006 : i32 to vector<16xi32>
        %add3A_1008 = arith.addi %add3A_1001, %add3A_1007 : vector<16xi32>
        %gather3A_1009 = tpu.vector_load_idx %arg9[%add3A_1008] : memref<18496xf32, #tpu.memory_space<vmem>>[vector<16xi32>], vector<16xf32>,
        %mul3A_1010 = vector.broadcast %squeeze3A_981 : f32 to vector<16xf32>
        %mul3A_1011 = arith.mulf %gather3A_1009, %mul3A_1010 : vector<16xf32>
        %add3A_1012 = arith.addf %while3A_958, %mul3A_1011 : vector<16xf32>
        %add3A_1013 = arith.constant 16 : i32
        %add3A_1014 = vector.broadcast %add3A_1013 : i32 to vector<16xi32>
        %add3A_1015 = arith.addi %add3A_1008, %add3A_1014 : vector<16xi32>
        %gather3A_1016 = tpu.vector_load_idx %arg9[%add3A_1015] : memref<18496xf32, #tpu.memory_space<vmem>>[vector<16xi32>], vector<16xf32>,
        %mul3A_1017 = vector.broadcast %squeeze3A_981 : f32 to vector<16xf32>
        %mul3A_1018 = arith.mulf %gather3A_1016, %mul3A_1017 : vector<16xf32>
        %add3A_1019 = arith.addf %while3A_959, %mul3A_1018 : vector<16xf32>
        %add3A_1020 = arith.constant 18 : i32
        %add3A_1021 = vector.broadcast %add3A_1020 : i32 to vector<16xi32>
        %add3A_1022 = arith.addi %add3A_1015, %add3A_1021 : vector<16xi32>
        %gather3A_1023 = tpu.vector_load_idx %arg9[%add3A_1022] : memref<18496xf32, #tpu.memory_space<vmem>>[vector<16xi32>], vector<16xf32>,
        %mul3A_1024 = vector.broadcast %squeeze3A_981 : f32 to vector<16xf32>
        %mul3A_1025 = arith.mulf %gather3A_1023, %mul3A_1024 : vector<16xf32>
        %add3A_1026 = arith.addf %while3A_960, %mul3A_1025 : vector<16xf32>
        %add3A_1027 = arith.constant 16 : i32
        %add3A_1028 = vector.broadcast %add3A_1027 : i32 to vector<16xi32>
        %add3A_1029 = arith.addi %add3A_1022, %add3A_1028 : vector<16xi32>
        %gather3A_1030 = tpu.vector_load_idx %arg9[%add3A_1029] : memref<18496xf32, #tpu.memory_space<vmem>>[vector<16xi32>], vector<16xf32>,
        %mul3A_1031 = vector.broadcast %squeeze3A_981 : f32 to vector<16xf32>
        %mul3A_1032 = arith.mulf %gather3A_1030, %mul3A_1031 : vector<16xf32>
        %add3A_1033 = arith.addf %while3A_961, %mul3A_1032 : vector<16xf32>
        %add3A_1034 = arith.constant 18 : i32
        %add3A_1035 = vector.broadcast %add3A_1034 : i32 to vector<16xi32>
        %add3A_1036 = arith.addi %add3A_1029, %add3A_1035 : vector<16xi32>
        %gather3A_1037 = tpu.vector_load_idx %arg9[%add3A_1036] : memref<18496xf32, #tpu.memory_space<vmem>>[vector<16xi32>], vector<16xf32>,
        %mul3A_1038 = vector.broadcast %squeeze3A_981 : f32 to vector<16xf32>
        %mul3A_1039 = arith.mulf %gather3A_1037, %mul3A_1038 : vector<16xf32>
        %add3A_1040 = arith.addf %while3A_962, %mul3A_1039 : vector<16xf32>
        %add3A_1041 = arith.constant 16 : i32
        %add3A_1042 = vector.broadcast %add3A_1041 : i32 to vector<16xi32>
        %add3A_1043 = arith.addi %add3A_1036, %add3A_1042 : vector<16xi32>
        %gather3A_1044 = tpu.vector_load_idx %arg9[%add3A_1043] : memref<18496xf32, #tpu.memory_space<vmem>>[vector<16xi32>], vector<16xf32>,
        %mul3A_1045 = vector.broadcast %squeeze3A_981 : f32 to vector<16xf32>
        %mul3A_1046 = arith.mulf %gather3A_1044, %mul3A_1045 : vector<16xf32>
        %add3A_1047 = arith.addf %while3A_963, %mul3A_1046 : vector<16xf32>
        %add3A_1048 = arith.constant 18 : i32
        %add3A_1049 = vector.broadcast %add3A_1048 : i32 to vector<16xi32>
        %add3A_1050 = arith.addi %add3A_1043, %add3A_1049 : vector<16xi32>
        %gather3A_1051 = tpu.vector_load_idx %arg9[%add3A_1050] : memref<18496xf32, #tpu.memory_space<vmem>>[vector<16xi32>], vector<16xf32>,
        %mul3A_1052 = vector.broadcast %squeeze3A_981 : f32 to vector<16xf32>
        %mul3A_1053 = arith.mulf %gather3A_1051, %mul3A_1052 : vector<16xf32>
        %add3A_1054 = arith.addf %while3A_964, %mul3A_1053 : vector<16xf32>
        %add3A_1055 = arith.constant 16 : i32
        %add3A_1056 = vector.broadcast %add3A_1055 : i32 to vector<16xi32>
        %add3A_1057 = arith.addi %add3A_1050, %add3A_1056 : vector<16xi32>
        %gather3A_1058 = tpu.vector_load_idx %arg9[%add3A_1057] : memref<18496xf32, #tpu.memory_space<vmem>>[vector<16xi32>], vector<16xf32>,
        %mul3A_1059 = vector.broadcast %squeeze3A_981 : f32 to vector<16xf32>
        %mul3A_1060 = arith.mulf %gather3A_1058, %mul3A_1059 : vector<16xf32>
        %add3A_1061 = arith.addf %while3A_965, %mul3A_1060 : vector<16xf32>
        %add3A_1062 = arith.constant 18 : i32
        %add3A_1063 = vector.broadcast %add3A_1062 : i32 to vector<16xi32>
        %add3A_1064 = arith.addi %add3A_1057, %add3A_1063 : vector<16xi32>
        %gather3A_1065 = tpu.vector_load_idx %arg9[%add3A_1064] : memref<18496xf32, #tpu.memory_space<vmem>>[vector<16xi32>], vector<16xf32>,
        %mul3A_1066 = vector.broadcast %squeeze3A_981 : f32 to vector<16xf32>
        %mul3A_1067 = arith.mulf %gather3A_1065, %mul3A_1066 : vector<16xf32>
        %add3A_1068 = arith.addf %while3A_966, %mul3A_1067 : vector<16xf32>
        %add3A_1069 = arith.constant 16 : i32
        %add3A_1070 = vector.broadcast %add3A_1069 : i32 to vector<16xi32>
        %add3A_1071 = arith.addi %add3A_1064, %add3A_1070 : vector<16xi32>
        %gather3A_1072 = tpu.vector_load_idx %arg9[%add3A_1071] : memref<18496xf32, #tpu.memory_space<vmem>>[vector<16xi32>], vector<16xf32>,
        %mul3A_1073 = vector.broadcast %squeeze3A_981 : f32 to vector<16xf32>
        %mul3A_1074 = arith.mulf %gather3A_1072, %mul3A_1073 : vector<16xf32>
        %add3A_1075 = arith.addf %while3A_967, %mul3A_1074 : vector<16xf32>
        %add3A_1076 = arith.constant 18 : i32
        %add3A_1077 = vector.broadcast %add3A_1076 : i32 to vector<16xi32>
        %add3A_1078 = arith.addi %add3A_1071, %add3A_1077 : vector<16xi32>
        %gather3A_1079 = tpu.vector_load_idx %arg9[%add3A_1078] : memref<18496xf32, #tpu.memory_space<vmem>>[vector<16xi32>], vector<16xf32>,
        %mul3A_1080 = vector.broadcast %squeeze3A_981 : f32 to vector<16xf32>
        %mul3A_1081 = arith.mulf %gather3A_1079, %mul3A_1080 : vector<16xf32>
        %add3A_1082 = arith.addf %while3A_968, %mul3A_1081 : vector<16xf32>
        %add3A_1083 = arith.constant 16 : i32
        %add3A_1084 = vector.broadcast %add3A_1083 : i32 to vector<16xi32>
        %add3A_1085 = arith.addi %add3A_1078, %add3A_1084 : vector<16xi32>
        %gather3A_1086 = tpu.vector_load_idx %arg9[%add3A_1085] : memref<18496xf32, #tpu.memory_space<vmem>>[vector<16xi32>], vector<16xf32>,
        %mul3A_1087 = vector.broadcast %squeeze3A_981 : f32 to vector<16xf32>
        %mul3A_1088 = arith.mulf %gather3A_1086, %mul3A_1087 : vector<16xf32>
        %add3A_1089 = arith.addf %while3A_969, %mul3A_1088 : vector<16xf32>
        scf.yield %add3A_984, %add3A_991, %add3A_998, %add3A_1005, %add3A_1012, %add3A_1019, %add3A_1026, %add3A_1033, %add3A_1040, %add3A_1047, %add3A_1054, %add3A_1061, %add3A_1068, %add3A_1075, %add3A_1082, %add3A_1089 : vector<16xf32>, vector<16xf32>, vector<16xf32>, vector<16xf32>, vector<16xf32>, vector<16xf32>, vector<16xf32>, vector<16xf32>, vector<16xf32>, vector<16xf32>, vector<16xf32>, vector<16xf32>, vector<16xf32>, vector<16xf32>, vector<16xf32>, vector<16xf32>
      }
      %while3A_373 = arith.constant 1 : i32
      %while3A_374:16 = scf.for %while3A_953 = %while3A_370 to %while3A_366 step %while3A_373 iter_args(%while3A_954 = %while3A_372#0, %while3A_955 = %while3A_372#1, %while3A_956 = %while3A_372#2, %while3A_957 = %while3A_372#3, %while3A_958 = %while3A_372#4, %while3A_959 = %while3A_372#5, %while3A_960 = %while3A_372#6, %while3A_961 = %while3A_372#7, %while3A_962 = %while3A_372#8, %while3A_963 = %while3A_372#9, %while3A_964 = %while3A_372#10, %while3A_965 = %while3A_372#11, %while3A_966 = %while3A_372#12, %while3A_967 = %while3A_372#13, %while3A_968 = %while3A_372#14, %while3A_969 = %while3A_372#15) -> (vector<16xf32>, vector<16xf32>, vector<16xf32>, vector<16xf32>, vector<16xf32>, vector<16xf32>, vector<16xf32>, vector<16xf32>, vector<16xf32>, vector<16xf32>, vector<16xf32>, vector<16xf32>, vector<16xf32>, vector<16xf32>, vector<16xf32>, vector<16xf32>)  : i32 {
        %mul3A_970 = arith.muli %while3A_953, %while3A : i32
        %add3A_971 = arith.addi %get3A_348, %mul3A_970 : i32
        %get3A_972 = arith.index_cast %add3A_971 : i32 to index
        %get3A_973 = tpu.vector_load %arg11[%get3A_972] {strides = array<i32>} : memref<1516xi32, #tpu.memory_space<vmem>>, vector<16xi32>,
        %get3A_974 = arith.index_cast %add3A_971 : i32 to index
        %get3A_975 = tpu.vector_load %arg12[%get3A_974] {strides = array<i32>} : memref<1516xf32, #tpu.memory_space<vmem>>, vector<16xf32>,
        %slice3A_976 = vector.extract_strided_slice %get3A_973 {offsets = [0], sizes = [1], strides = [1]} : vector<16xi32> to vector<1xi32>
        %squeeze3A_977 = vector.extract %slice3A_976[0] : i32 from vector<1xi32>
        %add3A_978 = vector.broadcast %squeeze3A_977 : i32 to vector<16xi32>
        %add3A_979 = arith.addi %add3A_358, %add3A_978 : vector<16xi32>
        %slice3A_980 = vector.extract_strided_slice %get3A_975 {offsets = [0], sizes = [1], strides = [1]} : vector<16xf32> to vector<1xf32>
        %squeeze3A_981 = vector.extract %slice3A_980[0] : f32 from vector<1xf32>
        %gather3A = tpu.vector_load_idx %arg9[%add3A_979] : memref<18496xf32, #tpu.memory_space<vmem>>[vector<16xi32>], vector<16xf32>,
        %mul3A_982 = vector.broadcast %squeeze3A_981 : f32 to vector<16xf32>
        %mul3A_983 = arith.mulf %gather3A, %mul3A_982 : vector<16xf32>
        %add3A_984 = arith.addf %while3A_954, %mul3A_983 : vector<16xf32>
        %add3A_985 = arith.constant 16 : i32
        %add3A_986 = vector.broadcast %add3A_985 : i32 to vector<16xi32>
        %add3A_987 = arith.addi %add3A_979, %add3A_986 : vector<16xi32>
        %gather3A_988 = tpu.vector_load_idx %arg9[%add3A_987] : memref<18496xf32, #tpu.memory_space<vmem>>[vector<16xi32>], vector<16xf32>,
        %mul3A_989 = vector.broadcast %squeeze3A_981 : f32 to vector<16xf32>
        %mul3A_990 = arith.mulf %gather3A_988, %mul3A_989 : vector<16xf32>
        %add3A_991 = arith.addf %while3A_955, %mul3A_990 : vector<16xf32>
        %add3A_992 = arith.constant 18 : i32
        %add3A_993 = vector.broadcast %add3A_992 : i32 to vector<16xi32>
        %add3A_994 = arith.addi %add3A_987, %add3A_993 : vector<16xi32>
        %gather3A_995 = tpu.vector_load_idx %arg9[%add3A_994] : memref<18496xf32, #tpu.memory_space<vmem>>[vector<16xi32>], vector<16xf32>,
        %mul3A_996 = vector.broadcast %squeeze3A_981 : f32 to vector<16xf32>
        %mul3A_997 = arith.mulf %gather3A_995, %mul3A_996 : vector<16xf32>
        %add3A_998 = arith.addf %while3A_956, %mul3A_997 : vector<16xf32>
        %add3A_999 = arith.constant 16 : i32
        %add3A_1000 = vector.broadcast %add3A_999 : i32 to vector<16xi32>
        %add3A_1001 = arith.addi %add3A_994, %add3A_1000 : vector<16xi32>
        %gather3A_1002 = tpu.vector_load_idx %arg9[%add3A_1001] : memref<18496xf32, #tpu.memory_space<vmem>>[vector<16xi32>], vector<16xf32>,
        %mul3A_1003 = vector.broadcast %squeeze3A_981 : f32 to vector<16xf32>
        %mul3A_1004 = arith.mulf %gather3A_1002, %mul3A_1003 : vector<16xf32>
        %add3A_1005 = arith.addf %while3A_957, %mul3A_1004 : vector<16xf32>
        %add3A_1006 = arith.constant 18 : i32
        %add3A_1007 = vector.broadcast %add3A_1006 : i32 to vector<16xi32>
        %add3A_1008 = arith.addi %add3A_1001, %add3A_1007 : vector<16xi32>
        %gather3A_1009 = tpu.vector_load_idx %arg9[%add3A_1008] : memref<18496xf32, #tpu.memory_space<vmem>>[vector<16xi32>], vector<16xf32>,
        %mul3A_1010 = vector.broadcast %squeeze3A_981 : f32 to vector<16xf32>
        %mul3A_1011 = arith.mulf %gather3A_1009, %mul3A_1010 : vector<16xf32>
        %add3A_1012 = arith.addf %while3A_958, %mul3A_1011 : vector<16xf32>
        %add3A_1013 = arith.constant 16 : i32
        %add3A_1014 = vector.broadcast %add3A_1013 : i32 to vector<16xi32>
        %add3A_1015 = arith.addi %add3A_1008, %add3A_1014 : vector<16xi32>
        %gather3A_1016 = tpu.vector_load_idx %arg9[%add3A_1015] : memref<18496xf32, #tpu.memory_space<vmem>>[vector<16xi32>], vector<16xf32>,
        %mul3A_1017 = vector.broadcast %squeeze3A_981 : f32 to vector<16xf32>
        %mul3A_1018 = arith.mulf %gather3A_1016, %mul3A_1017 : vector<16xf32>
        %add3A_1019 = arith.addf %while3A_959, %mul3A_1018 : vector<16xf32>
        %add3A_1020 = arith.constant 18 : i32
        %add3A_1021 = vector.broadcast %add3A_1020 : i32 to vector<16xi32>
        %add3A_1022 = arith.addi %add3A_1015, %add3A_1021 : vector<16xi32>
        %gather3A_1023 = tpu.vector_load_idx %arg9[%add3A_1022] : memref<18496xf32, #tpu.memory_space<vmem>>[vector<16xi32>], vector<16xf32>,
        %mul3A_1024 = vector.broadcast %squeeze3A_981 : f32 to vector<16xf32>
        %mul3A_1025 = arith.mulf %gather3A_1023, %mul3A_1024 : vector<16xf32>
        %add3A_1026 = arith.addf %while3A_960, %mul3A_1025 : vector<16xf32>
        %add3A_1027 = arith.constant 16 : i32
        %add3A_1028 = vector.broadcast %add3A_1027 : i32 to vector<16xi32>
        %add3A_1029 = arith.addi %add3A_1022, %add3A_1028 : vector<16xi32>
        %gather3A_1030 = tpu.vector_load_idx %arg9[%add3A_1029] : memref<18496xf32, #tpu.memory_space<vmem>>[vector<16xi32>], vector<16xf32>,
        %mul3A_1031 = vector.broadcast %squeeze3A_981 : f32 to vector<16xf32>
        %mul3A_1032 = arith.mulf %gather3A_1030, %mul3A_1031 : vector<16xf32>
        %add3A_1033 = arith.addf %while3A_961, %mul3A_1032 : vector<16xf32>
        %add3A_1034 = arith.constant 18 : i32
        %add3A_1035 = vector.broadcast %add3A_1034 : i32 to vector<16xi32>
        %add3A_1036 = arith.addi %add3A_1029, %add3A_1035 : vector<16xi32>
        %gather3A_1037 = tpu.vector_load_idx %arg9[%add3A_1036] : memref<18496xf32, #tpu.memory_space<vmem>>[vector<16xi32>], vector<16xf32>,
        %mul3A_1038 = vector.broadcast %squeeze3A_981 : f32 to vector<16xf32>
        %mul3A_1039 = arith.mulf %gather3A_1037, %mul3A_1038 : vector<16xf32>
        %add3A_1040 = arith.addf %while3A_962, %mul3A_1039 : vector<16xf32>
        %add3A_1041 = arith.constant 16 : i32
        %add3A_1042 = vector.broadcast %add3A_1041 : i32 to vector<16xi32>
        %add3A_1043 = arith.addi %add3A_1036, %add3A_1042 : vector<16xi32>
        %gather3A_1044 = tpu.vector_load_idx %arg9[%add3A_1043] : memref<18496xf32, #tpu.memory_space<vmem>>[vector<16xi32>], vector<16xf32>,
        %mul3A_1045 = vector.broadcast %squeeze3A_981 : f32 to vector<16xf32>
        %mul3A_1046 = arith.mulf %gather3A_1044, %mul3A_1045 : vector<16xf32>
        %add3A_1047 = arith.addf %while3A_963, %mul3A_1046 : vector<16xf32>
        %add3A_1048 = arith.constant 18 : i32
        %add3A_1049 = vector.broadcast %add3A_1048 : i32 to vector<16xi32>
        %add3A_1050 = arith.addi %add3A_1043, %add3A_1049 : vector<16xi32>
        %gather3A_1051 = tpu.vector_load_idx %arg9[%add3A_1050] : memref<18496xf32, #tpu.memory_space<vmem>>[vector<16xi32>], vector<16xf32>,
        %mul3A_1052 = vector.broadcast %squeeze3A_981 : f32 to vector<16xf32>
        %mul3A_1053 = arith.mulf %gather3A_1051, %mul3A_1052 : vector<16xf32>
        %add3A_1054 = arith.addf %while3A_964, %mul3A_1053 : vector<16xf32>
        %add3A_1055 = arith.constant 16 : i32
        %add3A_1056 = vector.broadcast %add3A_1055 : i32 to vector<16xi32>
        %add3A_1057 = arith.addi %add3A_1050, %add3A_1056 : vector<16xi32>
        %gather3A_1058 = tpu.vector_load_idx %arg9[%add3A_1057] : memref<18496xf32, #tpu.memory_space<vmem>>[vector<16xi32>], vector<16xf32>,
        %mul3A_1059 = vector.broadcast %squeeze3A_981 : f32 to vector<16xf32>
        %mul3A_1060 = arith.mulf %gather3A_1058, %mul3A_1059 : vector<16xf32>
        %add3A_1061 = arith.addf %while3A_965, %mul3A_1060 : vector<16xf32>
        %add3A_1062 = arith.constant 18 : i32
        %add3A_1063 = vector.broadcast %add3A_1062 : i32 to vector<16xi32>
        %add3A_1064 = arith.addi %add3A_1057, %add3A_1063 : vector<16xi32>
        %gather3A_1065 = tpu.vector_load_idx %arg9[%add3A_1064] : memref<18496xf32, #tpu.memory_space<vmem>>[vector<16xi32>], vector<16xf32>,
        %mul3A_1066 = vector.broadcast %squeeze3A_981 : f32 to vector<16xf32>
        %mul3A_1067 = arith.mulf %gather3A_1065, %mul3A_1066 : vector<16xf32>
        %add3A_1068 = arith.addf %while3A_966, %mul3A_1067 : vector<16xf32>
        %add3A_1069 = arith.constant 16 : i32
        %add3A_1070 = vector.broadcast %add3A_1069 : i32 to vector<16xi32>
        %add3A_1071 = arith.addi %add3A_1064, %add3A_1070 : vector<16xi32>
        %gather3A_1072 = tpu.vector_load_idx %arg9[%add3A_1071] : memref<18496xf32, #tpu.memory_space<vmem>>[vector<16xi32>], vector<16xf32>,
        %mul3A_1073 = vector.broadcast %squeeze3A_981 : f32 to vector<16xf32>
        %mul3A_1074 = arith.mulf %gather3A_1072, %mul3A_1073 : vector<16xf32>
        %add3A_1075 = arith.addf %while3A_967, %mul3A_1074 : vector<16xf32>
        %add3A_1076 = arith.constant 18 : i32
        %add3A_1077 = vector.broadcast %add3A_1076 : i32 to vector<16xi32>
        %add3A_1078 = arith.addi %add3A_1071, %add3A_1077 : vector<16xi32>
        %gather3A_1079 = tpu.vector_load_idx %arg9[%add3A_1078] : memref<18496xf32, #tpu.memory_space<vmem>>[vector<16xi32>], vector<16xf32>,
        %mul3A_1080 = vector.broadcast %squeeze3A_981 : f32 to vector<16xf32>
        %mul3A_1081 = arith.mulf %gather3A_1079, %mul3A_1080 : vector<16xf32>
        %add3A_1082 = arith.addf %while3A_968, %mul3A_1081 : vector<16xf32>
        %add3A_1083 = arith.constant 16 : i32
        %add3A_1084 = vector.broadcast %add3A_1083 : i32 to vector<16xi32>
        %add3A_1085 = arith.addi %add3A_1078, %add3A_1084 : vector<16xi32>
        %gather3A_1086 = tpu.vector_load_idx %arg9[%add3A_1085] : memref<18496xf32, #tpu.memory_space<vmem>>[vector<16xi32>], vector<16xf32>,
        %mul3A_1087 = vector.broadcast %squeeze3A_981 : f32 to vector<16xf32>
        %mul3A_1088 = arith.mulf %gather3A_1086, %mul3A_1087 : vector<16xf32>
        %add3A_1089 = arith.addf %while3A_969, %mul3A_1088 : vector<16xf32>
        scf.yield %add3A_984, %add3A_991, %add3A_998, %add3A_1005, %add3A_1012, %add3A_1019, %add3A_1026, %add3A_1033, %add3A_1040, %add3A_1047, %add3A_1054, %add3A_1061, %add3A_1068, %add3A_1075, %add3A_1082, %add3A_1089 : vector<16xf32>, vector<16xf32>, vector<16xf32>, vector<16xf32>, vector<16xf32>, vector<16xf32>, vector<16xf32>, vector<16xf32>, vector<16xf32>, vector<16xf32>, vector<16xf32>, vector<16xf32>, vector<16xf32>, vector<16xf32>, vector<16xf32>, vector<16xf32>
      }
      %mul3A_375 = arith.constant 1024 : i32
      %mul3A_376 = arith.muli %add3A_346, %mul3A_375 : i32
      %add3A_377 = arith.constant 0 : i32
      %add3A_378 = arith.addi %mul3A_376, %add3A_377 : i32
      %add3A_379 = arith.constant 0 : i32
      %add3A_380 = arith.addi %add3A_378, %add3A_379 : i32
      %swap3A_381 = arith.index_cast %add3A_380 : i32 to index
      %swap3A_382 = tpu.vector_load %arg10[%swap3A_381] {strides = array<i32>} : memref<32768xf32, #tpu.memory_space<vmem>>, vector<16xf32>,
      tpu.vector_store %arg10[%swap3A_381], %while3A_374#0 {strides = array<i32>} : memref<32768xf32, #tpu.memory_space<vmem>>, vector<16xf32>,
      %mul3A_383 = arith.constant 1024 : i32
      %mul3A_384 = arith.muli %add3A_346, %mul3A_383 : i32
      %add3A_385 = arith.constant 0 : i32
      %add3A_386 = arith.addi %mul3A_384, %add3A_385 : i32
      %add3A_387 = arith.constant 16 : i32
      %add3A_388 = arith.addi %add3A_386, %add3A_387 : i32
      %swap3A_389 = arith.index_cast %add3A_388 : i32 to index
      %swap3A_390 = tpu.vector_load %arg10[%swap3A_389] {strides = array<i32>} : memref<32768xf32, #tpu.memory_space<vmem>>, vector<16xf32>,
      tpu.vector_store %arg10[%swap3A_389], %while3A_374#1 {strides = array<i32>} : memref<32768xf32, #tpu.memory_space<vmem>>, vector<16xf32>,
      %mul3A_391 = arith.constant 1024 : i32
      %mul3A_392 = arith.muli %add3A_346, %mul3A_391 : i32
      %add3A_393 = arith.constant 0 : i32
      %add3A_394 = arith.addi %mul3A_392, %add3A_393 : i32
      %add3A_395 = arith.constant 32 : i32
      %add3A_396 = arith.addi %add3A_394, %add3A_395 : i32
      %swap3A_397 = arith.index_cast %add3A_396 : i32 to index
      %swap3A_398 = tpu.vector_load %arg10[%swap3A_397] {strides = array<i32>} : memref<32768xf32, #tpu.memory_space<vmem>>, vector<16xf32>,
      tpu.vector_store %arg10[%swap3A_397], %while3A_374#2 {strides = array<i32>} : memref<32768xf32, #tpu.memory_space<vmem>>, vector<16xf32>,
      %mul3A_399 = arith.constant 1024 : i32
      %mul3A_400 = arith.muli %add3A_346, %mul3A_399 : i32
      %add3A_401 = arith.constant 0 : i32
      %add3A_402 = arith.addi %mul3A_400, %add3A_401 : i32
      %add3A_403 = arith.constant 48 : i32
      %add3A_404 = arith.addi %add3A_402, %add3A_403 : i32
      %swap3A_405 = arith.index_cast %add3A_404 : i32 to index
      %swap3A_406 = tpu.vector_load %arg10[%swap3A_405] {strides = array<i32>} : memref<32768xf32, #tpu.memory_space<vmem>>, vector<16xf32>,
      tpu.vector_store %arg10[%swap3A_405], %while3A_374#3 {strides = array<i32>} : memref<32768xf32, #tpu.memory_space<vmem>>, vector<16xf32>,
      %mul3A_407 = arith.constant 1024 : i32
      %mul3A_408 = arith.muli %add3A_346, %mul3A_407 : i32
      %add3A_409 = arith.constant 0 : i32
      %add3A_410 = arith.addi %mul3A_408, %add3A_409 : i32
      %add3A_411 = arith.constant 64 : i32
      %add3A_412 = arith.addi %add3A_410, %add3A_411 : i32
      %swap3A_413 = arith.index_cast %add3A_412 : i32 to index
      %swap3A_414 = tpu.vector_load %arg10[%swap3A_413] {strides = array<i32>} : memref<32768xf32, #tpu.memory_space<vmem>>, vector<16xf32>,
      tpu.vector_store %arg10[%swap3A_413], %while3A_374#4 {strides = array<i32>} : memref<32768xf32, #tpu.memory_space<vmem>>, vector<16xf32>,
      %mul3A_415 = arith.constant 1024 : i32
      %mul3A_416 = arith.muli %add3A_346, %mul3A_415 : i32
      %add3A_417 = arith.constant 0 : i32
      %add3A_418 = arith.addi %mul3A_416, %add3A_417 : i32
      %add3A_419 = arith.constant 80 : i32
      %add3A_420 = arith.addi %add3A_418, %add3A_419 : i32
      %swap3A_421 = arith.index_cast %add3A_420 : i32 to index
      %swap3A_422 = tpu.vector_load %arg10[%swap3A_421] {strides = array<i32>} : memref<32768xf32, #tpu.memory_space<vmem>>, vector<16xf32>,
      tpu.vector_store %arg10[%swap3A_421], %while3A_374#5 {strides = array<i32>} : memref<32768xf32, #tpu.memory_space<vmem>>, vector<16xf32>,
      %mul3A_423 = arith.constant 1024 : i32
      %mul3A_424 = arith.muli %add3A_346, %mul3A_423 : i32
      %add3A_425 = arith.constant 0 : i32
      %add3A_426 = arith.addi %mul3A_424, %add3A_425 : i32
      %add3A_427 = arith.constant 96 : i32
      %add3A_428 = arith.addi %add3A_426, %add3A_427 : i32
      %swap3A_429 = arith.index_cast %add3A_428 : i32 to index
      %swap3A_430 = tpu.vector_load %arg10[%swap3A_429] {strides = array<i32>} : memref<32768xf32, #tpu.memory_space<vmem>>, vector<16xf32>,
      tpu.vector_store %arg10[%swap3A_429], %while3A_374#6 {strides = array<i32>} : memref<32768xf32, #tpu.memory_space<vmem>>, vector<16xf32>,
      %mul3A_431 = arith.constant 1024 : i32
      %mul3A_432 = arith.muli %add3A_346, %mul3A_431 : i32
      %add3A_433 = arith.constant 0 : i32
      %add3A_434 = arith.addi %mul3A_432, %add3A_433 : i32
      %add3A_435 = arith.constant 112 : i32
      %add3A_436 = arith.addi %add3A_434, %add3A_435 : i32
      %swap3A_437 = arith.index_cast %add3A_436 : i32 to index
      %swap3A_438 = tpu.vector_load %arg10[%swap3A_437] {strides = array<i32>} : memref<32768xf32, #tpu.memory_space<vmem>>, vector<16xf32>,
      tpu.vector_store %arg10[%swap3A_437], %while3A_374#7 {strides = array<i32>} : memref<32768xf32, #tpu.memory_space<vmem>>, vector<16xf32>,
      %mul3A_439 = arith.constant 1024 : i32
      %mul3A_440 = arith.muli %add3A_346, %mul3A_439 : i32
      %add3A_441 = arith.constant 0 : i32
      %add3A_442 = arith.addi %mul3A_440, %add3A_441 : i32
      %add3A_443 = arith.constant 128 : i32
      %add3A_444 = arith.addi %add3A_442, %add3A_443 : i32
      %swap3A_445 = arith.index_cast %add3A_444 : i32 to index
      %swap3A_446 = tpu.vector_load %arg10[%swap3A_445] {strides = array<i32>} : memref<32768xf32, #tpu.memory_space<vmem>>, vector<16xf32>,
      tpu.vector_store %arg10[%swap3A_445], %while3A_374#8 {strides = array<i32>} : memref<32768xf32, #tpu.memory_space<vmem>>, vector<16xf32>,
      %mul3A_447 = arith.constant 1024 : i32
      %mul3A_448 = arith.muli %add3A_346, %mul3A_447 : i32
      %add3A_449 = arith.constant 0 : i32
      %add3A_450 = arith.addi %mul3A_448, %add3A_449 : i32
      %add3A_451 = arith.constant 144 : i32
      %add3A_452 = arith.addi %add3A_450, %add3A_451 : i32
      %swap3A_453 = arith.index_cast %add3A_452 : i32 to index
      %swap3A_454 = tpu.vector_load %arg10[%swap3A_453] {strides = array<i32>} : memref<32768xf32, #tpu.memory_space<vmem>>, vector<16xf32>,
      tpu.vector_store %arg10[%swap3A_453], %while3A_374#9 {strides = array<i32>} : memref<32768xf32, #tpu.memory_space<vmem>>, vector<16xf32>,
      %mul3A_455 = arith.constant 1024 : i32
      %mul3A_456 = arith.muli %add3A_346, %mul3A_455 : i32
      %add3A_457 = arith.constant 0 : i32
      %add3A_458 = arith.addi %mul3A_456, %add3A_457 : i32
      %add3A_459 = arith.constant 160 : i32
      %add3A_460 = arith.addi %add3A_458, %add3A_459 : i32
      %swap3A_461 = arith.index_cast %add3A_460 : i32 to index
      %swap3A_462 = tpu.vector_load %arg10[%swap3A_461] {strides = array<i32>} : memref<32768xf32, #tpu.memory_space<vmem>>, vector<16xf32>,
      tpu.vector_store %arg10[%swap3A_461], %while3A_374#10 {strides = array<i32>} : memref<32768xf32, #tpu.memory_space<vmem>>, vector<16xf32>,
      %mul3A_463 = arith.constant 1024 : i32
      %mul3A_464 = arith.muli %add3A_346, %mul3A_463 : i32
      %add3A_465 = arith.constant 0 : i32
      %add3A_466 = arith.addi %mul3A_464, %add3A_465 : i32
      %add3A_467 = arith.constant 176 : i32
      %add3A_468 = arith.addi %add3A_466, %add3A_467 : i32
      %swap3A_469 = arith.index_cast %add3A_468 : i32 to index
      %swap3A_470 = tpu.vector_load %arg10[%swap3A_469] {strides = array<i32>} : memref<32768xf32, #tpu.memory_space<vmem>>, vector<16xf32>,
      tpu.vector_store %arg10[%swap3A_469], %while3A_374#11 {strides = array<i32>} : memref<32768xf32, #tpu.memory_space<vmem>>, vector<16xf32>,
      %mul3A_471 = arith.constant 1024 : i32
      %mul3A_472 = arith.muli %add3A_346, %mul3A_471 : i32
      %add3A_473 = arith.constant 0 : i32
      %add3A_474 = arith.addi %mul3A_472, %add3A_473 : i32
      %add3A_475 = arith.constant 192 : i32
      %add3A_476 = arith.addi %add3A_474, %add3A_475 : i32
      %swap3A_477 = arith.index_cast %add3A_476 : i32 to index
      %swap3A_478 = tpu.vector_load %arg10[%swap3A_477] {strides = array<i32>} : memref<32768xf32, #tpu.memory_space<vmem>>, vector<16xf32>,
      tpu.vector_store %arg10[%swap3A_477], %while3A_374#12 {strides = array<i32>} : memref<32768xf32, #tpu.memory_space<vmem>>, vector<16xf32>,
      %mul3A_479 = arith.constant 1024 : i32
      %mul3A_480 = arith.muli %add3A_346, %mul3A_479 : i32
      %add3A_481 = arith.constant 0 : i32
      %add3A_482 = arith.addi %mul3A_480, %add3A_481 : i32
      %add3A_483 = arith.constant 208 : i32
      %add3A_484 = arith.addi %add3A_482, %add3A_483 : i32
      %swap3A_485 = arith.index_cast %add3A_484 : i32 to index
      %swap3A_486 = tpu.vector_load %arg10[%swap3A_485] {strides = array<i32>} : memref<32768xf32, #tpu.memory_space<vmem>>, vector<16xf32>,
      tpu.vector_store %arg10[%swap3A_485], %while3A_374#13 {strides = array<i32>} : memref<32768xf32, #tpu.memory_space<vmem>>, vector<16xf32>,
      %mul3A_487 = arith.constant 1024 : i32
      %mul3A_488 = arith.muli %add3A_346, %mul3A_487 : i32
      %add3A_489 = arith.constant 0 : i32
      %add3A_490 = arith.addi %mul3A_488, %add3A_489 : i32
      %add3A_491 = arith.constant 224 : i32
      %add3A_492 = arith.addi %add3A_490, %add3A_491 : i32
      %swap3A_493 = arith.index_cast %add3A_492 : i32 to index
      %swap3A_494 = tpu.vector_load %arg10[%swap3A_493] {strides = array<i32>} : memref<32768xf32, #tpu.memory_space<vmem>>, vector<16xf32>,
      tpu.vector_store %arg10[%swap3A_493], %while3A_374#14 {strides = array<i32>} : memref<32768xf32, #tpu.memory_space<vmem>>, vector<16xf32>,
      %mul3A_495 = arith.constant 1024 : i32
      %mul3A_496 = arith.muli %add3A_346, %mul3A_495 : i32
      %add3A_497 = arith.constant 0 : i32
      %add3A_498 = arith.addi %mul3A_496, %add3A_497 : i32
      %add3A_499 = arith.constant 240 : i32
      %add3A_500 = arith.addi %add3A_498, %add3A_499 : i32
      %swap3A_501 = arith.index_cast %add3A_500 : i32 to index
      %swap3A_502 = tpu.vector_load %arg10[%swap3A_501] {strides = array<i32>} : memref<32768xf32, #tpu.memory_space<vmem>>, vector<16xf32>,
      tpu.vector_store %arg10[%swap3A_501], %while3A_374#15 {strides = array<i32>} : memref<32768xf32, #tpu.memory_space<vmem>>, vector<16xf32>,
      %add3A_503 = arith.constant 272 : i32
      %add3A_504 = vector.broadcast %add3A_503 : i32 to vector<16xi32>
      %add3A_505 = arith.addi %iota3A, %add3A_504 : vector<16xi32>
      %sub3A_506 = arith.subi %get3A_352, %get3A_348 : i32
      %sub3A_507 = arith.constant 1 : i32
      %sub3A_508 = arith.constant 1 : i32
      %sub3A_509 = arith.subi %sub3A_507, %sub3A_508 : i32
      %add3A_510 = arith.addi %sub3A_506, %sub3A_509 : i32
      %div3A_511 = arith.constant 1 : i32
      %div3A_512 = arith.divsi %add3A_510, %div3A_511 : i32
      %while3A_513 = arith.constant 1 : i32
      %while3A_514 = arith.constant 0 : i32
      %while3A_515 = arith.subi %div3A_512, %while3A_514 : i32
      %while3A_516 = arith.addi %while3A_514, %while3A_515 : i32
      %while3A_517 = arith.constant 1 : i32
      %while3A_518 = arith.divsi %while3A_515, %while3A_517 : i32
      %while3A_519 = arith.muli %while3A_518, %while3A_517 : i32
      %while3A_520 = arith.addi %while3A_514, %while3A_519 : i32
      %while3A_521 = arith.constant 1 : i32
      %while3A_522:16 = scf.for %while3A_953 = %while3A_514 to %while3A_520 step %while3A_521 iter_args(%while3A_954 = %broadcast_in_dim3A_355, %while3A_955 = %broadcast_in_dim3A_355, %while3A_956 = %broadcast_in_dim3A_355, %while3A_957 = %broadcast_in_dim3A_355, %while3A_958 = %broadcast_in_dim3A_355, %while3A_959 = %broadcast_in_dim3A_355, %while3A_960 = %broadcast_in_dim3A_355, %while3A_961 = %broadcast_in_dim3A_355, %while3A_962 = %broadcast_in_dim3A_355, %while3A_963 = %broadcast_in_dim3A_355, %while3A_964 = %broadcast_in_dim3A_355, %while3A_965 = %broadcast_in_dim3A_355, %while3A_966 = %broadcast_in_dim3A_355, %while3A_967 = %broadcast_in_dim3A_355, %while3A_968 = %broadcast_in_dim3A_355, %while3A_969 = %broadcast_in_dim3A_355) -> (vector<16xf32>, vector<16xf32>, vector<16xf32>, vector<16xf32>, vector<16xf32>, vector<16xf32>, vector<16xf32>, vector<16xf32>, vector<16xf32>, vector<16xf32>, vector<16xf32>, vector<16xf32>, vector<16xf32>, vector<16xf32>, vector<16xf32>, vector<16xf32>)  : i32 {
        %mul3A_970 = arith.muli %while3A_953, %while3A_513 : i32
        %add3A_971 = arith.addi %get3A_348, %mul3A_970 : i32
        %get3A_972 = arith.index_cast %add3A_971 : i32 to index
        %get3A_973 = tpu.vector_load %arg11[%get3A_972] {strides = array<i32>} : memref<1516xi32, #tpu.memory_space<vmem>>, vector<16xi32>,
        %get3A_974 = arith.index_cast %add3A_971 : i32 to index
        %get3A_975 = tpu.vector_load %arg12[%get3A_974] {strides = array<i32>} : memref<1516xf32, #tpu.memory_space<vmem>>, vector<16xf32>,
        %slice3A_976 = vector.extract_strided_slice %get3A_973 {offsets = [0], sizes = [1], strides = [1]} : vector<16xi32> to vector<1xi32>
        %squeeze3A_977 = vector.extract %slice3A_976[0] : i32 from vector<1xi32>
        %add3A_978 = vector.broadcast %squeeze3A_977 : i32 to vector<16xi32>
        %add3A_979 = arith.addi %add3A_505, %add3A_978 : vector<16xi32>
        %slice3A_980 = vector.extract_strided_slice %get3A_975 {offsets = [0], sizes = [1], strides = [1]} : vector<16xf32> to vector<1xf32>
        %squeeze3A_981 = vector.extract %slice3A_980[0] : f32 from vector<1xf32>
        %gather3A = tpu.vector_load_idx %arg9[%add3A_979] : memref<18496xf32, #tpu.memory_space<vmem>>[vector<16xi32>], vector<16xf32>,
        %mul3A_982 = vector.broadcast %squeeze3A_981 : f32 to vector<16xf32>
        %mul3A_983 = arith.mulf %gather3A, %mul3A_982 : vector<16xf32>
        %add3A_984 = arith.addf %while3A_954, %mul3A_983 : vector<16xf32>
        %add3A_985 = arith.constant 16 : i32
        %add3A_986 = vector.broadcast %add3A_985 : i32 to vector<16xi32>
        %add3A_987 = arith.addi %add3A_979, %add3A_986 : vector<16xi32>
        %gather3A_988 = tpu.vector_load_idx %arg9[%add3A_987] : memref<18496xf32, #tpu.memory_space<vmem>>[vector<16xi32>], vector<16xf32>,
        %mul3A_989 = vector.broadcast %squeeze3A_981 : f32 to vector<16xf32>
        %mul3A_990 = arith.mulf %gather3A_988, %mul3A_989 : vector<16xf32>
        %add3A_991 = arith.addf %while3A_955, %mul3A_990 : vector<16xf32>
        %add3A_992 = arith.constant 18 : i32
        %add3A_993 = vector.broadcast %add3A_992 : i32 to vector<16xi32>
        %add3A_994 = arith.addi %add3A_987, %add3A_993 : vector<16xi32>
        %gather3A_995 = tpu.vector_load_idx %arg9[%add3A_994] : memref<18496xf32, #tpu.memory_space<vmem>>[vector<16xi32>], vector<16xf32>,
        %mul3A_996 = vector.broadcast %squeeze3A_981 : f32 to vector<16xf32>
        %mul3A_997 = arith.mulf %gather3A_995, %mul3A_996 : vector<16xf32>
        %add3A_998 = arith.addf %while3A_956, %mul3A_997 : vector<16xf32>
        %add3A_999 = arith.constant 16 : i32
        %add3A_1000 = vector.broadcast %add3A_999 : i32 to vector<16xi32>
        %add3A_1001 = arith.addi %add3A_994, %add3A_1000 : vector<16xi32>
        %gather3A_1002 = tpu.vector_load_idx %arg9[%add3A_1001] : memref<18496xf32, #tpu.memory_space<vmem>>[vector<16xi32>], vector<16xf32>,
        %mul3A_1003 = vector.broadcast %squeeze3A_981 : f32 to vector<16xf32>
        %mul3A_1004 = arith.mulf %gather3A_1002, %mul3A_1003 : vector<16xf32>
        %add3A_1005 = arith.addf %while3A_957, %mul3A_1004 : vector<16xf32>
        %add3A_1006 = arith.constant 18 : i32
        %add3A_1007 = vector.broadcast %add3A_1006 : i32 to vector<16xi32>
        %add3A_1008 = arith.addi %add3A_1001, %add3A_1007 : vector<16xi32>
        %gather3A_1009 = tpu.vector_load_idx %arg9[%add3A_1008] : memref<18496xf32, #tpu.memory_space<vmem>>[vector<16xi32>], vector<16xf32>,
        %mul3A_1010 = vector.broadcast %squeeze3A_981 : f32 to vector<16xf32>
        %mul3A_1011 = arith.mulf %gather3A_1009, %mul3A_1010 : vector<16xf32>
        %add3A_1012 = arith.addf %while3A_958, %mul3A_1011 : vector<16xf32>
        %add3A_1013 = arith.constant 16 : i32
        %add3A_1014 = vector.broadcast %add3A_1013 : i32 to vector<16xi32>
        %add3A_1015 = arith.addi %add3A_1008, %add3A_1014 : vector<16xi32>
        %gather3A_1016 = tpu.vector_load_idx %arg9[%add3A_1015] : memref<18496xf32, #tpu.memory_space<vmem>>[vector<16xi32>], vector<16xf32>,
        %mul3A_1017 = vector.broadcast %squeeze3A_981 : f32 to vector<16xf32>
        %mul3A_1018 = arith.mulf %gather3A_1016, %mul3A_1017 : vector<16xf32>
        %add3A_1019 = arith.addf %while3A_959, %mul3A_1018 : vector<16xf32>
        %add3A_1020 = arith.constant 18 : i32
        %add3A_1021 = vector.broadcast %add3A_1020 : i32 to vector<16xi32>
        %add3A_1022 = arith.addi %add3A_1015, %add3A_1021 : vector<16xi32>
        %gather3A_1023 = tpu.vector_load_idx %arg9[%add3A_1022] : memref<18496xf32, #tpu.memory_space<vmem>>[vector<16xi32>], vector<16xf32>,
        %mul3A_1024 = vector.broadcast %squeeze3A_981 : f32 to vector<16xf32>
        %mul3A_1025 = arith.mulf %gather3A_1023, %mul3A_1024 : vector<16xf32>
        %add3A_1026 = arith.addf %while3A_960, %mul3A_1025 : vector<16xf32>
        %add3A_1027 = arith.constant 16 : i32
        %add3A_1028 = vector.broadcast %add3A_1027 : i32 to vector<16xi32>
        %add3A_1029 = arith.addi %add3A_1022, %add3A_1028 : vector<16xi32>
        %gather3A_1030 = tpu.vector_load_idx %arg9[%add3A_1029] : memref<18496xf32, #tpu.memory_space<vmem>>[vector<16xi32>], vector<16xf32>,
        %mul3A_1031 = vector.broadcast %squeeze3A_981 : f32 to vector<16xf32>
        %mul3A_1032 = arith.mulf %gather3A_1030, %mul3A_1031 : vector<16xf32>
        %add3A_1033 = arith.addf %while3A_961, %mul3A_1032 : vector<16xf32>
        %add3A_1034 = arith.constant 18 : i32
        %add3A_1035 = vector.broadcast %add3A_1034 : i32 to vector<16xi32>
        %add3A_1036 = arith.addi %add3A_1029, %add3A_1035 : vector<16xi32>
        %gather3A_1037 = tpu.vector_load_idx %arg9[%add3A_1036] : memref<18496xf32, #tpu.memory_space<vmem>>[vector<16xi32>], vector<16xf32>,
        %mul3A_1038 = vector.broadcast %squeeze3A_981 : f32 to vector<16xf32>
        %mul3A_1039 = arith.mulf %gather3A_1037, %mul3A_1038 : vector<16xf32>
        %add3A_1040 = arith.addf %while3A_962, %mul3A_1039 : vector<16xf32>
        %add3A_1041 = arith.constant 16 : i32
        %add3A_1042 = vector.broadcast %add3A_1041 : i32 to vector<16xi32>
        %add3A_1043 = arith.addi %add3A_1036, %add3A_1042 : vector<16xi32>
        %gather3A_1044 = tpu.vector_load_idx %arg9[%add3A_1043] : memref<18496xf32, #tpu.memory_space<vmem>>[vector<16xi32>], vector<16xf32>,
        %mul3A_1045 = vector.broadcast %squeeze3A_981 : f32 to vector<16xf32>
        %mul3A_1046 = arith.mulf %gather3A_1044, %mul3A_1045 : vector<16xf32>
        %add3A_1047 = arith.addf %while3A_963, %mul3A_1046 : vector<16xf32>
        %add3A_1048 = arith.constant 18 : i32
        %add3A_1049 = vector.broadcast %add3A_1048 : i32 to vector<16xi32>
        %add3A_1050 = arith.addi %add3A_1043, %add3A_1049 : vector<16xi32>
        %gather3A_1051 = tpu.vector_load_idx %arg9[%add3A_1050] : memref<18496xf32, #tpu.memory_space<vmem>>[vector<16xi32>], vector<16xf32>,
        %mul3A_1052 = vector.broadcast %squeeze3A_981 : f32 to vector<16xf32>
        %mul3A_1053 = arith.mulf %gather3A_1051, %mul3A_1052 : vector<16xf32>
        %add3A_1054 = arith.addf %while3A_964, %mul3A_1053 : vector<16xf32>
        %add3A_1055 = arith.constant 16 : i32
        %add3A_1056 = vector.broadcast %add3A_1055 : i32 to vector<16xi32>
        %add3A_1057 = arith.addi %add3A_1050, %add3A_1056 : vector<16xi32>
        %gather3A_1058 = tpu.vector_load_idx %arg9[%add3A_1057] : memref<18496xf32, #tpu.memory_space<vmem>>[vector<16xi32>], vector<16xf32>,
        %mul3A_1059 = vector.broadcast %squeeze3A_981 : f32 to vector<16xf32>
        %mul3A_1060 = arith.mulf %gather3A_1058, %mul3A_1059 : vector<16xf32>
        %add3A_1061 = arith.addf %while3A_965, %mul3A_1060 : vector<16xf32>
        %add3A_1062 = arith.constant 18 : i32
        %add3A_1063 = vector.broadcast %add3A_1062 : i32 to vector<16xi32>
        %add3A_1064 = arith.addi %add3A_1057, %add3A_1063 : vector<16xi32>
        %gather3A_1065 = tpu.vector_load_idx %arg9[%add3A_1064] : memref<18496xf32, #tpu.memory_space<vmem>>[vector<16xi32>], vector<16xf32>,
        %mul3A_1066 = vector.broadcast %squeeze3A_981 : f32 to vector<16xf32>
        %mul3A_1067 = arith.mulf %gather3A_1065, %mul3A_1066 : vector<16xf32>
        %add3A_1068 = arith.addf %while3A_966, %mul3A_1067 : vector<16xf32>
        %add3A_1069 = arith.constant 16 : i32
        %add3A_1070 = vector.broadcast %add3A_1069 : i32 to vector<16xi32>
        %add3A_1071 = arith.addi %add3A_1064, %add3A_1070 : vector<16xi32>
        %gather3A_1072 = tpu.vector_load_idx %arg9[%add3A_1071] : memref<18496xf32, #tpu.memory_space<vmem>>[vector<16xi32>], vector<16xf32>,
        %mul3A_1073 = vector.broadcast %squeeze3A_981 : f32 to vector<16xf32>
        %mul3A_1074 = arith.mulf %gather3A_1072, %mul3A_1073 : vector<16xf32>
        %add3A_1075 = arith.addf %while3A_967, %mul3A_1074 : vector<16xf32>
        %add3A_1076 = arith.constant 18 : i32
        %add3A_1077 = vector.broadcast %add3A_1076 : i32 to vector<16xi32>
        %add3A_1078 = arith.addi %add3A_1071, %add3A_1077 : vector<16xi32>
        %gather3A_1079 = tpu.vector_load_idx %arg9[%add3A_1078] : memref<18496xf32, #tpu.memory_space<vmem>>[vector<16xi32>], vector<16xf32>,
        %mul3A_1080 = vector.broadcast %squeeze3A_981 : f32 to vector<16xf32>
        %mul3A_1081 = arith.mulf %gather3A_1079, %mul3A_1080 : vector<16xf32>
        %add3A_1082 = arith.addf %while3A_968, %mul3A_1081 : vector<16xf32>
        %add3A_1083 = arith.constant 16 : i32
        %add3A_1084 = vector.broadcast %add3A_1083 : i32 to vector<16xi32>
        %add3A_1085 = arith.addi %add3A_1078, %add3A_1084 : vector<16xi32>
        %gather3A_1086 = tpu.vector_load_idx %arg9[%add3A_1085] : memref<18496xf32, #tpu.memory_space<vmem>>[vector<16xi32>], vector<16xf32>,
        %mul3A_1087 = vector.broadcast %squeeze3A_981 : f32 to vector<16xf32>
        %mul3A_1088 = arith.mulf %gather3A_1086, %mul3A_1087 : vector<16xf32>
        %add3A_1089 = arith.addf %while3A_969, %mul3A_1088 : vector<16xf32>
        scf.yield %add3A_984, %add3A_991, %add3A_998, %add3A_1005, %add3A_1012, %add3A_1019, %add3A_1026, %add3A_1033, %add3A_1040, %add3A_1047, %add3A_1054, %add3A_1061, %add3A_1068, %add3A_1075, %add3A_1082, %add3A_1089 : vector<16xf32>, vector<16xf32>, vector<16xf32>, vector<16xf32>, vector<16xf32>, vector<16xf32>, vector<16xf32>, vector<16xf32>, vector<16xf32>, vector<16xf32>, vector<16xf32>, vector<16xf32>, vector<16xf32>, vector<16xf32>, vector<16xf32>, vector<16xf32>
      }
      %while3A_523 = arith.constant 1 : i32
      %while3A_524:16 = scf.for %while3A_953 = %while3A_520 to %while3A_516 step %while3A_523 iter_args(%while3A_954 = %while3A_522#0, %while3A_955 = %while3A_522#1, %while3A_956 = %while3A_522#2, %while3A_957 = %while3A_522#3, %while3A_958 = %while3A_522#4, %while3A_959 = %while3A_522#5, %while3A_960 = %while3A_522#6, %while3A_961 = %while3A_522#7, %while3A_962 = %while3A_522#8, %while3A_963 = %while3A_522#9, %while3A_964 = %while3A_522#10, %while3A_965 = %while3A_522#11, %while3A_966 = %while3A_522#12, %while3A_967 = %while3A_522#13, %while3A_968 = %while3A_522#14, %while3A_969 = %while3A_522#15) -> (vector<16xf32>, vector<16xf32>, vector<16xf32>, vector<16xf32>, vector<16xf32>, vector<16xf32>, vector<16xf32>, vector<16xf32>, vector<16xf32>, vector<16xf32>, vector<16xf32>, vector<16xf32>, vector<16xf32>, vector<16xf32>, vector<16xf32>, vector<16xf32>)  : i32 {
        %mul3A_970 = arith.muli %while3A_953, %while3A_513 : i32
        %add3A_971 = arith.addi %get3A_348, %mul3A_970 : i32
        %get3A_972 = arith.index_cast %add3A_971 : i32 to index
        %get3A_973 = tpu.vector_load %arg11[%get3A_972] {strides = array<i32>} : memref<1516xi32, #tpu.memory_space<vmem>>, vector<16xi32>,
        %get3A_974 = arith.index_cast %add3A_971 : i32 to index
        %get3A_975 = tpu.vector_load %arg12[%get3A_974] {strides = array<i32>} : memref<1516xf32, #tpu.memory_space<vmem>>, vector<16xf32>,
        %slice3A_976 = vector.extract_strided_slice %get3A_973 {offsets = [0], sizes = [1], strides = [1]} : vector<16xi32> to vector<1xi32>
        %squeeze3A_977 = vector.extract %slice3A_976[0] : i32 from vector<1xi32>
        %add3A_978 = vector.broadcast %squeeze3A_977 : i32 to vector<16xi32>
        %add3A_979 = arith.addi %add3A_505, %add3A_978 : vector<16xi32>
        %slice3A_980 = vector.extract_strided_slice %get3A_975 {offsets = [0], sizes = [1], strides = [1]} : vector<16xf32> to vector<1xf32>
        %squeeze3A_981 = vector.extract %slice3A_980[0] : f32 from vector<1xf32>
        %gather3A = tpu.vector_load_idx %arg9[%add3A_979] : memref<18496xf32, #tpu.memory_space<vmem>>[vector<16xi32>], vector<16xf32>,
        %mul3A_982 = vector.broadcast %squeeze3A_981 : f32 to vector<16xf32>
        %mul3A_983 = arith.mulf %gather3A, %mul3A_982 : vector<16xf32>
        %add3A_984 = arith.addf %while3A_954, %mul3A_983 : vector<16xf32>
        %add3A_985 = arith.constant 16 : i32
        %add3A_986 = vector.broadcast %add3A_985 : i32 to vector<16xi32>
        %add3A_987 = arith.addi %add3A_979, %add3A_986 : vector<16xi32>
        %gather3A_988 = tpu.vector_load_idx %arg9[%add3A_987] : memref<18496xf32, #tpu.memory_space<vmem>>[vector<16xi32>], vector<16xf32>,
        %mul3A_989 = vector.broadcast %squeeze3A_981 : f32 to vector<16xf32>
        %mul3A_990 = arith.mulf %gather3A_988, %mul3A_989 : vector<16xf32>
        %add3A_991 = arith.addf %while3A_955, %mul3A_990 : vector<16xf32>
        %add3A_992 = arith.constant 18 : i32
        %add3A_993 = vector.broadcast %add3A_992 : i32 to vector<16xi32>
        %add3A_994 = arith.addi %add3A_987, %add3A_993 : vector<16xi32>
        %gather3A_995 = tpu.vector_load_idx %arg9[%add3A_994] : memref<18496xf32, #tpu.memory_space<vmem>>[vector<16xi32>], vector<16xf32>,
        %mul3A_996 = vector.broadcast %squeeze3A_981 : f32 to vector<16xf32>
        %mul3A_997 = arith.mulf %gather3A_995, %mul3A_996 : vector<16xf32>
        %add3A_998 = arith.addf %while3A_956, %mul3A_997 : vector<16xf32>
        %add3A_999 = arith.constant 16 : i32
        %add3A_1000 = vector.broadcast %add3A_999 : i32 to vector<16xi32>
        %add3A_1001 = arith.addi %add3A_994, %add3A_1000 : vector<16xi32>
        %gather3A_1002 = tpu.vector_load_idx %arg9[%add3A_1001] : memref<18496xf32, #tpu.memory_space<vmem>>[vector<16xi32>], vector<16xf32>,
        %mul3A_1003 = vector.broadcast %squeeze3A_981 : f32 to vector<16xf32>
        %mul3A_1004 = arith.mulf %gather3A_1002, %mul3A_1003 : vector<16xf32>
        %add3A_1005 = arith.addf %while3A_957, %mul3A_1004 : vector<16xf32>
        %add3A_1006 = arith.constant 18 : i32
        %add3A_1007 = vector.broadcast %add3A_1006 : i32 to vector<16xi32>
        %add3A_1008 = arith.addi %add3A_1001, %add3A_1007 : vector<16xi32>
        %gather3A_1009 = tpu.vector_load_idx %arg9[%add3A_1008] : memref<18496xf32, #tpu.memory_space<vmem>>[vector<16xi32>], vector<16xf32>,
        %mul3A_1010 = vector.broadcast %squeeze3A_981 : f32 to vector<16xf32>
        %mul3A_1011 = arith.mulf %gather3A_1009, %mul3A_1010 : vector<16xf32>
        %add3A_1012 = arith.addf %while3A_958, %mul3A_1011 : vector<16xf32>
        %add3A_1013 = arith.constant 16 : i32
        %add3A_1014 = vector.broadcast %add3A_1013 : i32 to vector<16xi32>
        %add3A_1015 = arith.addi %add3A_1008, %add3A_1014 : vector<16xi32>
        %gather3A_1016 = tpu.vector_load_idx %arg9[%add3A_1015] : memref<18496xf32, #tpu.memory_space<vmem>>[vector<16xi32>], vector<16xf32>,
        %mul3A_1017 = vector.broadcast %squeeze3A_981 : f32 to vector<16xf32>
        %mul3A_1018 = arith.mulf %gather3A_1016, %mul3A_1017 : vector<16xf32>
        %add3A_1019 = arith.addf %while3A_959, %mul3A_1018 : vector<16xf32>
        %add3A_1020 = arith.constant 18 : i32
        %add3A_1021 = vector.broadcast %add3A_1020 : i32 to vector<16xi32>
        %add3A_1022 = arith.addi %add3A_1015, %add3A_1021 : vector<16xi32>
        %gather3A_1023 = tpu.vector_load_idx %arg9[%add3A_1022] : memref<18496xf32, #tpu.memory_space<vmem>>[vector<16xi32>], vector<16xf32>,
        %mul3A_1024 = vector.broadcast %squeeze3A_981 : f32 to vector<16xf32>
        %mul3A_1025 = arith.mulf %gather3A_1023, %mul3A_1024 : vector<16xf32>
        %add3A_1026 = arith.addf %while3A_960, %mul3A_1025 : vector<16xf32>
        %add3A_1027 = arith.constant 16 : i32
        %add3A_1028 = vector.broadcast %add3A_1027 : i32 to vector<16xi32>
        %add3A_1029 = arith.addi %add3A_1022, %add3A_1028 : vector<16xi32>
        %gather3A_1030 = tpu.vector_load_idx %arg9[%add3A_1029] : memref<18496xf32, #tpu.memory_space<vmem>>[vector<16xi32>], vector<16xf32>,
        %mul3A_1031 = vector.broadcast %squeeze3A_981 : f32 to vector<16xf32>
        %mul3A_1032 = arith.mulf %gather3A_1030, %mul3A_1031 : vector<16xf32>
        %add3A_1033 = arith.addf %while3A_961, %mul3A_1032 : vector<16xf32>
        %add3A_1034 = arith.constant 18 : i32
        %add3A_1035 = vector.broadcast %add3A_1034 : i32 to vector<16xi32>
        %add3A_1036 = arith.addi %add3A_1029, %add3A_1035 : vector<16xi32>
        %gather3A_1037 = tpu.vector_load_idx %arg9[%add3A_1036] : memref<18496xf32, #tpu.memory_space<vmem>>[vector<16xi32>], vector<16xf32>,
        %mul3A_1038 = vector.broadcast %squeeze3A_981 : f32 to vector<16xf32>
        %mul3A_1039 = arith.mulf %gather3A_1037, %mul3A_1038 : vector<16xf32>
        %add3A_1040 = arith.addf %while3A_962, %mul3A_1039 : vector<16xf32>
        %add3A_1041 = arith.constant 16 : i32
        %add3A_1042 = vector.broadcast %add3A_1041 : i32 to vector<16xi32>
        %add3A_1043 = arith.addi %add3A_1036, %add3A_1042 : vector<16xi32>
        %gather3A_1044 = tpu.vector_load_idx %arg9[%add3A_1043] : memref<18496xf32, #tpu.memory_space<vmem>>[vector<16xi32>], vector<16xf32>,
        %mul3A_1045 = vector.broadcast %squeeze3A_981 : f32 to vector<16xf32>
        %mul3A_1046 = arith.mulf %gather3A_1044, %mul3A_1045 : vector<16xf32>
        %add3A_1047 = arith.addf %while3A_963, %mul3A_1046 : vector<16xf32>
        %add3A_1048 = arith.constant 18 : i32
        %add3A_1049 = vector.broadcast %add3A_1048 : i32 to vector<16xi32>
        %add3A_1050 = arith.addi %add3A_1043, %add3A_1049 : vector<16xi32>
        %gather3A_1051 = tpu.vector_load_idx %arg9[%add3A_1050] : memref<18496xf32, #tpu.memory_space<vmem>>[vector<16xi32>], vector<16xf32>,
        %mul3A_1052 = vector.broadcast %squeeze3A_981 : f32 to vector<16xf32>
        %mul3A_1053 = arith.mulf %gather3A_1051, %mul3A_1052 : vector<16xf32>
        %add3A_1054 = arith.addf %while3A_964, %mul3A_1053 : vector<16xf32>
        %add3A_1055 = arith.constant 16 : i32
        %add3A_1056 = vector.broadcast %add3A_1055 : i32 to vector<16xi32>
        %add3A_1057 = arith.addi %add3A_1050, %add3A_1056 : vector<16xi32>
        %gather3A_1058 = tpu.vector_load_idx %arg9[%add3A_1057] : memref<18496xf32, #tpu.memory_space<vmem>>[vector<16xi32>], vector<16xf32>,
        %mul3A_1059 = vector.broadcast %squeeze3A_981 : f32 to vector<16xf32>
        %mul3A_1060 = arith.mulf %gather3A_1058, %mul3A_1059 : vector<16xf32>
        %add3A_1061 = arith.addf %while3A_965, %mul3A_1060 : vector<16xf32>
        %add3A_1062 = arith.constant 18 : i32
        %add3A_1063 = vector.broadcast %add3A_1062 : i32 to vector<16xi32>
        %add3A_1064 = arith.addi %add3A_1057, %add3A_1063 : vector<16xi32>
        %gather3A_1065 = tpu.vector_load_idx %arg9[%add3A_1064] : memref<18496xf32, #tpu.memory_space<vmem>>[vector<16xi32>], vector<16xf32>,
        %mul3A_1066 = vector.broadcast %squeeze3A_981 : f32 to vector<16xf32>
        %mul3A_1067 = arith.mulf %gather3A_1065, %mul3A_1066 : vector<16xf32>
        %add3A_1068 = arith.addf %while3A_966, %mul3A_1067 : vector<16xf32>
        %add3A_1069 = arith.constant 16 : i32
        %add3A_1070 = vector.broadcast %add3A_1069 : i32 to vector<16xi32>
        %add3A_1071 = arith.addi %add3A_1064, %add3A_1070 : vector<16xi32>
        %gather3A_1072 = tpu.vector_load_idx %arg9[%add3A_1071] : memref<18496xf32, #tpu.memory_space<vmem>>[vector<16xi32>], vector<16xf32>,
        %mul3A_1073 = vector.broadcast %squeeze3A_981 : f32 to vector<16xf32>
        %mul3A_1074 = arith.mulf %gather3A_1072, %mul3A_1073 : vector<16xf32>
        %add3A_1075 = arith.addf %while3A_967, %mul3A_1074 : vector<16xf32>
        %add3A_1076 = arith.constant 18 : i32
        %add3A_1077 = vector.broadcast %add3A_1076 : i32 to vector<16xi32>
        %add3A_1078 = arith.addi %add3A_1071, %add3A_1077 : vector<16xi32>
        %gather3A_1079 = tpu.vector_load_idx %arg9[%add3A_1078] : memref<18496xf32, #tpu.memory_space<vmem>>[vector<16xi32>], vector<16xf32>,
        %mul3A_1080 = vector.broadcast %squeeze3A_981 : f32 to vector<16xf32>
        %mul3A_1081 = arith.mulf %gather3A_1079, %mul3A_1080 : vector<16xf32>
        %add3A_1082 = arith.addf %while3A_968, %mul3A_1081 : vector<16xf32>
        %add3A_1083 = arith.constant 16 : i32
        %add3A_1084 = vector.broadcast %add3A_1083 : i32 to vector<16xi32>
        %add3A_1085 = arith.addi %add3A_1078, %add3A_1084 : vector<16xi32>
        %gather3A_1086 = tpu.vector_load_idx %arg9[%add3A_1085] : memref<18496xf32, #tpu.memory_space<vmem>>[vector<16xi32>], vector<16xf32>,
        %mul3A_1087 = vector.broadcast %squeeze3A_981 : f32 to vector<16xf32>
        %mul3A_1088 = arith.mulf %gather3A_1086, %mul3A_1087 : vector<16xf32>
        %add3A_1089 = arith.addf %while3A_969, %mul3A_1088 : vector<16xf32>
        scf.yield %add3A_984, %add3A_991, %add3A_998, %add3A_1005, %add3A_1012, %add3A_1019, %add3A_1026, %add3A_1033, %add3A_1040, %add3A_1047, %add3A_1054, %add3A_1061, %add3A_1068, %add3A_1075, %add3A_1082, %add3A_1089 : vector<16xf32>, vector<16xf32>, vector<16xf32>, vector<16xf32>, vector<16xf32>, vector<16xf32>, vector<16xf32>, vector<16xf32>, vector<16xf32>, vector<16xf32>, vector<16xf32>, vector<16xf32>, vector<16xf32>, vector<16xf32>, vector<16xf32>, vector<16xf32>
      }
      %mul3A_525 = arith.constant 1024 : i32
      %mul3A_526 = arith.muli %add3A_346, %mul3A_525 : i32
      %add3A_527 = arith.constant 256 : i32
      %add3A_528 = arith.addi %mul3A_526, %add3A_527 : i32
      %add3A_529 = arith.constant 0 : i32
      %add3A_530 = arith.addi %add3A_528, %add3A_529 : i32
      %swap3A_531 = arith.index_cast %add3A_530 : i32 to index
      %swap3A_532 = tpu.vector_load %arg10[%swap3A_531] {strides = array<i32>} : memref<32768xf32, #tpu.memory_space<vmem>>, vector<16xf32>,
      tpu.vector_store %arg10[%swap3A_531], %while3A_524#0 {strides = array<i32>} : memref<32768xf32, #tpu.memory_space<vmem>>, vector<16xf32>,
      %mul3A_533 = arith.constant 1024 : i32
      %mul3A_534 = arith.muli %add3A_346, %mul3A_533 : i32
      %add3A_535 = arith.constant 256 : i32
      %add3A_536 = arith.addi %mul3A_534, %add3A_535 : i32
      %add3A_537 = arith.constant 16 : i32
      %add3A_538 = arith.addi %add3A_536, %add3A_537 : i32
      %swap3A_539 = arith.index_cast %add3A_538 : i32 to index
      %swap3A_540 = tpu.vector_load %arg10[%swap3A_539] {strides = array<i32>} : memref<32768xf32, #tpu.memory_space<vmem>>, vector<16xf32>,
      tpu.vector_store %arg10[%swap3A_539], %while3A_524#1 {strides = array<i32>} : memref<32768xf32, #tpu.memory_space<vmem>>, vector<16xf32>,
      %mul3A_541 = arith.constant 1024 : i32
      %mul3A_542 = arith.muli %add3A_346, %mul3A_541 : i32
      %add3A_543 = arith.constant 256 : i32
      %add3A_544 = arith.addi %mul3A_542, %add3A_543 : i32
      %add3A_545 = arith.constant 32 : i32
      %add3A_546 = arith.addi %add3A_544, %add3A_545 : i32
      %swap3A_547 = arith.index_cast %add3A_546 : i32 to index
      %swap3A_548 = tpu.vector_load %arg10[%swap3A_547] {strides = array<i32>} : memref<32768xf32, #tpu.memory_space<vmem>>, vector<16xf32>,
      tpu.vector_store %arg10[%swap3A_547], %while3A_524#2 {strides = array<i32>} : memref<32768xf32, #tpu.memory_space<vmem>>, vector<16xf32>,
      %mul3A_549 = arith.constant 1024 : i32
      %mul3A_550 = arith.muli %add3A_346, %mul3A_549 : i32
      %add3A_551 = arith.constant 256 : i32
      %add3A_552 = arith.addi %mul3A_550, %add3A_551 : i32
      %add3A_553 = arith.constant 48 : i32
      %add3A_554 = arith.addi %add3A_552, %add3A_553 : i32
      %swap3A_555 = arith.index_cast %add3A_554 : i32 to index
      %swap3A_556 = tpu.vector_load %arg10[%swap3A_555] {strides = array<i32>} : memref<32768xf32, #tpu.memory_space<vmem>>, vector<16xf32>,
      tpu.vector_store %arg10[%swap3A_555], %while3A_524#3 {strides = array<i32>} : memref<32768xf32, #tpu.memory_space<vmem>>, vector<16xf32>,
      %mul3A_557 = arith.constant 1024 : i32
      %mul3A_558 = arith.muli %add3A_346, %mul3A_557 : i32
      %add3A_559 = arith.constant 256 : i32
      %add3A_560 = arith.addi %mul3A_558, %add3A_559 : i32
      %add3A_561 = arith.constant 64 : i32
      %add3A_562 = arith.addi %add3A_560, %add3A_561 : i32
      %swap3A_563 = arith.index_cast %add3A_562 : i32 to index
      %swap3A_564 = tpu.vector_load %arg10[%swap3A_563] {strides = array<i32>} : memref<32768xf32, #tpu.memory_space<vmem>>, vector<16xf32>,
      tpu.vector_store %arg10[%swap3A_563], %while3A_524#4 {strides = array<i32>} : memref<32768xf32, #tpu.memory_space<vmem>>, vector<16xf32>,
      %mul3A_565 = arith.constant 1024 : i32
      %mul3A_566 = arith.muli %add3A_346, %mul3A_565 : i32
      %add3A_567 = arith.constant 256 : i32
      %add3A_568 = arith.addi %mul3A_566, %add3A_567 : i32
      %add3A_569 = arith.constant 80 : i32
      %add3A_570 = arith.addi %add3A_568, %add3A_569 : i32
      %swap3A_571 = arith.index_cast %add3A_570 : i32 to index
      %swap3A_572 = tpu.vector_load %arg10[%swap3A_571] {strides = array<i32>} : memref<32768xf32, #tpu.memory_space<vmem>>, vector<16xf32>,
      tpu.vector_store %arg10[%swap3A_571], %while3A_524#5 {strides = array<i32>} : memref<32768xf32, #tpu.memory_space<vmem>>, vector<16xf32>,
      %mul3A_573 = arith.constant 1024 : i32
      %mul3A_574 = arith.muli %add3A_346, %mul3A_573 : i32
      %add3A_575 = arith.constant 256 : i32
      %add3A_576 = arith.addi %mul3A_574, %add3A_575 : i32
      %add3A_577 = arith.constant 96 : i32
      %add3A_578 = arith.addi %add3A_576, %add3A_577 : i32
      %swap3A_579 = arith.index_cast %add3A_578 : i32 to index
      %swap3A_580 = tpu.vector_load %arg10[%swap3A_579] {strides = array<i32>} : memref<32768xf32, #tpu.memory_space<vmem>>, vector<16xf32>,
      tpu.vector_store %arg10[%swap3A_579], %while3A_524#6 {strides = array<i32>} : memref<32768xf32, #tpu.memory_space<vmem>>, vector<16xf32>,
      %mul3A_581 = arith.constant 1024 : i32
      %mul3A_582 = arith.muli %add3A_346, %mul3A_581 : i32
      %add3A_583 = arith.constant 256 : i32
      %add3A_584 = arith.addi %mul3A_582, %add3A_583 : i32
      %add3A_585 = arith.constant 112 : i32
      %add3A_586 = arith.addi %add3A_584, %add3A_585 : i32
      %swap3A_587 = arith.index_cast %add3A_586 : i32 to index
      %swap3A_588 = tpu.vector_load %arg10[%swap3A_587] {strides = array<i32>} : memref<32768xf32, #tpu.memory_space<vmem>>, vector<16xf32>,
      tpu.vector_store %arg10[%swap3A_587], %while3A_524#7 {strides = array<i32>} : memref<32768xf32, #tpu.memory_space<vmem>>, vector<16xf32>,
      %mul3A_589 = arith.constant 1024 : i32
      %mul3A_590 = arith.muli %add3A_346, %mul3A_589 : i32
      %add3A_591 = arith.constant 256 : i32
      %add3A_592 = arith.addi %mul3A_590, %add3A_591 : i32
      %add3A_593 = arith.constant 128 : i32
      %add3A_594 = arith.addi %add3A_592, %add3A_593 : i32
      %swap3A_595 = arith.index_cast %add3A_594 : i32 to index
      %swap3A_596 = tpu.vector_load %arg10[%swap3A_595] {strides = array<i32>} : memref<32768xf32, #tpu.memory_space<vmem>>, vector<16xf32>,
      tpu.vector_store %arg10[%swap3A_595], %while3A_524#8 {strides = array<i32>} : memref<32768xf32, #tpu.memory_space<vmem>>, vector<16xf32>,
      %mul3A_597 = arith.constant 1024 : i32
      %mul3A_598 = arith.muli %add3A_346, %mul3A_597 : i32
      %add3A_599 = arith.constant 256 : i32
      %add3A_600 = arith.addi %mul3A_598, %add3A_599 : i32
      %add3A_601 = arith.constant 144 : i32
      %add3A_602 = arith.addi %add3A_600, %add3A_601 : i32
      %swap3A_603 = arith.index_cast %add3A_602 : i32 to index
      %swap3A_604 = tpu.vector_load %arg10[%swap3A_603] {strides = array<i32>} : memref<32768xf32, #tpu.memory_space<vmem>>, vector<16xf32>,
      tpu.vector_store %arg10[%swap3A_603], %while3A_524#9 {strides = array<i32>} : memref<32768xf32, #tpu.memory_space<vmem>>, vector<16xf32>,
      %mul3A_605 = arith.constant 1024 : i32
      %mul3A_606 = arith.muli %add3A_346, %mul3A_605 : i32
      %add3A_607 = arith.constant 256 : i32
      %add3A_608 = arith.addi %mul3A_606, %add3A_607 : i32
      %add3A_609 = arith.constant 160 : i32
      %add3A_610 = arith.addi %add3A_608, %add3A_609 : i32
      %swap3A_611 = arith.index_cast %add3A_610 : i32 to index
      %swap3A_612 = tpu.vector_load %arg10[%swap3A_611] {strides = array<i32>} : memref<32768xf32, #tpu.memory_space<vmem>>, vector<16xf32>,
      tpu.vector_store %arg10[%swap3A_611], %while3A_524#10 {strides = array<i32>} : memref<32768xf32, #tpu.memory_space<vmem>>, vector<16xf32>,
      %mul3A_613 = arith.constant 1024 : i32
      %mul3A_614 = arith.muli %add3A_346, %mul3A_613 : i32
      %add3A_615 = arith.constant 256 : i32
      %add3A_616 = arith.addi %mul3A_614, %add3A_615 : i32
      %add3A_617 = arith.constant 176 : i32
      %add3A_618 = arith.addi %add3A_616, %add3A_617 : i32
      %swap3A_619 = arith.index_cast %add3A_618 : i32 to index
      %swap3A_620 = tpu.vector_load %arg10[%swap3A_619] {strides = array<i32>} : memref<32768xf32, #tpu.memory_space<vmem>>, vector<16xf32>,
      tpu.vector_store %arg10[%swap3A_619], %while3A_524#11 {strides = array<i32>} : memref<32768xf32, #tpu.memory_space<vmem>>, vector<16xf32>,
      %mul3A_621 = arith.constant 1024 : i32
      %mul3A_622 = arith.muli %add3A_346, %mul3A_621 : i32
      %add3A_623 = arith.constant 256 : i32
      %add3A_624 = arith.addi %mul3A_622, %add3A_623 : i32
      %add3A_625 = arith.constant 192 : i32
      %add3A_626 = arith.addi %add3A_624, %add3A_625 : i32
      %swap3A_627 = arith.index_cast %add3A_626 : i32 to index
      %swap3A_628 = tpu.vector_load %arg10[%swap3A_627] {strides = array<i32>} : memref<32768xf32, #tpu.memory_space<vmem>>, vector<16xf32>,
      tpu.vector_store %arg10[%swap3A_627], %while3A_524#12 {strides = array<i32>} : memref<32768xf32, #tpu.memory_space<vmem>>, vector<16xf32>,
      %mul3A_629 = arith.constant 1024 : i32
      %mul3A_630 = arith.muli %add3A_346, %mul3A_629 : i32
      %add3A_631 = arith.constant 256 : i32
      %add3A_632 = arith.addi %mul3A_630, %add3A_631 : i32
      %add3A_633 = arith.constant 208 : i32
      %add3A_634 = arith.addi %add3A_632, %add3A_633 : i32
      %swap3A_635 = arith.index_cast %add3A_634 : i32 to index
      %swap3A_636 = tpu.vector_load %arg10[%swap3A_635] {strides = array<i32>} : memref<32768xf32, #tpu.memory_space<vmem>>, vector<16xf32>,
      tpu.vector_store %arg10[%swap3A_635], %while3A_524#13 {strides = array<i32>} : memref<32768xf32, #tpu.memory_space<vmem>>, vector<16xf32>,
      %mul3A_637 = arith.constant 1024 : i32
      %mul3A_638 = arith.muli %add3A_346, %mul3A_637 : i32
      %add3A_639 = arith.constant 256 : i32
      %add3A_640 = arith.addi %mul3A_638, %add3A_639 : i32
      %add3A_641 = arith.constant 224 : i32
      %add3A_642 = arith.addi %add3A_640, %add3A_641 : i32
      %swap3A_643 = arith.index_cast %add3A_642 : i32 to index
      %swap3A_644 = tpu.vector_load %arg10[%swap3A_643] {strides = array<i32>} : memref<32768xf32, #tpu.memory_space<vmem>>, vector<16xf32>,
      tpu.vector_store %arg10[%swap3A_643], %while3A_524#14 {strides = array<i32>} : memref<32768xf32, #tpu.memory_space<vmem>>, vector<16xf32>,
      %mul3A_645 = arith.constant 1024 : i32
      %mul3A_646 = arith.muli %add3A_346, %mul3A_645 : i32
      %add3A_647 = arith.constant 256 : i32
      %add3A_648 = arith.addi %mul3A_646, %add3A_647 : i32
      %add3A_649 = arith.constant 240 : i32
      %add3A_650 = arith.addi %add3A_648, %add3A_649 : i32
      %swap3A_651 = arith.index_cast %add3A_650 : i32 to index
      %swap3A_652 = tpu.vector_load %arg10[%swap3A_651] {strides = array<i32>} : memref<32768xf32, #tpu.memory_space<vmem>>, vector<16xf32>,
      tpu.vector_store %arg10[%swap3A_651], %while3A_524#15 {strides = array<i32>} : memref<32768xf32, #tpu.memory_space<vmem>>, vector<16xf32>,
      %add3A_653 = arith.constant 544 : i32
      %add3A_654 = vector.broadcast %add3A_653 : i32 to vector<16xi32>
      %add3A_655 = arith.addi %iota3A, %add3A_654 : vector<16xi32>
      %sub3A_656 = arith.subi %get3A_352, %get3A_348 : i32
      %sub3A_657 = arith.constant 1 : i32
      %sub3A_658 = arith.constant 1 : i32
      %sub3A_659 = arith.subi %sub3A_657, %sub3A_658 : i32
      %add3A_660 = arith.addi %sub3A_656, %sub3A_659 : i32
      %div3A_661 = arith.constant 1 : i32
      %div3A_662 = arith.divsi %add3A_660, %div3A_661 : i32
      %while3A_663 = arith.constant 1 : i32
      %while3A_664 = arith.constant 0 : i32
      %while3A_665 = arith.subi %div3A_662, %while3A_664 : i32
      %while3A_666 = arith.addi %while3A_664, %while3A_665 : i32
      %while3A_667 = arith.constant 1 : i32
      %while3A_668 = arith.divsi %while3A_665, %while3A_667 : i32
      %while3A_669 = arith.muli %while3A_668, %while3A_667 : i32
      %while3A_670 = arith.addi %while3A_664, %while3A_669 : i32
      %while3A_671 = arith.constant 1 : i32
      %while3A_672:16 = scf.for %while3A_953 = %while3A_664 to %while3A_670 step %while3A_671 iter_args(%while3A_954 = %broadcast_in_dim3A_355, %while3A_955 = %broadcast_in_dim3A_355, %while3A_956 = %broadcast_in_dim3A_355, %while3A_957 = %broadcast_in_dim3A_355, %while3A_958 = %broadcast_in_dim3A_355, %while3A_959 = %broadcast_in_dim3A_355, %while3A_960 = %broadcast_in_dim3A_355, %while3A_961 = %broadcast_in_dim3A_355, %while3A_962 = %broadcast_in_dim3A_355, %while3A_963 = %broadcast_in_dim3A_355, %while3A_964 = %broadcast_in_dim3A_355, %while3A_965 = %broadcast_in_dim3A_355, %while3A_966 = %broadcast_in_dim3A_355, %while3A_967 = %broadcast_in_dim3A_355, %while3A_968 = %broadcast_in_dim3A_355, %while3A_969 = %broadcast_in_dim3A_355) -> (vector<16xf32>, vector<16xf32>, vector<16xf32>, vector<16xf32>, vector<16xf32>, vector<16xf32>, vector<16xf32>, vector<16xf32>, vector<16xf32>, vector<16xf32>, vector<16xf32>, vector<16xf32>, vector<16xf32>, vector<16xf32>, vector<16xf32>, vector<16xf32>)  : i32 {
        %mul3A_970 = arith.muli %while3A_953, %while3A_663 : i32
        %add3A_971 = arith.addi %get3A_348, %mul3A_970 : i32
        %get3A_972 = arith.index_cast %add3A_971 : i32 to index
        %get3A_973 = tpu.vector_load %arg11[%get3A_972] {strides = array<i32>} : memref<1516xi32, #tpu.memory_space<vmem>>, vector<16xi32>,
        %get3A_974 = arith.index_cast %add3A_971 : i32 to index
        %get3A_975 = tpu.vector_load %arg12[%get3A_974] {strides = array<i32>} : memref<1516xf32, #tpu.memory_space<vmem>>, vector<16xf32>,
        %slice3A_976 = vector.extract_strided_slice %get3A_973 {offsets = [0], sizes = [1], strides = [1]} : vector<16xi32> to vector<1xi32>
        %squeeze3A_977 = vector.extract %slice3A_976[0] : i32 from vector<1xi32>
        %add3A_978 = vector.broadcast %squeeze3A_977 : i32 to vector<16xi32>
        %add3A_979 = arith.addi %add3A_655, %add3A_978 : vector<16xi32>
        %slice3A_980 = vector.extract_strided_slice %get3A_975 {offsets = [0], sizes = [1], strides = [1]} : vector<16xf32> to vector<1xf32>
        %squeeze3A_981 = vector.extract %slice3A_980[0] : f32 from vector<1xf32>
        %gather3A = tpu.vector_load_idx %arg9[%add3A_979] : memref<18496xf32, #tpu.memory_space<vmem>>[vector<16xi32>], vector<16xf32>,
        %mul3A_982 = vector.broadcast %squeeze3A_981 : f32 to vector<16xf32>
        %mul3A_983 = arith.mulf %gather3A, %mul3A_982 : vector<16xf32>
        %add3A_984 = arith.addf %while3A_954, %mul3A_983 : vector<16xf32>
        %add3A_985 = arith.constant 16 : i32
        %add3A_986 = vector.broadcast %add3A_985 : i32 to vector<16xi32>
        %add3A_987 = arith.addi %add3A_979, %add3A_986 : vector<16xi32>
        %gather3A_988 = tpu.vector_load_idx %arg9[%add3A_987] : memref<18496xf32, #tpu.memory_space<vmem>>[vector<16xi32>], vector<16xf32>,
        %mul3A_989 = vector.broadcast %squeeze3A_981 : f32 to vector<16xf32>
        %mul3A_990 = arith.mulf %gather3A_988, %mul3A_989 : vector<16xf32>
        %add3A_991 = arith.addf %while3A_955, %mul3A_990 : vector<16xf32>
        %add3A_992 = arith.constant 18 : i32
        %add3A_993 = vector.broadcast %add3A_992 : i32 to vector<16xi32>
        %add3A_994 = arith.addi %add3A_987, %add3A_993 : vector<16xi32>
        %gather3A_995 = tpu.vector_load_idx %arg9[%add3A_994] : memref<18496xf32, #tpu.memory_space<vmem>>[vector<16xi32>], vector<16xf32>,
        %mul3A_996 = vector.broadcast %squeeze3A_981 : f32 to vector<16xf32>
        %mul3A_997 = arith.mulf %gather3A_995, %mul3A_996 : vector<16xf32>
        %add3A_998 = arith.addf %while3A_956, %mul3A_997 : vector<16xf32>
        %add3A_999 = arith.constant 16 : i32
        %add3A_1000 = vector.broadcast %add3A_999 : i32 to vector<16xi32>
        %add3A_1001 = arith.addi %add3A_994, %add3A_1000 : vector<16xi32>
        %gather3A_1002 = tpu.vector_load_idx %arg9[%add3A_1001] : memref<18496xf32, #tpu.memory_space<vmem>>[vector<16xi32>], vector<16xf32>,
        %mul3A_1003 = vector.broadcast %squeeze3A_981 : f32 to vector<16xf32>
        %mul3A_1004 = arith.mulf %gather3A_1002, %mul3A_1003 : vector<16xf32>
        %add3A_1005 = arith.addf %while3A_957, %mul3A_1004 : vector<16xf32>
        %add3A_1006 = arith.constant 18 : i32
        %add3A_1007 = vector.broadcast %add3A_1006 : i32 to vector<16xi32>
        %add3A_1008 = arith.addi %add3A_1001, %add3A_1007 : vector<16xi32>
        %gather3A_1009 = tpu.vector_load_idx %arg9[%add3A_1008] : memref<18496xf32, #tpu.memory_space<vmem>>[vector<16xi32>], vector<16xf32>,
        %mul3A_1010 = vector.broadcast %squeeze3A_981 : f32 to vector<16xf32>
        %mul3A_1011 = arith.mulf %gather3A_1009, %mul3A_1010 : vector<16xf32>
        %add3A_1012 = arith.addf %while3A_958, %mul3A_1011 : vector<16xf32>
        %add3A_1013 = arith.constant 16 : i32
        %add3A_1014 = vector.broadcast %add3A_1013 : i32 to vector<16xi32>
        %add3A_1015 = arith.addi %add3A_1008, %add3A_1014 : vector<16xi32>
        %gather3A_1016 = tpu.vector_load_idx %arg9[%add3A_1015] : memref<18496xf32, #tpu.memory_space<vmem>>[vector<16xi32>], vector<16xf32>,
        %mul3A_1017 = vector.broadcast %squeeze3A_981 : f32 to vector<16xf32>
        %mul3A_1018 = arith.mulf %gather3A_1016, %mul3A_1017 : vector<16xf32>
        %add3A_1019 = arith.addf %while3A_959, %mul3A_1018 : vector<16xf32>
        %add3A_1020 = arith.constant 18 : i32
        %add3A_1021 = vector.broadcast %add3A_1020 : i32 to vector<16xi32>
        %add3A_1022 = arith.addi %add3A_1015, %add3A_1021 : vector<16xi32>
        %gather3A_1023 = tpu.vector_load_idx %arg9[%add3A_1022] : memref<18496xf32, #tpu.memory_space<vmem>>[vector<16xi32>], vector<16xf32>,
        %mul3A_1024 = vector.broadcast %squeeze3A_981 : f32 to vector<16xf32>
        %mul3A_1025 = arith.mulf %gather3A_1023, %mul3A_1024 : vector<16xf32>
        %add3A_1026 = arith.addf %while3A_960, %mul3A_1025 : vector<16xf32>
        %add3A_1027 = arith.constant 16 : i32
        %add3A_1028 = vector.broadcast %add3A_1027 : i32 to vector<16xi32>
        %add3A_1029 = arith.addi %add3A_1022, %add3A_1028 : vector<16xi32>
        %gather3A_1030 = tpu.vector_load_idx %arg9[%add3A_1029] : memref<18496xf32, #tpu.memory_space<vmem>>[vector<16xi32>], vector<16xf32>,
        %mul3A_1031 = vector.broadcast %squeeze3A_981 : f32 to vector<16xf32>
        %mul3A_1032 = arith.mulf %gather3A_1030, %mul3A_1031 : vector<16xf32>
        %add3A_1033 = arith.addf %while3A_961, %mul3A_1032 : vector<16xf32>
        %add3A_1034 = arith.constant 18 : i32
        %add3A_1035 = vector.broadcast %add3A_1034 : i32 to vector<16xi32>
        %add3A_1036 = arith.addi %add3A_1029, %add3A_1035 : vector<16xi32>
        %gather3A_1037 = tpu.vector_load_idx %arg9[%add3A_1036] : memref<18496xf32, #tpu.memory_space<vmem>>[vector<16xi32>], vector<16xf32>,
        %mul3A_1038 = vector.broadcast %squeeze3A_981 : f32 to vector<16xf32>
        %mul3A_1039 = arith.mulf %gather3A_1037, %mul3A_1038 : vector<16xf32>
        %add3A_1040 = arith.addf %while3A_962, %mul3A_1039 : vector<16xf32>
        %add3A_1041 = arith.constant 16 : i32
        %add3A_1042 = vector.broadcast %add3A_1041 : i32 to vector<16xi32>
        %add3A_1043 = arith.addi %add3A_1036, %add3A_1042 : vector<16xi32>
        %gather3A_1044 = tpu.vector_load_idx %arg9[%add3A_1043] : memref<18496xf32, #tpu.memory_space<vmem>>[vector<16xi32>], vector<16xf32>,
        %mul3A_1045 = vector.broadcast %squeeze3A_981 : f32 to vector<16xf32>
        %mul3A_1046 = arith.mulf %gather3A_1044, %mul3A_1045 : vector<16xf32>
        %add3A_1047 = arith.addf %while3A_963, %mul3A_1046 : vector<16xf32>
        %add3A_1048 = arith.constant 18 : i32
        %add3A_1049 = vector.broadcast %add3A_1048 : i32 to vector<16xi32>
        %add3A_1050 = arith.addi %add3A_1043, %add3A_1049 : vector<16xi32>
        %gather3A_1051 = tpu.vector_load_idx %arg9[%add3A_1050] : memref<18496xf32, #tpu.memory_space<vmem>>[vector<16xi32>], vector<16xf32>,
        %mul3A_1052 = vector.broadcast %squeeze3A_981 : f32 to vector<16xf32>
        %mul3A_1053 = arith.mulf %gather3A_1051, %mul3A_1052 : vector<16xf32>
        %add3A_1054 = arith.addf %while3A_964, %mul3A_1053 : vector<16xf32>
        %add3A_1055 = arith.constant 16 : i32
        %add3A_1056 = vector.broadcast %add3A_1055 : i32 to vector<16xi32>
        %add3A_1057 = arith.addi %add3A_1050, %add3A_1056 : vector<16xi32>
        %gather3A_1058 = tpu.vector_load_idx %arg9[%add3A_1057] : memref<18496xf32, #tpu.memory_space<vmem>>[vector<16xi32>], vector<16xf32>,
        %mul3A_1059 = vector.broadcast %squeeze3A_981 : f32 to vector<16xf32>
        %mul3A_1060 = arith.mulf %gather3A_1058, %mul3A_1059 : vector<16xf32>
        %add3A_1061 = arith.addf %while3A_965, %mul3A_1060 : vector<16xf32>
        %add3A_1062 = arith.constant 18 : i32
        %add3A_1063 = vector.broadcast %add3A_1062 : i32 to vector<16xi32>
        %add3A_1064 = arith.addi %add3A_1057, %add3A_1063 : vector<16xi32>
        %gather3A_1065 = tpu.vector_load_idx %arg9[%add3A_1064] : memref<18496xf32, #tpu.memory_space<vmem>>[vector<16xi32>], vector<16xf32>,
        %mul3A_1066 = vector.broadcast %squeeze3A_981 : f32 to vector<16xf32>
        %mul3A_1067 = arith.mulf %gather3A_1065, %mul3A_1066 : vector<16xf32>
        %add3A_1068 = arith.addf %while3A_966, %mul3A_1067 : vector<16xf32>
        %add3A_1069 = arith.constant 16 : i32
        %add3A_1070 = vector.broadcast %add3A_1069 : i32 to vector<16xi32>
        %add3A_1071 = arith.addi %add3A_1064, %add3A_1070 : vector<16xi32>
        %gather3A_1072 = tpu.vector_load_idx %arg9[%add3A_1071] : memref<18496xf32, #tpu.memory_space<vmem>>[vector<16xi32>], vector<16xf32>,
        %mul3A_1073 = vector.broadcast %squeeze3A_981 : f32 to vector<16xf32>
        %mul3A_1074 = arith.mulf %gather3A_1072, %mul3A_1073 : vector<16xf32>
        %add3A_1075 = arith.addf %while3A_967, %mul3A_1074 : vector<16xf32>
        %add3A_1076 = arith.constant 18 : i32
        %add3A_1077 = vector.broadcast %add3A_1076 : i32 to vector<16xi32>
        %add3A_1078 = arith.addi %add3A_1071, %add3A_1077 : vector<16xi32>
        %gather3A_1079 = tpu.vector_load_idx %arg9[%add3A_1078] : memref<18496xf32, #tpu.memory_space<vmem>>[vector<16xi32>], vector<16xf32>,
        %mul3A_1080 = vector.broadcast %squeeze3A_981 : f32 to vector<16xf32>
        %mul3A_1081 = arith.mulf %gather3A_1079, %mul3A_1080 : vector<16xf32>
        %add3A_1082 = arith.addf %while3A_968, %mul3A_1081 : vector<16xf32>
        %add3A_1083 = arith.constant 16 : i32
        %add3A_1084 = vector.broadcast %add3A_1083 : i32 to vector<16xi32>
        %add3A_1085 = arith.addi %add3A_1078, %add3A_1084 : vector<16xi32>
        %gather3A_1086 = tpu.vector_load_idx %arg9[%add3A_1085] : memref<18496xf32, #tpu.memory_space<vmem>>[vector<16xi32>], vector<16xf32>,
        %mul3A_1087 = vector.broadcast %squeeze3A_981 : f32 to vector<16xf32>
        %mul3A_1088 = arith.mulf %gather3A_1086, %mul3A_1087 : vector<16xf32>
        %add3A_1089 = arith.addf %while3A_969, %mul3A_1088 : vector<16xf32>
        scf.yield %add3A_984, %add3A_991, %add3A_998, %add3A_1005, %add3A_1012, %add3A_1019, %add3A_1026, %add3A_1033, %add3A_1040, %add3A_1047, %add3A_1054, %add3A_1061, %add3A_1068, %add3A_1075, %add3A_1082, %add3A_1089 : vector<16xf32>, vector<16xf32>, vector<16xf32>, vector<16xf32>, vector<16xf32>, vector<16xf32>, vector<16xf32>, vector<16xf32>, vector<16xf32>, vector<16xf32>, vector<16xf32>, vector<16xf32>, vector<16xf32>, vector<16xf32>, vector<16xf32>, vector<16xf32>
      }
      %while3A_673 = arith.constant 1 : i32
      %while3A_674:16 = scf.for %while3A_953 = %while3A_670 to %while3A_666 step %while3A_673 iter_args(%while3A_954 = %while3A_672#0, %while3A_955 = %while3A_672#1, %while3A_956 = %while3A_672#2, %while3A_957 = %while3A_672#3, %while3A_958 = %while3A_672#4, %while3A_959 = %while3A_672#5, %while3A_960 = %while3A_672#6, %while3A_961 = %while3A_672#7, %while3A_962 = %while3A_672#8, %while3A_963 = %while3A_672#9, %while3A_964 = %while3A_672#10, %while3A_965 = %while3A_672#11, %while3A_966 = %while3A_672#12, %while3A_967 = %while3A_672#13, %while3A_968 = %while3A_672#14, %while3A_969 = %while3A_672#15) -> (vector<16xf32>, vector<16xf32>, vector<16xf32>, vector<16xf32>, vector<16xf32>, vector<16xf32>, vector<16xf32>, vector<16xf32>, vector<16xf32>, vector<16xf32>, vector<16xf32>, vector<16xf32>, vector<16xf32>, vector<16xf32>, vector<16xf32>, vector<16xf32>)  : i32 {
        %mul3A_970 = arith.muli %while3A_953, %while3A_663 : i32
        %add3A_971 = arith.addi %get3A_348, %mul3A_970 : i32
        %get3A_972 = arith.index_cast %add3A_971 : i32 to index
        %get3A_973 = tpu.vector_load %arg11[%get3A_972] {strides = array<i32>} : memref<1516xi32, #tpu.memory_space<vmem>>, vector<16xi32>,
        %get3A_974 = arith.index_cast %add3A_971 : i32 to index
        %get3A_975 = tpu.vector_load %arg12[%get3A_974] {strides = array<i32>} : memref<1516xf32, #tpu.memory_space<vmem>>, vector<16xf32>,
        %slice3A_976 = vector.extract_strided_slice %get3A_973 {offsets = [0], sizes = [1], strides = [1]} : vector<16xi32> to vector<1xi32>
        %squeeze3A_977 = vector.extract %slice3A_976[0] : i32 from vector<1xi32>
        %add3A_978 = vector.broadcast %squeeze3A_977 : i32 to vector<16xi32>
        %add3A_979 = arith.addi %add3A_655, %add3A_978 : vector<16xi32>
        %slice3A_980 = vector.extract_strided_slice %get3A_975 {offsets = [0], sizes = [1], strides = [1]} : vector<16xf32> to vector<1xf32>
        %squeeze3A_981 = vector.extract %slice3A_980[0] : f32 from vector<1xf32>
        %gather3A = tpu.vector_load_idx %arg9[%add3A_979] : memref<18496xf32, #tpu.memory_space<vmem>>[vector<16xi32>], vector<16xf32>,
        %mul3A_982 = vector.broadcast %squeeze3A_981 : f32 to vector<16xf32>
        %mul3A_983 = arith.mulf %gather3A, %mul3A_982 : vector<16xf32>
        %add3A_984 = arith.addf %while3A_954, %mul3A_983 : vector<16xf32>
        %add3A_985 = arith.constant 16 : i32
        %add3A_986 = vector.broadcast %add3A_985 : i32 to vector<16xi32>
        %add3A_987 = arith.addi %add3A_979, %add3A_986 : vector<16xi32>
        %gather3A_988 = tpu.vector_load_idx %arg9[%add3A_987] : memref<18496xf32, #tpu.memory_space<vmem>>[vector<16xi32>], vector<16xf32>,
        %mul3A_989 = vector.broadcast %squeeze3A_981 : f32 to vector<16xf32>
        %mul3A_990 = arith.mulf %gather3A_988, %mul3A_989 : vector<16xf32>
        %add3A_991 = arith.addf %while3A_955, %mul3A_990 : vector<16xf32>
        %add3A_992 = arith.constant 18 : i32
        %add3A_993 = vector.broadcast %add3A_992 : i32 to vector<16xi32>
        %add3A_994 = arith.addi %add3A_987, %add3A_993 : vector<16xi32>
        %gather3A_995 = tpu.vector_load_idx %arg9[%add3A_994] : memref<18496xf32, #tpu.memory_space<vmem>>[vector<16xi32>], vector<16xf32>,
        %mul3A_996 = vector.broadcast %squeeze3A_981 : f32 to vector<16xf32>
        %mul3A_997 = arith.mulf %gather3A_995, %mul3A_996 : vector<16xf32>
        %add3A_998 = arith.addf %while3A_956, %mul3A_997 : vector<16xf32>
        %add3A_999 = arith.constant 16 : i32
        %add3A_1000 = vector.broadcast %add3A_999 : i32 to vector<16xi32>
        %add3A_1001 = arith.addi %add3A_994, %add3A_1000 : vector<16xi32>
        %gather3A_1002 = tpu.vector_load_idx %arg9[%add3A_1001] : memref<18496xf32, #tpu.memory_space<vmem>>[vector<16xi32>], vector<16xf32>,
        %mul3A_1003 = vector.broadcast %squeeze3A_981 : f32 to vector<16xf32>
        %mul3A_1004 = arith.mulf %gather3A_1002, %mul3A_1003 : vector<16xf32>
        %add3A_1005 = arith.addf %while3A_957, %mul3A_1004 : vector<16xf32>
        %add3A_1006 = arith.constant 18 : i32
        %add3A_1007 = vector.broadcast %add3A_1006 : i32 to vector<16xi32>
        %add3A_1008 = arith.addi %add3A_1001, %add3A_1007 : vector<16xi32>
        %gather3A_1009 = tpu.vector_load_idx %arg9[%add3A_1008] : memref<18496xf32, #tpu.memory_space<vmem>>[vector<16xi32>], vector<16xf32>,
        %mul3A_1010 = vector.broadcast %squeeze3A_981 : f32 to vector<16xf32>
        %mul3A_1011 = arith.mulf %gather3A_1009, %mul3A_1010 : vector<16xf32>
        %add3A_1012 = arith.addf %while3A_958, %mul3A_1011 : vector<16xf32>
        %add3A_1013 = arith.constant 16 : i32
        %add3A_1014 = vector.broadcast %add3A_1013 : i32 to vector<16xi32>
        %add3A_1015 = arith.addi %add3A_1008, %add3A_1014 : vector<16xi32>
        %gather3A_1016 = tpu.vector_load_idx %arg9[%add3A_1015] : memref<18496xf32, #tpu.memory_space<vmem>>[vector<16xi32>], vector<16xf32>,
        %mul3A_1017 = vector.broadcast %squeeze3A_981 : f32 to vector<16xf32>
        %mul3A_1018 = arith.mulf %gather3A_1016, %mul3A_1017 : vector<16xf32>
        %add3A_1019 = arith.addf %while3A_959, %mul3A_1018 : vector<16xf32>
        %add3A_1020 = arith.constant 18 : i32
        %add3A_1021 = vector.broadcast %add3A_1020 : i32 to vector<16xi32>
        %add3A_1022 = arith.addi %add3A_1015, %add3A_1021 : vector<16xi32>
        %gather3A_1023 = tpu.vector_load_idx %arg9[%add3A_1022] : memref<18496xf32, #tpu.memory_space<vmem>>[vector<16xi32>], vector<16xf32>,
        %mul3A_1024 = vector.broadcast %squeeze3A_981 : f32 to vector<16xf32>
        %mul3A_1025 = arith.mulf %gather3A_1023, %mul3A_1024 : vector<16xf32>
        %add3A_1026 = arith.addf %while3A_960, %mul3A_1025 : vector<16xf32>
        %add3A_1027 = arith.constant 16 : i32
        %add3A_1028 = vector.broadcast %add3A_1027 : i32 to vector<16xi32>
        %add3A_1029 = arith.addi %add3A_1022, %add3A_1028 : vector<16xi32>
        %gather3A_1030 = tpu.vector_load_idx %arg9[%add3A_1029] : memref<18496xf32, #tpu.memory_space<vmem>>[vector<16xi32>], vector<16xf32>,
        %mul3A_1031 = vector.broadcast %squeeze3A_981 : f32 to vector<16xf32>
        %mul3A_1032 = arith.mulf %gather3A_1030, %mul3A_1031 : vector<16xf32>
        %add3A_1033 = arith.addf %while3A_961, %mul3A_1032 : vector<16xf32>
        %add3A_1034 = arith.constant 18 : i32
        %add3A_1035 = vector.broadcast %add3A_1034 : i32 to vector<16xi32>
        %add3A_1036 = arith.addi %add3A_1029, %add3A_1035 : vector<16xi32>
        %gather3A_1037 = tpu.vector_load_idx %arg9[%add3A_1036] : memref<18496xf32, #tpu.memory_space<vmem>>[vector<16xi32>], vector<16xf32>,
        %mul3A_1038 = vector.broadcast %squeeze3A_981 : f32 to vector<16xf32>
        %mul3A_1039 = arith.mulf %gather3A_1037, %mul3A_1038 : vector<16xf32>
        %add3A_1040 = arith.addf %while3A_962, %mul3A_1039 : vector<16xf32>
        %add3A_1041 = arith.constant 16 : i32
        %add3A_1042 = vector.broadcast %add3A_1041 : i32 to vector<16xi32>
        %add3A_1043 = arith.addi %add3A_1036, %add3A_1042 : vector<16xi32>
        %gather3A_1044 = tpu.vector_load_idx %arg9[%add3A_1043] : memref<18496xf32, #tpu.memory_space<vmem>>[vector<16xi32>], vector<16xf32>,
        %mul3A_1045 = vector.broadcast %squeeze3A_981 : f32 to vector<16xf32>
        %mul3A_1046 = arith.mulf %gather3A_1044, %mul3A_1045 : vector<16xf32>
        %add3A_1047 = arith.addf %while3A_963, %mul3A_1046 : vector<16xf32>
        %add3A_1048 = arith.constant 18 : i32
        %add3A_1049 = vector.broadcast %add3A_1048 : i32 to vector<16xi32>
        %add3A_1050 = arith.addi %add3A_1043, %add3A_1049 : vector<16xi32>
        %gather3A_1051 = tpu.vector_load_idx %arg9[%add3A_1050] : memref<18496xf32, #tpu.memory_space<vmem>>[vector<16xi32>], vector<16xf32>,
        %mul3A_1052 = vector.broadcast %squeeze3A_981 : f32 to vector<16xf32>
        %mul3A_1053 = arith.mulf %gather3A_1051, %mul3A_1052 : vector<16xf32>
        %add3A_1054 = arith.addf %while3A_964, %mul3A_1053 : vector<16xf32>
        %add3A_1055 = arith.constant 16 : i32
        %add3A_1056 = vector.broadcast %add3A_1055 : i32 to vector<16xi32>
        %add3A_1057 = arith.addi %add3A_1050, %add3A_1056 : vector<16xi32>
        %gather3A_1058 = tpu.vector_load_idx %arg9[%add3A_1057] : memref<18496xf32, #tpu.memory_space<vmem>>[vector<16xi32>], vector<16xf32>,
        %mul3A_1059 = vector.broadcast %squeeze3A_981 : f32 to vector<16xf32>
        %mul3A_1060 = arith.mulf %gather3A_1058, %mul3A_1059 : vector<16xf32>
        %add3A_1061 = arith.addf %while3A_965, %mul3A_1060 : vector<16xf32>
        %add3A_1062 = arith.constant 18 : i32
        %add3A_1063 = vector.broadcast %add3A_1062 : i32 to vector<16xi32>
        %add3A_1064 = arith.addi %add3A_1057, %add3A_1063 : vector<16xi32>
        %gather3A_1065 = tpu.vector_load_idx %arg9[%add3A_1064] : memref<18496xf32, #tpu.memory_space<vmem>>[vector<16xi32>], vector<16xf32>,
        %mul3A_1066 = vector.broadcast %squeeze3A_981 : f32 to vector<16xf32>
        %mul3A_1067 = arith.mulf %gather3A_1065, %mul3A_1066 : vector<16xf32>
        %add3A_1068 = arith.addf %while3A_966, %mul3A_1067 : vector<16xf32>
        %add3A_1069 = arith.constant 16 : i32
        %add3A_1070 = vector.broadcast %add3A_1069 : i32 to vector<16xi32>
        %add3A_1071 = arith.addi %add3A_1064, %add3A_1070 : vector<16xi32>
        %gather3A_1072 = tpu.vector_load_idx %arg9[%add3A_1071] : memref<18496xf32, #tpu.memory_space<vmem>>[vector<16xi32>], vector<16xf32>,
        %mul3A_1073 = vector.broadcast %squeeze3A_981 : f32 to vector<16xf32>
        %mul3A_1074 = arith.mulf %gather3A_1072, %mul3A_1073 : vector<16xf32>
        %add3A_1075 = arith.addf %while3A_967, %mul3A_1074 : vector<16xf32>
        %add3A_1076 = arith.constant 18 : i32
        %add3A_1077 = vector.broadcast %add3A_1076 : i32 to vector<16xi32>
        %add3A_1078 = arith.addi %add3A_1071, %add3A_1077 : vector<16xi32>
        %gather3A_1079 = tpu.vector_load_idx %arg9[%add3A_1078] : memref<18496xf32, #tpu.memory_space<vmem>>[vector<16xi32>], vector<16xf32>,
        %mul3A_1080 = vector.broadcast %squeeze3A_981 : f32 to vector<16xf32>
        %mul3A_1081 = arith.mulf %gather3A_1079, %mul3A_1080 : vector<16xf32>
        %add3A_1082 = arith.addf %while3A_968, %mul3A_1081 : vector<16xf32>
        %add3A_1083 = arith.constant 16 : i32
        %add3A_1084 = vector.broadcast %add3A_1083 : i32 to vector<16xi32>
        %add3A_1085 = arith.addi %add3A_1078, %add3A_1084 : vector<16xi32>
        %gather3A_1086 = tpu.vector_load_idx %arg9[%add3A_1085] : memref<18496xf32, #tpu.memory_space<vmem>>[vector<16xi32>], vector<16xf32>,
        %mul3A_1087 = vector.broadcast %squeeze3A_981 : f32 to vector<16xf32>
        %mul3A_1088 = arith.mulf %gather3A_1086, %mul3A_1087 : vector<16xf32>
        %add3A_1089 = arith.addf %while3A_969, %mul3A_1088 : vector<16xf32>
        scf.yield %add3A_984, %add3A_991, %add3A_998, %add3A_1005, %add3A_1012, %add3A_1019, %add3A_1026, %add3A_1033, %add3A_1040, %add3A_1047, %add3A_1054, %add3A_1061, %add3A_1068, %add3A_1075, %add3A_1082, %add3A_1089 : vector<16xf32>, vector<16xf32>, vector<16xf32>, vector<16xf32>, vector<16xf32>, vector<16xf32>, vector<16xf32>, vector<16xf32>, vector<16xf32>, vector<16xf32>, vector<16xf32>, vector<16xf32>, vector<16xf32>, vector<16xf32>, vector<16xf32>, vector<16xf32>
      }
      %mul3A_675 = arith.constant 1024 : i32
      %mul3A_676 = arith.muli %add3A_346, %mul3A_675 : i32
      %add3A_677 = arith.constant 512 : i32
      %add3A_678 = arith.addi %mul3A_676, %add3A_677 : i32
      %add3A_679 = arith.constant 0 : i32
      %add3A_680 = arith.addi %add3A_678, %add3A_679 : i32
      %swap3A_681 = arith.index_cast %add3A_680 : i32 to index
      %swap3A_682 = tpu.vector_load %arg10[%swap3A_681] {strides = array<i32>} : memref<32768xf32, #tpu.memory_space<vmem>>, vector<16xf32>,
      tpu.vector_store %arg10[%swap3A_681], %while3A_674#0 {strides = array<i32>} : memref<32768xf32, #tpu.memory_space<vmem>>, vector<16xf32>,
      %mul3A_683 = arith.constant 1024 : i32
      %mul3A_684 = arith.muli %add3A_346, %mul3A_683 : i32
      %add3A_685 = arith.constant 512 : i32
      %add3A_686 = arith.addi %mul3A_684, %add3A_685 : i32
      %add3A_687 = arith.constant 16 : i32
      %add3A_688 = arith.addi %add3A_686, %add3A_687 : i32
      %swap3A_689 = arith.index_cast %add3A_688 : i32 to index
      %swap3A_690 = tpu.vector_load %arg10[%swap3A_689] {strides = array<i32>} : memref<32768xf32, #tpu.memory_space<vmem>>, vector<16xf32>,
      tpu.vector_store %arg10[%swap3A_689], %while3A_674#1 {strides = array<i32>} : memref<32768xf32, #tpu.memory_space<vmem>>, vector<16xf32>,
      %mul3A_691 = arith.constant 1024 : i32
      %mul3A_692 = arith.muli %add3A_346, %mul3A_691 : i32
      %add3A_693 = arith.constant 512 : i32
      %add3A_694 = arith.addi %mul3A_692, %add3A_693 : i32
      %add3A_695 = arith.constant 32 : i32
      %add3A_696 = arith.addi %add3A_694, %add3A_695 : i32
      %swap3A_697 = arith.index_cast %add3A_696 : i32 to index
      %swap3A_698 = tpu.vector_load %arg10[%swap3A_697] {strides = array<i32>} : memref<32768xf32, #tpu.memory_space<vmem>>, vector<16xf32>,
      tpu.vector_store %arg10[%swap3A_697], %while3A_674#2 {strides = array<i32>} : memref<32768xf32, #tpu.memory_space<vmem>>, vector<16xf32>,
      %mul3A_699 = arith.constant 1024 : i32
      %mul3A_700 = arith.muli %add3A_346, %mul3A_699 : i32
      %add3A_701 = arith.constant 512 : i32
      %add3A_702 = arith.addi %mul3A_700, %add3A_701 : i32
      %add3A_703 = arith.constant 48 : i32
      %add3A_704 = arith.addi %add3A_702, %add3A_703 : i32
      %swap3A_705 = arith.index_cast %add3A_704 : i32 to index
      %swap3A_706 = tpu.vector_load %arg10[%swap3A_705] {strides = array<i32>} : memref<32768xf32, #tpu.memory_space<vmem>>, vector<16xf32>,
      tpu.vector_store %arg10[%swap3A_705], %while3A_674#3 {strides = array<i32>} : memref<32768xf32, #tpu.memory_space<vmem>>, vector<16xf32>,
      %mul3A_707 = arith.constant 1024 : i32
      %mul3A_708 = arith.muli %add3A_346, %mul3A_707 : i32
      %add3A_709 = arith.constant 512 : i32
      %add3A_710 = arith.addi %mul3A_708, %add3A_709 : i32
      %add3A_711 = arith.constant 64 : i32
      %add3A_712 = arith.addi %add3A_710, %add3A_711 : i32
      %swap3A_713 = arith.index_cast %add3A_712 : i32 to index
      %swap3A_714 = tpu.vector_load %arg10[%swap3A_713] {strides = array<i32>} : memref<32768xf32, #tpu.memory_space<vmem>>, vector<16xf32>,
      tpu.vector_store %arg10[%swap3A_713], %while3A_674#4 {strides = array<i32>} : memref<32768xf32, #tpu.memory_space<vmem>>, vector<16xf32>,
      %mul3A_715 = arith.constant 1024 : i32
      %mul3A_716 = arith.muli %add3A_346, %mul3A_715 : i32
      %add3A_717 = arith.constant 512 : i32
      %add3A_718 = arith.addi %mul3A_716, %add3A_717 : i32
      %add3A_719 = arith.constant 80 : i32
      %add3A_720 = arith.addi %add3A_718, %add3A_719 : i32
      %swap3A_721 = arith.index_cast %add3A_720 : i32 to index
      %swap3A_722 = tpu.vector_load %arg10[%swap3A_721] {strides = array<i32>} : memref<32768xf32, #tpu.memory_space<vmem>>, vector<16xf32>,
      tpu.vector_store %arg10[%swap3A_721], %while3A_674#5 {strides = array<i32>} : memref<32768xf32, #tpu.memory_space<vmem>>, vector<16xf32>,
      %mul3A_723 = arith.constant 1024 : i32
      %mul3A_724 = arith.muli %add3A_346, %mul3A_723 : i32
      %add3A_725 = arith.constant 512 : i32
      %add3A_726 = arith.addi %mul3A_724, %add3A_725 : i32
      %add3A_727 = arith.constant 96 : i32
      %add3A_728 = arith.addi %add3A_726, %add3A_727 : i32
      %swap3A_729 = arith.index_cast %add3A_728 : i32 to index
      %swap3A_730 = tpu.vector_load %arg10[%swap3A_729] {strides = array<i32>} : memref<32768xf32, #tpu.memory_space<vmem>>, vector<16xf32>,
      tpu.vector_store %arg10[%swap3A_729], %while3A_674#6 {strides = array<i32>} : memref<32768xf32, #tpu.memory_space<vmem>>, vector<16xf32>,
      %mul3A_731 = arith.constant 1024 : i32
      %mul3A_732 = arith.muli %add3A_346, %mul3A_731 : i32
      %add3A_733 = arith.constant 512 : i32
      %add3A_734 = arith.addi %mul3A_732, %add3A_733 : i32
      %add3A_735 = arith.constant 112 : i32
      %add3A_736 = arith.addi %add3A_734, %add3A_735 : i32
      %swap3A_737 = arith.index_cast %add3A_736 : i32 to index
      %swap3A_738 = tpu.vector_load %arg10[%swap3A_737] {strides = array<i32>} : memref<32768xf32, #tpu.memory_space<vmem>>, vector<16xf32>,
      tpu.vector_store %arg10[%swap3A_737], %while3A_674#7 {strides = array<i32>} : memref<32768xf32, #tpu.memory_space<vmem>>, vector<16xf32>,
      %mul3A_739 = arith.constant 1024 : i32
      %mul3A_740 = arith.muli %add3A_346, %mul3A_739 : i32
      %add3A_741 = arith.constant 512 : i32
      %add3A_742 = arith.addi %mul3A_740, %add3A_741 : i32
      %add3A_743 = arith.constant 128 : i32
      %add3A_744 = arith.addi %add3A_742, %add3A_743 : i32
      %swap3A_745 = arith.index_cast %add3A_744 : i32 to index
      %swap3A_746 = tpu.vector_load %arg10[%swap3A_745] {strides = array<i32>} : memref<32768xf32, #tpu.memory_space<vmem>>, vector<16xf32>,
      tpu.vector_store %arg10[%swap3A_745], %while3A_674#8 {strides = array<i32>} : memref<32768xf32, #tpu.memory_space<vmem>>, vector<16xf32>,
      %mul3A_747 = arith.constant 1024 : i32
      %mul3A_748 = arith.muli %add3A_346, %mul3A_747 : i32
      %add3A_749 = arith.constant 512 : i32
      %add3A_750 = arith.addi %mul3A_748, %add3A_749 : i32
      %add3A_751 = arith.constant 144 : i32
      %add3A_752 = arith.addi %add3A_750, %add3A_751 : i32
      %swap3A_753 = arith.index_cast %add3A_752 : i32 to index
      %swap3A_754 = tpu.vector_load %arg10[%swap3A_753] {strides = array<i32>} : memref<32768xf32, #tpu.memory_space<vmem>>, vector<16xf32>,
      tpu.vector_store %arg10[%swap3A_753], %while3A_674#9 {strides = array<i32>} : memref<32768xf32, #tpu.memory_space<vmem>>, vector<16xf32>,
      %mul3A_755 = arith.constant 1024 : i32
      %mul3A_756 = arith.muli %add3A_346, %mul3A_755 : i32
      %add3A_757 = arith.constant 512 : i32
      %add3A_758 = arith.addi %mul3A_756, %add3A_757 : i32
      %add3A_759 = arith.constant 160 : i32
      %add3A_760 = arith.addi %add3A_758, %add3A_759 : i32
      %swap3A_761 = arith.index_cast %add3A_760 : i32 to index
      %swap3A_762 = tpu.vector_load %arg10[%swap3A_761] {strides = array<i32>} : memref<32768xf32, #tpu.memory_space<vmem>>, vector<16xf32>,
      tpu.vector_store %arg10[%swap3A_761], %while3A_674#10 {strides = array<i32>} : memref<32768xf32, #tpu.memory_space<vmem>>, vector<16xf32>,
      %mul3A_763 = arith.constant 1024 : i32
      %mul3A_764 = arith.muli %add3A_346, %mul3A_763 : i32
      %add3A_765 = arith.constant 512 : i32
      %add3A_766 = arith.addi %mul3A_764, %add3A_765 : i32
      %add3A_767 = arith.constant 176 : i32
      %add3A_768 = arith.addi %add3A_766, %add3A_767 : i32
      %swap3A_769 = arith.index_cast %add3A_768 : i32 to index
      %swap3A_770 = tpu.vector_load %arg10[%swap3A_769] {strides = array<i32>} : memref<32768xf32, #tpu.memory_space<vmem>>, vector<16xf32>,
      tpu.vector_store %arg10[%swap3A_769], %while3A_674#11 {strides = array<i32>} : memref<32768xf32, #tpu.memory_space<vmem>>, vector<16xf32>,
      %mul3A_771 = arith.constant 1024 : i32
      %mul3A_772 = arith.muli %add3A_346, %mul3A_771 : i32
      %add3A_773 = arith.constant 512 : i32
      %add3A_774 = arith.addi %mul3A_772, %add3A_773 : i32
      %add3A_775 = arith.constant 192 : i32
      %add3A_776 = arith.addi %add3A_774, %add3A_775 : i32
      %swap3A_777 = arith.index_cast %add3A_776 : i32 to index
      %swap3A_778 = tpu.vector_load %arg10[%swap3A_777] {strides = array<i32>} : memref<32768xf32, #tpu.memory_space<vmem>>, vector<16xf32>,
      tpu.vector_store %arg10[%swap3A_777], %while3A_674#12 {strides = array<i32>} : memref<32768xf32, #tpu.memory_space<vmem>>, vector<16xf32>,
      %mul3A_779 = arith.constant 1024 : i32
      %mul3A_780 = arith.muli %add3A_346, %mul3A_779 : i32
      %add3A_781 = arith.constant 512 : i32
      %add3A_782 = arith.addi %mul3A_780, %add3A_781 : i32
      %add3A_783 = arith.constant 208 : i32
      %add3A_784 = arith.addi %add3A_782, %add3A_783 : i32
      %swap3A_785 = arith.index_cast %add3A_784 : i32 to index
      %swap3A_786 = tpu.vector_load %arg10[%swap3A_785] {strides = array<i32>} : memref<32768xf32, #tpu.memory_space<vmem>>, vector<16xf32>,
      tpu.vector_store %arg10[%swap3A_785], %while3A_674#13 {strides = array<i32>} : memref<32768xf32, #tpu.memory_space<vmem>>, vector<16xf32>,
      %mul3A_787 = arith.constant 1024 : i32
      %mul3A_788 = arith.muli %add3A_346, %mul3A_787 : i32
      %add3A_789 = arith.constant 512 : i32
      %add3A_790 = arith.addi %mul3A_788, %add3A_789 : i32
      %add3A_791 = arith.constant 224 : i32
      %add3A_792 = arith.addi %add3A_790, %add3A_791 : i32
      %swap3A_793 = arith.index_cast %add3A_792 : i32 to index
      %swap3A_794 = tpu.vector_load %arg10[%swap3A_793] {strides = array<i32>} : memref<32768xf32, #tpu.memory_space<vmem>>, vector<16xf32>,
      tpu.vector_store %arg10[%swap3A_793], %while3A_674#14 {strides = array<i32>} : memref<32768xf32, #tpu.memory_space<vmem>>, vector<16xf32>,
      %mul3A_795 = arith.constant 1024 : i32
      %mul3A_796 = arith.muli %add3A_346, %mul3A_795 : i32
      %add3A_797 = arith.constant 512 : i32
      %add3A_798 = arith.addi %mul3A_796, %add3A_797 : i32
      %add3A_799 = arith.constant 240 : i32
      %add3A_800 = arith.addi %add3A_798, %add3A_799 : i32
      %swap3A_801 = arith.index_cast %add3A_800 : i32 to index
      %swap3A_802 = tpu.vector_load %arg10[%swap3A_801] {strides = array<i32>} : memref<32768xf32, #tpu.memory_space<vmem>>, vector<16xf32>,
      tpu.vector_store %arg10[%swap3A_801], %while3A_674#15 {strides = array<i32>} : memref<32768xf32, #tpu.memory_space<vmem>>, vector<16xf32>,
      %add3A_803 = arith.constant 816 : i32
      %add3A_804 = vector.broadcast %add3A_803 : i32 to vector<16xi32>
      %add3A_805 = arith.addi %iota3A, %add3A_804 : vector<16xi32>
      %sub3A_806 = arith.subi %get3A_352, %get3A_348 : i32
      %sub3A_807 = arith.constant 1 : i32
      %sub3A_808 = arith.constant 1 : i32
      %sub3A_809 = arith.subi %sub3A_807, %sub3A_808 : i32
      %add3A_810 = arith.addi %sub3A_806, %sub3A_809 : i32
      %div3A_811 = arith.constant 1 : i32
      %div3A_812 = arith.divsi %add3A_810, %div3A_811 : i32
      %while3A_813 = arith.constant 1 : i32
      %while3A_814 = arith.constant 0 : i32
      %while3A_815 = arith.subi %div3A_812, %while3A_814 : i32
      %while3A_816 = arith.addi %while3A_814, %while3A_815 : i32
      %while3A_817 = arith.constant 1 : i32
      %while3A_818 = arith.divsi %while3A_815, %while3A_817 : i32
      %while3A_819 = arith.muli %while3A_818, %while3A_817 : i32
      %while3A_820 = arith.addi %while3A_814, %while3A_819 : i32
      %while3A_821 = arith.constant 1 : i32
      %while3A_822:16 = scf.for %while3A_953 = %while3A_814 to %while3A_820 step %while3A_821 iter_args(%while3A_954 = %broadcast_in_dim3A_355, %while3A_955 = %broadcast_in_dim3A_355, %while3A_956 = %broadcast_in_dim3A_355, %while3A_957 = %broadcast_in_dim3A_355, %while3A_958 = %broadcast_in_dim3A_355, %while3A_959 = %broadcast_in_dim3A_355, %while3A_960 = %broadcast_in_dim3A_355, %while3A_961 = %broadcast_in_dim3A_355, %while3A_962 = %broadcast_in_dim3A_355, %while3A_963 = %broadcast_in_dim3A_355, %while3A_964 = %broadcast_in_dim3A_355, %while3A_965 = %broadcast_in_dim3A_355, %while3A_966 = %broadcast_in_dim3A_355, %while3A_967 = %broadcast_in_dim3A_355, %while3A_968 = %broadcast_in_dim3A_355, %while3A_969 = %broadcast_in_dim3A_355) -> (vector<16xf32>, vector<16xf32>, vector<16xf32>, vector<16xf32>, vector<16xf32>, vector<16xf32>, vector<16xf32>, vector<16xf32>, vector<16xf32>, vector<16xf32>, vector<16xf32>, vector<16xf32>, vector<16xf32>, vector<16xf32>, vector<16xf32>, vector<16xf32>)  : i32 {
        %mul3A_970 = arith.muli %while3A_953, %while3A_813 : i32
        %add3A_971 = arith.addi %get3A_348, %mul3A_970 : i32
        %get3A_972 = arith.index_cast %add3A_971 : i32 to index
        %get3A_973 = tpu.vector_load %arg11[%get3A_972] {strides = array<i32>} : memref<1516xi32, #tpu.memory_space<vmem>>, vector<16xi32>,
        %get3A_974 = arith.index_cast %add3A_971 : i32 to index
        %get3A_975 = tpu.vector_load %arg12[%get3A_974] {strides = array<i32>} : memref<1516xf32, #tpu.memory_space<vmem>>, vector<16xf32>,
        %slice3A_976 = vector.extract_strided_slice %get3A_973 {offsets = [0], sizes = [1], strides = [1]} : vector<16xi32> to vector<1xi32>
        %squeeze3A_977 = vector.extract %slice3A_976[0] : i32 from vector<1xi32>
        %add3A_978 = vector.broadcast %squeeze3A_977 : i32 to vector<16xi32>
        %add3A_979 = arith.addi %add3A_805, %add3A_978 : vector<16xi32>
        %slice3A_980 = vector.extract_strided_slice %get3A_975 {offsets = [0], sizes = [1], strides = [1]} : vector<16xf32> to vector<1xf32>
        %squeeze3A_981 = vector.extract %slice3A_980[0] : f32 from vector<1xf32>
        %gather3A = tpu.vector_load_idx %arg9[%add3A_979] : memref<18496xf32, #tpu.memory_space<vmem>>[vector<16xi32>], vector<16xf32>,
        %mul3A_982 = vector.broadcast %squeeze3A_981 : f32 to vector<16xf32>
        %mul3A_983 = arith.mulf %gather3A, %mul3A_982 : vector<16xf32>
        %add3A_984 = arith.addf %while3A_954, %mul3A_983 : vector<16xf32>
        %add3A_985 = arith.constant 16 : i32
        %add3A_986 = vector.broadcast %add3A_985 : i32 to vector<16xi32>
        %add3A_987 = arith.addi %add3A_979, %add3A_986 : vector<16xi32>
        %gather3A_988 = tpu.vector_load_idx %arg9[%add3A_987] : memref<18496xf32, #tpu.memory_space<vmem>>[vector<16xi32>], vector<16xf32>,
        %mul3A_989 = vector.broadcast %squeeze3A_981 : f32 to vector<16xf32>
        %mul3A_990 = arith.mulf %gather3A_988, %mul3A_989 : vector<16xf32>
        %add3A_991 = arith.addf %while3A_955, %mul3A_990 : vector<16xf32>
        %add3A_992 = arith.constant 18 : i32
        %add3A_993 = vector.broadcast %add3A_992 : i32 to vector<16xi32>
        %add3A_994 = arith.addi %add3A_987, %add3A_993 : vector<16xi32>
        %gather3A_995 = tpu.vector_load_idx %arg9[%add3A_994] : memref<18496xf32, #tpu.memory_space<vmem>>[vector<16xi32>], vector<16xf32>,
        %mul3A_996 = vector.broadcast %squeeze3A_981 : f32 to vector<16xf32>
        %mul3A_997 = arith.mulf %gather3A_995, %mul3A_996 : vector<16xf32>
        %add3A_998 = arith.addf %while3A_956, %mul3A_997 : vector<16xf32>
        %add3A_999 = arith.constant 16 : i32
        %add3A_1000 = vector.broadcast %add3A_999 : i32 to vector<16xi32>
        %add3A_1001 = arith.addi %add3A_994, %add3A_1000 : vector<16xi32>
        %gather3A_1002 = tpu.vector_load_idx %arg9[%add3A_1001] : memref<18496xf32, #tpu.memory_space<vmem>>[vector<16xi32>], vector<16xf32>,
        %mul3A_1003 = vector.broadcast %squeeze3A_981 : f32 to vector<16xf32>
        %mul3A_1004 = arith.mulf %gather3A_1002, %mul3A_1003 : vector<16xf32>
        %add3A_1005 = arith.addf %while3A_957, %mul3A_1004 : vector<16xf32>
        %add3A_1006 = arith.constant 18 : i32
        %add3A_1007 = vector.broadcast %add3A_1006 : i32 to vector<16xi32>
        %add3A_1008 = arith.addi %add3A_1001, %add3A_1007 : vector<16xi32>
        %gather3A_1009 = tpu.vector_load_idx %arg9[%add3A_1008] : memref<18496xf32, #tpu.memory_space<vmem>>[vector<16xi32>], vector<16xf32>,
        %mul3A_1010 = vector.broadcast %squeeze3A_981 : f32 to vector<16xf32>
        %mul3A_1011 = arith.mulf %gather3A_1009, %mul3A_1010 : vector<16xf32>
        %add3A_1012 = arith.addf %while3A_958, %mul3A_1011 : vector<16xf32>
        %add3A_1013 = arith.constant 16 : i32
        %add3A_1014 = vector.broadcast %add3A_1013 : i32 to vector<16xi32>
        %add3A_1015 = arith.addi %add3A_1008, %add3A_1014 : vector<16xi32>
        %gather3A_1016 = tpu.vector_load_idx %arg9[%add3A_1015] : memref<18496xf32, #tpu.memory_space<vmem>>[vector<16xi32>], vector<16xf32>,
        %mul3A_1017 = vector.broadcast %squeeze3A_981 : f32 to vector<16xf32>
        %mul3A_1018 = arith.mulf %gather3A_1016, %mul3A_1017 : vector<16xf32>
        %add3A_1019 = arith.addf %while3A_959, %mul3A_1018 : vector<16xf32>
        %add3A_1020 = arith.constant 18 : i32
        %add3A_1021 = vector.broadcast %add3A_1020 : i32 to vector<16xi32>
        %add3A_1022 = arith.addi %add3A_1015, %add3A_1021 : vector<16xi32>
        %gather3A_1023 = tpu.vector_load_idx %arg9[%add3A_1022] : memref<18496xf32, #tpu.memory_space<vmem>>[vector<16xi32>], vector<16xf32>,
        %mul3A_1024 = vector.broadcast %squeeze3A_981 : f32 to vector<16xf32>
        %mul3A_1025 = arith.mulf %gather3A_1023, %mul3A_1024 : vector<16xf32>
        %add3A_1026 = arith.addf %while3A_960, %mul3A_1025 : vector<16xf32>
        %add3A_1027 = arith.constant 16 : i32
        %add3A_1028 = vector.broadcast %add3A_1027 : i32 to vector<16xi32>
        %add3A_1029 = arith.addi %add3A_1022, %add3A_1028 : vector<16xi32>
        %gather3A_1030 = tpu.vector_load_idx %arg9[%add3A_1029] : memref<18496xf32, #tpu.memory_space<vmem>>[vector<16xi32>], vector<16xf32>,
        %mul3A_1031 = vector.broadcast %squeeze3A_981 : f32 to vector<16xf32>
        %mul3A_1032 = arith.mulf %gather3A_1030, %mul3A_1031 : vector<16xf32>
        %add3A_1033 = arith.addf %while3A_961, %mul3A_1032 : vector<16xf32>
        %add3A_1034 = arith.constant 18 : i32
        %add3A_1035 = vector.broadcast %add3A_1034 : i32 to vector<16xi32>
        %add3A_1036 = arith.addi %add3A_1029, %add3A_1035 : vector<16xi32>
        %gather3A_1037 = tpu.vector_load_idx %arg9[%add3A_1036] : memref<18496xf32, #tpu.memory_space<vmem>>[vector<16xi32>], vector<16xf32>,
        %mul3A_1038 = vector.broadcast %squeeze3A_981 : f32 to vector<16xf32>
        %mul3A_1039 = arith.mulf %gather3A_1037, %mul3A_1038 : vector<16xf32>
        %add3A_1040 = arith.addf %while3A_962, %mul3A_1039 : vector<16xf32>
        %add3A_1041 = arith.constant 16 : i32
        %add3A_1042 = vector.broadcast %add3A_1041 : i32 to vector<16xi32>
        %add3A_1043 = arith.addi %add3A_1036, %add3A_1042 : vector<16xi32>
        %gather3A_1044 = tpu.vector_load_idx %arg9[%add3A_1043] : memref<18496xf32, #tpu.memory_space<vmem>>[vector<16xi32>], vector<16xf32>,
        %mul3A_1045 = vector.broadcast %squeeze3A_981 : f32 to vector<16xf32>
        %mul3A_1046 = arith.mulf %gather3A_1044, %mul3A_1045 : vector<16xf32>
        %add3A_1047 = arith.addf %while3A_963, %mul3A_1046 : vector<16xf32>
        %add3A_1048 = arith.constant 18 : i32
        %add3A_1049 = vector.broadcast %add3A_1048 : i32 to vector<16xi32>
        %add3A_1050 = arith.addi %add3A_1043, %add3A_1049 : vector<16xi32>
        %gather3A_1051 = tpu.vector_load_idx %arg9[%add3A_1050] : memref<18496xf32, #tpu.memory_space<vmem>>[vector<16xi32>], vector<16xf32>,
        %mul3A_1052 = vector.broadcast %squeeze3A_981 : f32 to vector<16xf32>
        %mul3A_1053 = arith.mulf %gather3A_1051, %mul3A_1052 : vector<16xf32>
        %add3A_1054 = arith.addf %while3A_964, %mul3A_1053 : vector<16xf32>
        %add3A_1055 = arith.constant 16 : i32
        %add3A_1056 = vector.broadcast %add3A_1055 : i32 to vector<16xi32>
        %add3A_1057 = arith.addi %add3A_1050, %add3A_1056 : vector<16xi32>
        %gather3A_1058 = tpu.vector_load_idx %arg9[%add3A_1057] : memref<18496xf32, #tpu.memory_space<vmem>>[vector<16xi32>], vector<16xf32>,
        %mul3A_1059 = vector.broadcast %squeeze3A_981 : f32 to vector<16xf32>
        %mul3A_1060 = arith.mulf %gather3A_1058, %mul3A_1059 : vector<16xf32>
        %add3A_1061 = arith.addf %while3A_965, %mul3A_1060 : vector<16xf32>
        %add3A_1062 = arith.constant 18 : i32
        %add3A_1063 = vector.broadcast %add3A_1062 : i32 to vector<16xi32>
        %add3A_1064 = arith.addi %add3A_1057, %add3A_1063 : vector<16xi32>
        %gather3A_1065 = tpu.vector_load_idx %arg9[%add3A_1064] : memref<18496xf32, #tpu.memory_space<vmem>>[vector<16xi32>], vector<16xf32>,
        %mul3A_1066 = vector.broadcast %squeeze3A_981 : f32 to vector<16xf32>
        %mul3A_1067 = arith.mulf %gather3A_1065, %mul3A_1066 : vector<16xf32>
        %add3A_1068 = arith.addf %while3A_966, %mul3A_1067 : vector<16xf32>
        %add3A_1069 = arith.constant 16 : i32
        %add3A_1070 = vector.broadcast %add3A_1069 : i32 to vector<16xi32>
        %add3A_1071 = arith.addi %add3A_1064, %add3A_1070 : vector<16xi32>
        %gather3A_1072 = tpu.vector_load_idx %arg9[%add3A_1071] : memref<18496xf32, #tpu.memory_space<vmem>>[vector<16xi32>], vector<16xf32>,
        %mul3A_1073 = vector.broadcast %squeeze3A_981 : f32 to vector<16xf32>
        %mul3A_1074 = arith.mulf %gather3A_1072, %mul3A_1073 : vector<16xf32>
        %add3A_1075 = arith.addf %while3A_967, %mul3A_1074 : vector<16xf32>
        %add3A_1076 = arith.constant 18 : i32
        %add3A_1077 = vector.broadcast %add3A_1076 : i32 to vector<16xi32>
        %add3A_1078 = arith.addi %add3A_1071, %add3A_1077 : vector<16xi32>
        %gather3A_1079 = tpu.vector_load_idx %arg9[%add3A_1078] : memref<18496xf32, #tpu.memory_space<vmem>>[vector<16xi32>], vector<16xf32>,
        %mul3A_1080 = vector.broadcast %squeeze3A_981 : f32 to vector<16xf32>
        %mul3A_1081 = arith.mulf %gather3A_1079, %mul3A_1080 : vector<16xf32>
        %add3A_1082 = arith.addf %while3A_968, %mul3A_1081 : vector<16xf32>
        %add3A_1083 = arith.constant 16 : i32
        %add3A_1084 = vector.broadcast %add3A_1083 : i32 to vector<16xi32>
        %add3A_1085 = arith.addi %add3A_1078, %add3A_1084 : vector<16xi32>
        %gather3A_1086 = tpu.vector_load_idx %arg9[%add3A_1085] : memref<18496xf32, #tpu.memory_space<vmem>>[vector<16xi32>], vector<16xf32>,
        %mul3A_1087 = vector.broadcast %squeeze3A_981 : f32 to vector<16xf32>
        %mul3A_1088 = arith.mulf %gather3A_1086, %mul3A_1087 : vector<16xf32>
        %add3A_1089 = arith.addf %while3A_969, %mul3A_1088 : vector<16xf32>
        scf.yield %add3A_984, %add3A_991, %add3A_998, %add3A_1005, %add3A_1012, %add3A_1019, %add3A_1026, %add3A_1033, %add3A_1040, %add3A_1047, %add3A_1054, %add3A_1061, %add3A_1068, %add3A_1075, %add3A_1082, %add3A_1089 : vector<16xf32>, vector<16xf32>, vector<16xf32>, vector<16xf32>, vector<16xf32>, vector<16xf32>, vector<16xf32>, vector<16xf32>, vector<16xf32>, vector<16xf32>, vector<16xf32>, vector<16xf32>, vector<16xf32>, vector<16xf32>, vector<16xf32>, vector<16xf32>
      }
      %while3A_823 = arith.constant 1 : i32
      %while3A_824:16 = scf.for %while3A_953 = %while3A_820 to %while3A_816 step %while3A_823 iter_args(%while3A_954 = %while3A_822#0, %while3A_955 = %while3A_822#1, %while3A_956 = %while3A_822#2, %while3A_957 = %while3A_822#3, %while3A_958 = %while3A_822#4, %while3A_959 = %while3A_822#5, %while3A_960 = %while3A_822#6, %while3A_961 = %while3A_822#7, %while3A_962 = %while3A_822#8, %while3A_963 = %while3A_822#9, %while3A_964 = %while3A_822#10, %while3A_965 = %while3A_822#11, %while3A_966 = %while3A_822#12, %while3A_967 = %while3A_822#13, %while3A_968 = %while3A_822#14, %while3A_969 = %while3A_822#15) -> (vector<16xf32>, vector<16xf32>, vector<16xf32>, vector<16xf32>, vector<16xf32>, vector<16xf32>, vector<16xf32>, vector<16xf32>, vector<16xf32>, vector<16xf32>, vector<16xf32>, vector<16xf32>, vector<16xf32>, vector<16xf32>, vector<16xf32>, vector<16xf32>)  : i32 {
        %mul3A_970 = arith.muli %while3A_953, %while3A_813 : i32
        %add3A_971 = arith.addi %get3A_348, %mul3A_970 : i32
        %get3A_972 = arith.index_cast %add3A_971 : i32 to index
        %get3A_973 = tpu.vector_load %arg11[%get3A_972] {strides = array<i32>} : memref<1516xi32, #tpu.memory_space<vmem>>, vector<16xi32>,
        %get3A_974 = arith.index_cast %add3A_971 : i32 to index
        %get3A_975 = tpu.vector_load %arg12[%get3A_974] {strides = array<i32>} : memref<1516xf32, #tpu.memory_space<vmem>>, vector<16xf32>,
        %slice3A_976 = vector.extract_strided_slice %get3A_973 {offsets = [0], sizes = [1], strides = [1]} : vector<16xi32> to vector<1xi32>
        %squeeze3A_977 = vector.extract %slice3A_976[0] : i32 from vector<1xi32>
        %add3A_978 = vector.broadcast %squeeze3A_977 : i32 to vector<16xi32>
        %add3A_979 = arith.addi %add3A_805, %add3A_978 : vector<16xi32>
        %slice3A_980 = vector.extract_strided_slice %get3A_975 {offsets = [0], sizes = [1], strides = [1]} : vector<16xf32> to vector<1xf32>
        %squeeze3A_981 = vector.extract %slice3A_980[0] : f32 from vector<1xf32>
        %gather3A = tpu.vector_load_idx %arg9[%add3A_979] : memref<18496xf32, #tpu.memory_space<vmem>>[vector<16xi32>], vector<16xf32>,
        %mul3A_982 = vector.broadcast %squeeze3A_981 : f32 to vector<16xf32>
        %mul3A_983 = arith.mulf %gather3A, %mul3A_982 : vector<16xf32>
        %add3A_984 = arith.addf %while3A_954, %mul3A_983 : vector<16xf32>
        %add3A_985 = arith.constant 16 : i32
        %add3A_986 = vector.broadcast %add3A_985 : i32 to vector<16xi32>
        %add3A_987 = arith.addi %add3A_979, %add3A_986 : vector<16xi32>
        %gather3A_988 = tpu.vector_load_idx %arg9[%add3A_987] : memref<18496xf32, #tpu.memory_space<vmem>>[vector<16xi32>], vector<16xf32>,
        %mul3A_989 = vector.broadcast %squeeze3A_981 : f32 to vector<16xf32>
        %mul3A_990 = arith.mulf %gather3A_988, %mul3A_989 : vector<16xf32>
        %add3A_991 = arith.addf %while3A_955, %mul3A_990 : vector<16xf32>
        %add3A_992 = arith.constant 18 : i32
        %add3A_993 = vector.broadcast %add3A_992 : i32 to vector<16xi32>
        %add3A_994 = arith.addi %add3A_987, %add3A_993 : vector<16xi32>
        %gather3A_995 = tpu.vector_load_idx %arg9[%add3A_994] : memref<18496xf32, #tpu.memory_space<vmem>>[vector<16xi32>], vector<16xf32>,
        %mul3A_996 = vector.broadcast %squeeze3A_981 : f32 to vector<16xf32>
        %mul3A_997 = arith.mulf %gather3A_995, %mul3A_996 : vector<16xf32>
        %add3A_998 = arith.addf %while3A_956, %mul3A_997 : vector<16xf32>
        %add3A_999 = arith.constant 16 : i32
        %add3A_1000 = vector.broadcast %add3A_999 : i32 to vector<16xi32>
        %add3A_1001 = arith.addi %add3A_994, %add3A_1000 : vector<16xi32>
        %gather3A_1002 = tpu.vector_load_idx %arg9[%add3A_1001] : memref<18496xf32, #tpu.memory_space<vmem>>[vector<16xi32>], vector<16xf32>,
        %mul3A_1003 = vector.broadcast %squeeze3A_981 : f32 to vector<16xf32>
        %mul3A_1004 = arith.mulf %gather3A_1002, %mul3A_1003 : vector<16xf32>
        %add3A_1005 = arith.addf %while3A_957, %mul3A_1004 : vector<16xf32>
        %add3A_1006 = arith.constant 18 : i32
        %add3A_1007 = vector.broadcast %add3A_1006 : i32 to vector<16xi32>
        %add3A_1008 = arith.addi %add3A_1001, %add3A_1007 : vector<16xi32>
        %gather3A_1009 = tpu.vector_load_idx %arg9[%add3A_1008] : memref<18496xf32, #tpu.memory_space<vmem>>[vector<16xi32>], vector<16xf32>,
        %mul3A_1010 = vector.broadcast %squeeze3A_981 : f32 to vector<16xf32>
        %mul3A_1011 = arith.mulf %gather3A_1009, %mul3A_1010 : vector<16xf32>
        %add3A_1012 = arith.addf %while3A_958, %mul3A_1011 : vector<16xf32>
        %add3A_1013 = arith.constant 16 : i32
        %add3A_1014 = vector.broadcast %add3A_1013 : i32 to vector<16xi32>
        %add3A_1015 = arith.addi %add3A_1008, %add3A_1014 : vector<16xi32>
        %gather3A_1016 = tpu.vector_load_idx %arg9[%add3A_1015] : memref<18496xf32, #tpu.memory_space<vmem>>[vector<16xi32>], vector<16xf32>,
        %mul3A_1017 = vector.broadcast %squeeze3A_981 : f32 to vector<16xf32>
        %mul3A_1018 = arith.mulf %gather3A_1016, %mul3A_1017 : vector<16xf32>
        %add3A_1019 = arith.addf %while3A_959, %mul3A_1018 : vector<16xf32>
        %add3A_1020 = arith.constant 18 : i32
        %add3A_1021 = vector.broadcast %add3A_1020 : i32 to vector<16xi32>
        %add3A_1022 = arith.addi %add3A_1015, %add3A_1021 : vector<16xi32>
        %gather3A_1023 = tpu.vector_load_idx %arg9[%add3A_1022] : memref<18496xf32, #tpu.memory_space<vmem>>[vector<16xi32>], vector<16xf32>,
        %mul3A_1024 = vector.broadcast %squeeze3A_981 : f32 to vector<16xf32>
        %mul3A_1025 = arith.mulf %gather3A_1023, %mul3A_1024 : vector<16xf32>
        %add3A_1026 = arith.addf %while3A_960, %mul3A_1025 : vector<16xf32>
        %add3A_1027 = arith.constant 16 : i32
        %add3A_1028 = vector.broadcast %add3A_1027 : i32 to vector<16xi32>
        %add3A_1029 = arith.addi %add3A_1022, %add3A_1028 : vector<16xi32>
        %gather3A_1030 = tpu.vector_load_idx %arg9[%add3A_1029] : memref<18496xf32, #tpu.memory_space<vmem>>[vector<16xi32>], vector<16xf32>,
        %mul3A_1031 = vector.broadcast %squeeze3A_981 : f32 to vector<16xf32>
        %mul3A_1032 = arith.mulf %gather3A_1030, %mul3A_1031 : vector<16xf32>
        %add3A_1033 = arith.addf %while3A_961, %mul3A_1032 : vector<16xf32>
        %add3A_1034 = arith.constant 18 : i32
        %add3A_1035 = vector.broadcast %add3A_1034 : i32 to vector<16xi32>
        %add3A_1036 = arith.addi %add3A_1029, %add3A_1035 : vector<16xi32>
        %gather3A_1037 = tpu.vector_load_idx %arg9[%add3A_1036] : memref<18496xf32, #tpu.memory_space<vmem>>[vector<16xi32>], vector<16xf32>,
        %mul3A_1038 = vector.broadcast %squeeze3A_981 : f32 to vector<16xf32>
        %mul3A_1039 = arith.mulf %gather3A_1037, %mul3A_1038 : vector<16xf32>
        %add3A_1040 = arith.addf %while3A_962, %mul3A_1039 : vector<16xf32>
        %add3A_1041 = arith.constant 16 : i32
        %add3A_1042 = vector.broadcast %add3A_1041 : i32 to vector<16xi32>
        %add3A_1043 = arith.addi %add3A_1036, %add3A_1042 : vector<16xi32>
        %gather3A_1044 = tpu.vector_load_idx %arg9[%add3A_1043] : memref<18496xf32, #tpu.memory_space<vmem>>[vector<16xi32>], vector<16xf32>,
        %mul3A_1045 = vector.broadcast %squeeze3A_981 : f32 to vector<16xf32>
        %mul3A_1046 = arith.mulf %gather3A_1044, %mul3A_1045 : vector<16xf32>
        %add3A_1047 = arith.addf %while3A_963, %mul3A_1046 : vector<16xf32>
        %add3A_1048 = arith.constant 18 : i32
        %add3A_1049 = vector.broadcast %add3A_1048 : i32 to vector<16xi32>
        %add3A_1050 = arith.addi %add3A_1043, %add3A_1049 : vector<16xi32>
        %gather3A_1051 = tpu.vector_load_idx %arg9[%add3A_1050] : memref<18496xf32, #tpu.memory_space<vmem>>[vector<16xi32>], vector<16xf32>,
        %mul3A_1052 = vector.broadcast %squeeze3A_981 : f32 to vector<16xf32>
        %mul3A_1053 = arith.mulf %gather3A_1051, %mul3A_1052 : vector<16xf32>
        %add3A_1054 = arith.addf %while3A_964, %mul3A_1053 : vector<16xf32>
        %add3A_1055 = arith.constant 16 : i32
        %add3A_1056 = vector.broadcast %add3A_1055 : i32 to vector<16xi32>
        %add3A_1057 = arith.addi %add3A_1050, %add3A_1056 : vector<16xi32>
        %gather3A_1058 = tpu.vector_load_idx %arg9[%add3A_1057] : memref<18496xf32, #tpu.memory_space<vmem>>[vector<16xi32>], vector<16xf32>,
        %mul3A_1059 = vector.broadcast %squeeze3A_981 : f32 to vector<16xf32>
        %mul3A_1060 = arith.mulf %gather3A_1058, %mul3A_1059 : vector<16xf32>
        %add3A_1061 = arith.addf %while3A_965, %mul3A_1060 : vector<16xf32>
        %add3A_1062 = arith.constant 18 : i32
        %add3A_1063 = vector.broadcast %add3A_1062 : i32 to vector<16xi32>
        %add3A_1064 = arith.addi %add3A_1057, %add3A_1063 : vector<16xi32>
        %gather3A_1065 = tpu.vector_load_idx %arg9[%add3A_1064] : memref<18496xf32, #tpu.memory_space<vmem>>[vector<16xi32>], vector<16xf32>,
        %mul3A_1066 = vector.broadcast %squeeze3A_981 : f32 to vector<16xf32>
        %mul3A_1067 = arith.mulf %gather3A_1065, %mul3A_1066 : vector<16xf32>
        %add3A_1068 = arith.addf %while3A_966, %mul3A_1067 : vector<16xf32>
        %add3A_1069 = arith.constant 16 : i32
        %add3A_1070 = vector.broadcast %add3A_1069 : i32 to vector<16xi32>
        %add3A_1071 = arith.addi %add3A_1064, %add3A_1070 : vector<16xi32>
        %gather3A_1072 = tpu.vector_load_idx %arg9[%add3A_1071] : memref<18496xf32, #tpu.memory_space<vmem>>[vector<16xi32>], vector<16xf32>,
        %mul3A_1073 = vector.broadcast %squeeze3A_981 : f32 to vector<16xf32>
        %mul3A_1074 = arith.mulf %gather3A_1072, %mul3A_1073 : vector<16xf32>
        %add3A_1075 = arith.addf %while3A_967, %mul3A_1074 : vector<16xf32>
        %add3A_1076 = arith.constant 18 : i32
        %add3A_1077 = vector.broadcast %add3A_1076 : i32 to vector<16xi32>
        %add3A_1078 = arith.addi %add3A_1071, %add3A_1077 : vector<16xi32>
        %gather3A_1079 = tpu.vector_load_idx %arg9[%add3A_1078] : memref<18496xf32, #tpu.memory_space<vmem>>[vector<16xi32>], vector<16xf32>,
        %mul3A_1080 = vector.broadcast %squeeze3A_981 : f32 to vector<16xf32>
        %mul3A_1081 = arith.mulf %gather3A_1079, %mul3A_1080 : vector<16xf32>
        %add3A_1082 = arith.addf %while3A_968, %mul3A_1081 : vector<16xf32>
        %add3A_1083 = arith.constant 16 : i32
        %add3A_1084 = vector.broadcast %add3A_1083 : i32 to vector<16xi32>
        %add3A_1085 = arith.addi %add3A_1078, %add3A_1084 : vector<16xi32>
        %gather3A_1086 = tpu.vector_load_idx %arg9[%add3A_1085] : memref<18496xf32, #tpu.memory_space<vmem>>[vector<16xi32>], vector<16xf32>,
        %mul3A_1087 = vector.broadcast %squeeze3A_981 : f32 to vector<16xf32>
        %mul3A_1088 = arith.mulf %gather3A_1086, %mul3A_1087 : vector<16xf32>
        %add3A_1089 = arith.addf %while3A_969, %mul3A_1088 : vector<16xf32>
        scf.yield %add3A_984, %add3A_991, %add3A_998, %add3A_1005, %add3A_1012, %add3A_1019, %add3A_1026, %add3A_1033, %add3A_1040, %add3A_1047, %add3A_1054, %add3A_1061, %add3A_1068, %add3A_1075, %add3A_1082, %add3A_1089 : vector<16xf32>, vector<16xf32>, vector<16xf32>, vector<16xf32>, vector<16xf32>, vector<16xf32>, vector<16xf32>, vector<16xf32>, vector<16xf32>, vector<16xf32>, vector<16xf32>, vector<16xf32>, vector<16xf32>, vector<16xf32>, vector<16xf32>, vector<16xf32>
      }
      %mul3A_825 = arith.constant 1024 : i32
      %mul3A_826 = arith.muli %add3A_346, %mul3A_825 : i32
      %add3A_827 = arith.constant 768 : i32
      %add3A_828 = arith.addi %mul3A_826, %add3A_827 : i32
      %add3A_829 = arith.constant 0 : i32
      %add3A_830 = arith.addi %add3A_828, %add3A_829 : i32
      %swap3A_831 = arith.index_cast %add3A_830 : i32 to index
      %swap3A_832 = tpu.vector_load %arg10[%swap3A_831] {strides = array<i32>} : memref<32768xf32, #tpu.memory_space<vmem>>, vector<16xf32>,
      tpu.vector_store %arg10[%swap3A_831], %while3A_824#0 {strides = array<i32>} : memref<32768xf32, #tpu.memory_space<vmem>>, vector<16xf32>,
      %mul3A_833 = arith.constant 1024 : i32
      %mul3A_834 = arith.muli %add3A_346, %mul3A_833 : i32
      %add3A_835 = arith.constant 768 : i32
      %add3A_836 = arith.addi %mul3A_834, %add3A_835 : i32
      %add3A_837 = arith.constant 16 : i32
      %add3A_838 = arith.addi %add3A_836, %add3A_837 : i32
      %swap3A_839 = arith.index_cast %add3A_838 : i32 to index
      %swap3A_840 = tpu.vector_load %arg10[%swap3A_839] {strides = array<i32>} : memref<32768xf32, #tpu.memory_space<vmem>>, vector<16xf32>,
      tpu.vector_store %arg10[%swap3A_839], %while3A_824#1 {strides = array<i32>} : memref<32768xf32, #tpu.memory_space<vmem>>, vector<16xf32>,
      %mul3A_841 = arith.constant 1024 : i32
      %mul3A_842 = arith.muli %add3A_346, %mul3A_841 : i32
      %add3A_843 = arith.constant 768 : i32
      %add3A_844 = arith.addi %mul3A_842, %add3A_843 : i32
      %add3A_845 = arith.constant 32 : i32
      %add3A_846 = arith.addi %add3A_844, %add3A_845 : i32
      %swap3A_847 = arith.index_cast %add3A_846 : i32 to index
      %swap3A_848 = tpu.vector_load %arg10[%swap3A_847] {strides = array<i32>} : memref<32768xf32, #tpu.memory_space<vmem>>, vector<16xf32>,
      tpu.vector_store %arg10[%swap3A_847], %while3A_824#2 {strides = array<i32>} : memref<32768xf32, #tpu.memory_space<vmem>>, vector<16xf32>,
      %mul3A_849 = arith.constant 1024 : i32
      %mul3A_850 = arith.muli %add3A_346, %mul3A_849 : i32
      %add3A_851 = arith.constant 768 : i32
      %add3A_852 = arith.addi %mul3A_850, %add3A_851 : i32
      %add3A_853 = arith.constant 48 : i32
      %add3A_854 = arith.addi %add3A_852, %add3A_853 : i32
      %swap3A_855 = arith.index_cast %add3A_854 : i32 to index
      %swap3A_856 = tpu.vector_load %arg10[%swap3A_855] {strides = array<i32>} : memref<32768xf32, #tpu.memory_space<vmem>>, vector<16xf32>,
      tpu.vector_store %arg10[%swap3A_855], %while3A_824#3 {strides = array<i32>} : memref<32768xf32, #tpu.memory_space<vmem>>, vector<16xf32>,
      %mul3A_857 = arith.constant 1024 : i32
      %mul3A_858 = arith.muli %add3A_346, %mul3A_857 : i32
      %add3A_859 = arith.constant 768 : i32
      %add3A_860 = arith.addi %mul3A_858, %add3A_859 : i32
      %add3A_861 = arith.constant 64 : i32
      %add3A_862 = arith.addi %add3A_860, %add3A_861 : i32
      %swap3A_863 = arith.index_cast %add3A_862 : i32 to index
      %swap3A_864 = tpu.vector_load %arg10[%swap3A_863] {strides = array<i32>} : memref<32768xf32, #tpu.memory_space<vmem>>, vector<16xf32>,
      tpu.vector_store %arg10[%swap3A_863], %while3A_824#4 {strides = array<i32>} : memref<32768xf32, #tpu.memory_space<vmem>>, vector<16xf32>,
      %mul3A_865 = arith.constant 1024 : i32
      %mul3A_866 = arith.muli %add3A_346, %mul3A_865 : i32
      %add3A_867 = arith.constant 768 : i32
      %add3A_868 = arith.addi %mul3A_866, %add3A_867 : i32
      %add3A_869 = arith.constant 80 : i32
      %add3A_870 = arith.addi %add3A_868, %add3A_869 : i32
      %swap3A_871 = arith.index_cast %add3A_870 : i32 to index
      %swap3A_872 = tpu.vector_load %arg10[%swap3A_871] {strides = array<i32>} : memref<32768xf32, #tpu.memory_space<vmem>>, vector<16xf32>,
      tpu.vector_store %arg10[%swap3A_871], %while3A_824#5 {strides = array<i32>} : memref<32768xf32, #tpu.memory_space<vmem>>, vector<16xf32>,
      %mul3A_873 = arith.constant 1024 : i32
      %mul3A_874 = arith.muli %add3A_346, %mul3A_873 : i32
      %add3A_875 = arith.constant 768 : i32
      %add3A_876 = arith.addi %mul3A_874, %add3A_875 : i32
      %add3A_877 = arith.constant 96 : i32
      %add3A_878 = arith.addi %add3A_876, %add3A_877 : i32
      %swap3A_879 = arith.index_cast %add3A_878 : i32 to index
      %swap3A_880 = tpu.vector_load %arg10[%swap3A_879] {strides = array<i32>} : memref<32768xf32, #tpu.memory_space<vmem>>, vector<16xf32>,
      tpu.vector_store %arg10[%swap3A_879], %while3A_824#6 {strides = array<i32>} : memref<32768xf32, #tpu.memory_space<vmem>>, vector<16xf32>,
      %mul3A_881 = arith.constant 1024 : i32
      %mul3A_882 = arith.muli %add3A_346, %mul3A_881 : i32
      %add3A_883 = arith.constant 768 : i32
      %add3A_884 = arith.addi %mul3A_882, %add3A_883 : i32
      %add3A_885 = arith.constant 112 : i32
      %add3A_886 = arith.addi %add3A_884, %add3A_885 : i32
      %swap3A_887 = arith.index_cast %add3A_886 : i32 to index
      %swap3A_888 = tpu.vector_load %arg10[%swap3A_887] {strides = array<i32>} : memref<32768xf32, #tpu.memory_space<vmem>>, vector<16xf32>,
      tpu.vector_store %arg10[%swap3A_887], %while3A_824#7 {strides = array<i32>} : memref<32768xf32, #tpu.memory_space<vmem>>, vector<16xf32>,
      %mul3A_889 = arith.constant 1024 : i32
      %mul3A_890 = arith.muli %add3A_346, %mul3A_889 : i32
      %add3A_891 = arith.constant 768 : i32
      %add3A_892 = arith.addi %mul3A_890, %add3A_891 : i32
      %add3A_893 = arith.constant 128 : i32
      %add3A_894 = arith.addi %add3A_892, %add3A_893 : i32
      %swap3A_895 = arith.index_cast %add3A_894 : i32 to index
      %swap3A_896 = tpu.vector_load %arg10[%swap3A_895] {strides = array<i32>} : memref<32768xf32, #tpu.memory_space<vmem>>, vector<16xf32>,
      tpu.vector_store %arg10[%swap3A_895], %while3A_824#8 {strides = array<i32>} : memref<32768xf32, #tpu.memory_space<vmem>>, vector<16xf32>,
      %mul3A_897 = arith.constant 1024 : i32
      %mul3A_898 = arith.muli %add3A_346, %mul3A_897 : i32
      %add3A_899 = arith.constant 768 : i32
      %add3A_900 = arith.addi %mul3A_898, %add3A_899 : i32
      %add3A_901 = arith.constant 144 : i32
      %add3A_902 = arith.addi %add3A_900, %add3A_901 : i32
      %swap3A_903 = arith.index_cast %add3A_902 : i32 to index
      %swap3A_904 = tpu.vector_load %arg10[%swap3A_903] {strides = array<i32>} : memref<32768xf32, #tpu.memory_space<vmem>>, vector<16xf32>,
      tpu.vector_store %arg10[%swap3A_903], %while3A_824#9 {strides = array<i32>} : memref<32768xf32, #tpu.memory_space<vmem>>, vector<16xf32>,
      %mul3A_905 = arith.constant 1024 : i32
      %mul3A_906 = arith.muli %add3A_346, %mul3A_905 : i32
      %add3A_907 = arith.constant 768 : i32
      %add3A_908 = arith.addi %mul3A_906, %add3A_907 : i32
      %add3A_909 = arith.constant 160 : i32
      %add3A_910 = arith.addi %add3A_908, %add3A_909 : i32
      %swap3A_911 = arith.index_cast %add3A_910 : i32 to index
      %swap3A_912 = tpu.vector_load %arg10[%swap3A_911] {strides = array<i32>} : memref<32768xf32, #tpu.memory_space<vmem>>, vector<16xf32>,
      tpu.vector_store %arg10[%swap3A_911], %while3A_824#10 {strides = array<i32>} : memref<32768xf32, #tpu.memory_space<vmem>>, vector<16xf32>,
      %mul3A_913 = arith.constant 1024 : i32
      %mul3A_914 = arith.muli %add3A_346, %mul3A_913 : i32
      %add3A_915 = arith.constant 768 : i32
      %add3A_916 = arith.addi %mul3A_914, %add3A_915 : i32
      %add3A_917 = arith.constant 176 : i32
      %add3A_918 = arith.addi %add3A_916, %add3A_917 : i32
      %swap3A_919 = arith.index_cast %add3A_918 : i32 to index
      %swap3A_920 = tpu.vector_load %arg10[%swap3A_919] {strides = array<i32>} : memref<32768xf32, #tpu.memory_space<vmem>>, vector<16xf32>,
      tpu.vector_store %arg10[%swap3A_919], %while3A_824#11 {strides = array<i32>} : memref<32768xf32, #tpu.memory_space<vmem>>, vector<16xf32>,
      %mul3A_921 = arith.constant 1024 : i32
      %mul3A_922 = arith.muli %add3A_346, %mul3A_921 : i32
      %add3A_923 = arith.constant 768 : i32
      %add3A_924 = arith.addi %mul3A_922, %add3A_923 : i32
      %add3A_925 = arith.constant 192 : i32
      %add3A_926 = arith.addi %add3A_924, %add3A_925 : i32
      %swap3A_927 = arith.index_cast %add3A_926 : i32 to index
      %swap3A_928 = tpu.vector_load %arg10[%swap3A_927] {strides = array<i32>} : memref<32768xf32, #tpu.memory_space<vmem>>, vector<16xf32>,
      tpu.vector_store %arg10[%swap3A_927], %while3A_824#12 {strides = array<i32>} : memref<32768xf32, #tpu.memory_space<vmem>>, vector<16xf32>,
      %mul3A_929 = arith.constant 1024 : i32
      %mul3A_930 = arith.muli %add3A_346, %mul3A_929 : i32
      %add3A_931 = arith.constant 768 : i32
      %add3A_932 = arith.addi %mul3A_930, %add3A_931 : i32
      %add3A_933 = arith.constant 208 : i32
      %add3A_934 = arith.addi %add3A_932, %add3A_933 : i32
      %swap3A_935 = arith.index_cast %add3A_934 : i32 to index
      %swap3A_936 = tpu.vector_load %arg10[%swap3A_935] {strides = array<i32>} : memref<32768xf32, #tpu.memory_space<vmem>>, vector<16xf32>,
      tpu.vector_store %arg10[%swap3A_935], %while3A_824#13 {strides = array<i32>} : memref<32768xf32, #tpu.memory_space<vmem>>, vector<16xf32>,
      %mul3A_937 = arith.constant 1024 : i32
      %mul3A_938 = arith.muli %add3A_346, %mul3A_937 : i32
      %add3A_939 = arith.constant 768 : i32
      %add3A_940 = arith.addi %mul3A_938, %add3A_939 : i32
      %add3A_941 = arith.constant 224 : i32
      %add3A_942 = arith.addi %add3A_940, %add3A_941 : i32
      %swap3A_943 = arith.index_cast %add3A_942 : i32 to index
      %swap3A_944 = tpu.vector_load %arg10[%swap3A_943] {strides = array<i32>} : memref<32768xf32, #tpu.memory_space<vmem>>, vector<16xf32>,
      tpu.vector_store %arg10[%swap3A_943], %while3A_824#14 {strides = array<i32>} : memref<32768xf32, #tpu.memory_space<vmem>>, vector<16xf32>,
      %mul3A_945 = arith.constant 1024 : i32
      %mul3A_946 = arith.muli %add3A_346, %mul3A_945 : i32
      %add3A_947 = arith.constant 768 : i32
      %add3A_948 = arith.addi %mul3A_946, %add3A_947 : i32
      %add3A_949 = arith.constant 240 : i32
      %add3A_950 = arith.addi %add3A_948, %add3A_949 : i32
      %swap3A_951 = arith.index_cast %add3A_950 : i32 to index
      %swap3A_952 = tpu.vector_load %arg10[%swap3A_951] {strides = array<i32>} : memref<32768xf32, #tpu.memory_space<vmem>>, vector<16xf32>,
      tpu.vector_store %arg10[%swap3A_951], %while3A_824#15 {strides = array<i32>} : memref<32768xf32, #tpu.memory_space<vmem>>, vector<16xf32>,
    }
    %scan3A_341 = arith.constant 32 : i32
    "tpu.region"() ({
      %run_scoped3A = tpu.sem_alloc : memref<!tpu.dma_semaphore, #tpu.memory_space<semaphore_mem>>
      %dma_start3A = arith.constant 0 : i32
      %dma_start3A_342 = tpu.memref_slice %arg7[%add3A, %dma_start3A] : memref<32x32768xf32, #tpu.memory_space<hbm>> -> memref<1x32768xf32, #tpu.memory_space<hbm>>
      %dma_start3A_343 = tpu.memref_squeeze %dma_start3A_342 : memref<1x32768xf32, #tpu.memory_space<hbm>> -> memref<32768xf32, #tpu.memory_space<hbm>>
      %dma_start3A_344 = arith.constant 0 : i32
      %dma_start3A_345 = tpu.memref_slice %arg7[%add3A, %dma_start3A_344] : memref<32x32768xf32, #tpu.memory_space<hbm>> -> memref<1x32768xf32, #tpu.memory_space<hbm>>
      %dma_start3A_346 = tpu.memref_squeeze %dma_start3A_345 : memref<1x32768xf32, #tpu.memory_space<hbm>> -> memref<32768xf32, #tpu.memory_space<hbm>>
      tpu.enqueue_dma source(%arg10 : memref<32768xf32, #tpu.memory_space<vmem>>) target(%dma_start3A_346 : memref<32768xf32, #tpu.memory_space<hbm>>) target_semaphore(%run_scoped3A : memref<!tpu.dma_semaphore, #tpu.memory_space<semaphore_mem>>)
      %dma_wait3A = arith.constant 0 : i32
      %dma_wait3A_347 = tpu.memref_slice %arg7[%add3A, %dma_wait3A] : memref<32x32768xf32, #tpu.memory_space<hbm>> -> memref<1x32768xf32, #tpu.memory_space<hbm>>
      %dma_wait3A_348 = tpu.memref_squeeze %dma_wait3A_347 : memref<1x32768xf32, #tpu.memory_space<hbm>> -> memref<32768xf32, #tpu.memory_space<hbm>>
      %dma_wait3A_349 = arith.constant 0 : i32
      %dma_wait3A_350 = tpu.memref_slice %arg7[%add3A, %dma_wait3A_349] : memref<32x32768xf32, #tpu.memory_space<hbm>> -> memref<1x32768xf32, #tpu.memory_space<hbm>>
      %dma_wait3A_351 = tpu.memref_squeeze %dma_wait3A_350 : memref<1x32768xf32, #tpu.memory_space<hbm>> -> memref<32768xf32, #tpu.memory_space<hbm>>
      tpu.wait_dma2 semaphore(%run_scoped3A : memref<!tpu.dma_semaphore, #tpu.memory_space<semaphore_mem>>) src(%arg10 : memref<32768xf32, #tpu.memory_space<vmem>>) dst(%dma_wait3A_351 : memref<32768xf32, #tpu.memory_space<hbm>>)
      tpu.yield
    }) : () -> ()
    return
  }
}

</mosaic_0001>

<sc_bundles>
// kernel: kernel.3.cloned.1.call-start
scs
__scs_entry_jumppad:
0x0: {  	(pc) =	sbr.rel $0x88, $3  }
0x1: {  	(tag) =	ssettag $0x0;
	lr =	simm.s32 $0x1  }
0x2: {  	[smem:$0x3F9B] =	sst lr;
	_ =	strace $0xD0000000  }
0x3: {  	_ = 	snop  }
0x4: {  	_ = 	snop  }
0x5: {  	_ = 	snop  }
0x6: {  	_ = 	snop  }
0x7: {  	_ = 	snop  }
__scs_overlays_trampoline_lowered:
0x8: {  	[smem:$0x3FAA] =	sst s0  }
0x9: {  	[smem:$0x3FAB] =	sst s1  }
0xa: {  	[smem:$0x3FAC] =	sst s2  }
0xb: {  	[smem:$0x3FAD] =	sst s3  }
0xc: {  	[smem:$0x3FAE] =	sst s4  }
0xd: {  	[smem:$0x3FAF] =	sst s5  }
0xe: {  	[smem:$0x3FB0] =	sst s6  }
0xf: {  	[smem:$0x3FB1] =	sst s7  }
0x10: {  	[smem:$0x3FB2] =	sst s8  }
0x11: {  	[smem:$0x3FB3] =	sst s9;
	s0 =	simm.s32 @!p0 $0x0  }
0x12: {  	s1 =	sld [smem:$0x3F99];
	s0 =	simm.s32 @p0 $0x1  }
0x13: {  	[smem:$0x3FB4] =	sst s0;
	s0 =	simm.s32 @!p1 $0x0  }
0x14: {  	s2 =	sld [smem:$0x3F98];
	s0 =	simm.s32 @p1 $0x1  }
0x15: {  	[smem:$0x3FB5] =	sst s0;
	s0 =	simm.s32 @!p2 $0x0  }
0x16: {  	s3 =	sld [smem:$0x3FDB];
	s0 =	simm.s32 @p2 $0x1  }
0x17: {  	s4 =	simm.s32 $0x1BF5;
	[smem:$0x3FB7] =	sst s0  }
0x18: {  	s0 =	sld [smem:$0x3F9A];
	_ =	swait.ge [sflag:s4], $0x0  }
0x19: {  	s7 =	sld [smem:$0x3F9B]  }
0x1a: {  	s8 =	sadd.s32 $0xFFFFE003, lr  }
0x1b: {  	s9 =	sadd.s32 $0xFFFFFEF7, lr;
	s5 =	simm.s32 $0xFFFFFFFF;
	p2 =	slt.u32 s8, $0xFFFFF086  }
0x1c: {  	p1 =	slt.u32 s9, $0xF7A;
	s5 =	simm.s32 @!p2 $0x0  }
0x1d: {  	s5 =	simm.s32 @p1 $0x1;
	p0 =	seq.s32 s7, s2  }
0x1e: {  	s7 =	smul.u32 @!p0 $0xF7A, s2;
	p2 =	seq.s32 @!p0 s5, $0x0  }
0x1f: {  	s9 =	smul.u32 $0xF7A, s1;
	s8 =	simm.s32 @!p0 $0x1BF5;
	p2 =	por !p2, p0  }
0x20: {  	[sflag:s8] =	ssyncset.s32 @!p0 $0xFFFFF086;
	s6 =	sadd.s32 @!p0 s3, s7;
	s7 =	simm.s32 @!p0 $0x108  }
0x21: {  	s3 =	sadd.s32 s3, s9;
	s6 =	sadd.s32 @!p0 $0x88, s6;
	s7 =	simm.s32 @p2 $0x1082  }
0x22: {  	[simem:s7], [sflag:s8] =	dma.local @!p0 [hbm:s6], $0xF7A  }
0x23: {  	s9 =	sor.u32 $0xD0000000, s2;
	s6 =	simm.s32 $0x108;
	_ =	swait.ge @!p0 [sflag:s8], $0x0  }
0x24: {  	s3 =	sadd.s32 $0x88, s3;
	s6 =	simm.s32 @!p1 $0x1082;
	[sflag:s4] =	ssyncset.s32 $0xFFFFF086  }
0x25: {  	[simem:s6], [sflag:s4] =	dma.local [hbm:s3], $0xF7A  }
0x26: {  	[smem:$0x3F9B] =	sst s1;
	(tag) =	ssettag s2;
	_ =	strace s9  }
0x27: {  	s1 =	sld [smem:$0x3FAB]  }
0x28: {  	s2 =	sld [smem:$0x3FAC]  }
0x29: {  	s4 =	sld [smem:$0x3FAE]  }
0x2a: {  	p0 =	seq.s32 s5, $0x0;
	s5 =	sld [smem:$0x3FAF]  }
0x2b: {  	s6 =	sld [smem:$0x3FB0]  }
0x2c: {  	s7 =	sld [smem:$0x3FB1]  }
0x2d: {  	s3 =	simm.s32 $0x108;
	s8 =	sld [smem:$0x3FB2]  }
0x2e: {  	s3 =	simm.s32 @!p0 $0x1082;
	s9 =	sld [smem:$0x3FB3]  }
0x2f: {  	lr =	sadd.s32 s0, s3;
	s0 =	sld [smem:$0x3FAA]  }
0x30: {  	s3 =	sld [smem:$0x3FAD]  }
0x31: {  	[smem:$0x3FB6] =	sst s10  }
0x32: {  	s10 =	sld [smem:$0x3FB4];
	_ =	sdelay $0x3  }
0x33: {  	p0 =	seq.s32 s10, $0x1;
	s10 =	sld [smem:$0x3FB6];
	_ =	sdelay $0x3  }
0x34: {  	[smem:$0x3FB6] =	sst s10  }
0x35: {  	s10 =	sld [smem:$0x3FB5];
	_ =	sdelay $0x3  }
0x36: {  	p1 =	seq.s32 s10, $0x1;
	s10 =	sld [smem:$0x3FB6];
	_ =	sdelay $0x3  }
0x37: {  	[smem:$0x3FB6] =	sst s10  }
0x38: {  	s10 =	sld [smem:$0x3FB7]  }
0x39: {  	_ = 	snop;
	(pc) =	sbr.ind lr, $3  }
0x3a: {  	_ = 	snop  }
0x3b: {  	_ = 	snop  }
0x3c: {  	p2 =	seq.s32 s10, $0x1;
	s10 =	sld [smem:$0x3FB6]  }
0x3d: {  	_ =	shalt  }
0x3e: {  	_ =	shalt  }
0x3f: {  	_ =	shalt  }
0x40: {  	_ =	shalt  }
0x41: {  	_ =	shalt  }
0x42: {  	_ =	shalt  }
0x43: {  	_ =	shalt  }
0x44: {  	_ =	shalt  }
0x45: {  	_ =	shalt  }
0x46: {  	_ =	shalt  }
0x47: {  	_ =	shalt  }
0x48: {  	_ =	shalt  }
0x49: {  	_ =	shalt  }
0x4a: {  	_ =	shalt  }
0x4b: {  	_ =	shalt  }
0x4c: {  	_ =	shalt  }
0x4d: {  	_ =	shalt  }
0x4e: {  	_ =	shalt  }
0x4f: {  	_ =	shalt  }
0x50: {  	_ =	shalt  }
0x51: {  	_ =	shalt  }
0x52: {  	_ =	shalt  }
0x53: {  	_ =	shalt  }
0x54: {  	_ =	shalt  }
0x55: {  	_ =	shalt  }
0x56: {  	_ =	shalt  }
0x57: {  	_ =	shalt  }
0x58: {  	_ =	shalt  }
0x59: {  	_ =	shalt  }
0x5a: {  	_ =	shalt  }
0x5b: {  	_ =	shalt  }
0x5c: {  	_ =	shalt  }
0x5d: {  	_ =	shalt  }
0x5e: {  	_ =	shalt  }
0x5f: {  	_ =	shalt  }
0x60: {  	_ =	shalt  }
0x61: {  	_ =	shalt  }
0x62: {  	_ =	shalt  }
0x63: {  	_ =	shalt  }
0x64: {  	_ =	shalt  }
0x65: {  	_ =	shalt  }
0x66: {  	_ =	shalt  }
0x67: {  	_ =	shalt  }
0x68: {  	_ =	shalt  }
0x69: {  	_ =	shalt  }
0x6a: {  	_ =	shalt  }
0x6b: {  	_ =	shalt  }
0x6c: {  	_ =	shalt  }
0x6d: {  	_ =	shalt  }
0x6e: {  	_ =	shalt  }
0x6f: {  	_ =	shalt  }
0x70: {  	_ =	shalt  }
0x71: {  	_ =	shalt  }
0x72: {  	_ =	shalt  }
0x73: {  	_ =	shalt  }
0x74: {  	_ =	shalt  }
0x75: {  	_ =	shalt  }
0x76: {  	_ =	shalt  }
0x77: {  	_ =	shalt  }
0x78: {  	_ =	shalt  }
0x79: {  	_ =	shalt  }
0x7a: {  	_ =	shalt  }
0x7b: {  	_ =	shalt  }
0x7c: {  	_ =	shalt  }
0x7d: {  	_ =	shalt  }
0x7e: {  	_ =	shalt  }
0x7f: {  	_ =	shalt  }
0x80: {  	_ =	shalt  }
0x81: {  	_ =	shalt  }
0x82: {  	_ =	shalt  }
0x83: {  	_ =	shalt  }
0x84: {  	_ =	shalt  }
0x85: {  	_ =	shalt  }
0x86: {  	_ =	shalt  }
0x87: {  	_ =	shalt  }
.Lfunc_end0:
.L_simem_size_0:
called_computation_lowered:
.L_overlay_start_0:
0x88: {  	s2 =	sld [smem:$0x3FD9]  }
0x89: {  	s3 =	sld [smem:$0x3FFE];
	_ =	sdelay $0x1  }
0x8a: {  	s1 =	srdreg.scid  }
0x8b: {  	s0 =	sand.u32 $0x1, s1  }
0x8c: {  	s17 =	sshll.u32 s0, $0xA;
	s2 =	sadd.s32 s3, s2  }
0x8d: {  	s2 =	sadd.s32 s2, s17  }
0x8e: {  	[smem:$0x3FC2] =	sst s2  }
0x8f: {  	_ = 	snop  }
0x90: {  	s2 =	sld [smem:$0x3FC9]  }
0x91: {  	s18 =	sld [smem:$0x3FC8]  }
0x92: {  	s4 =	sld [smem:$0x3FC6]  }
0x93: {  	s5 =	sld [smem:$0x3FD0];
	(tm) =	ssettm $0x1  }
0x94: {  	s6 =	sld [smem:$0x3FFB];
	_ =	sdelay $0x3  }
0x95: {  	_ =	strace s6  }
0x96: {  	s6 =	sld [smem:$0x3FFC];
	_ =	sdelay $0x3  }
0x97: {  	_ =	strace s6  }
0x98: {  	s6 =	sld [smem:$0x3FFD];
	_ =	sdelay $0x3  }
0x99: {  	_ =	strace s6  }
0x9a: {  	_ =	strace $0x8FFFFFFF  }
0x9b: {  	s19 =	sld [smem:$0x3FDB];
	_ =	sdelay $0x1  }
0x9c: {  	s7 =	simm.s32 $_scs_section_size  }
0x9d: {  	s8 =	simm.s32 $_size__tile_overlayer_lowered;
	s9 =	simm.s32 $_tile_overlayer_lowered  }
0x9e: {  	s22 =	simm.s32 $0x1BFF;
	s21 =	sshll.u32 s9, $0x1;
	s6 =	sadd.s32 s7, s19  }
0x9f: {  	s10 =	simm.s32 $0x0;
	s20 =	sshll.u32 s8, $0x1;
	s8 =	sadd.s32 s21, s6  }
0xa0: {  	[timem:s10], [sflag:s22] =	dma.local [hbm:s8], s20  }
0xa1: {  	_ =	swait.ge [sflag:s22], s20  }
0xa2: {  	s7 =	ssub.s32 $0x0, s20;
	[sflag:s22] =	ssyncset.done $0x0  }
0xa3: {  	[sflag:s22] =	ssyncadd.s32 s7;
	_ =	sdelay $0x1  }
0xa4: {  	s23 =	simm.s32 $0x1B8B  }
0xa5: {  	_ =	swait.ge [sflag:s23], $0x1  }
0xa6: {  	[sflag:s23] =	ssyncset.done $0x0  }
0xa7: {  	s25 =	simm.s32 $0x1B8E;
	s24 =	sld [smem:$0x3FFE];
	[sflag:s23] =	ssyncadd.s32 $0xFFFFFFFF  }
0xa8: {  	s26 =	simm.s32 $execute0_lowered;
	[smem:$0x3FD2] =	sst s25  }
0xa9: {  	s8 =	sshll.u32 s26, $0x1;
	_ =	strace $0x80000046;
	[dreg:$0x1] =	wrdreg $0xFFFFFFFF  }
0xaa: {  	s28 =	simm.s32 $_size_execute0_lowered;
	s6 =	sadd.s32 s6, s8;
	[dreg:$0x0] =	wrdreg $0x0  }
0xab: {  	s8 =	sshll.u32 s28, $0x1;
	[dreg:$0x2] =	wrdreg s6  }
0xac: {  	[dreg:$0x3] =	wrdreg s8  }
0xad: {  	[dreg:$0x4] =	wrdreg $0xC0  }
0xae: {  	_ =	task [dreg:s10], $0x5FFFF  }
0xaf: {  	[dreg:$0x1] =	wrdreg $0xFFFFFFFF  }
0xb0: {  	[dreg:$0x0] =	wrdreg $0x60  }
0xb1: {  	[dreg:$0x2] =	wrdreg s2  }
0xb2: {  	[dreg:$0x3] =	wrdreg s4  }
0xb3: {  	[dreg:$0x4] =	wrdreg s18  }
0xb4: {  	[dreg:$0x5] =	wrdreg s5  }
0xb5: {  	[dreg:$0x6] =	wrdreg s24  }
0xb6: {  	[dreg:$0x7] =	wrdreg $0x9  }
0xb7: {  	_ =	task.clear_ibuf [dreg:s10], $0x8FFFF;
	_ =	strace $0x90000046  }
0xb8: {  	s29 =	simm.s32 $0x9;
	_ =	strace $0x80000048  }
0xb9: {  	_ =	swait.ge [sflag:s29], $0x1  }
0xba: {  	[sflag:s29] =	ssyncadd.s32 $0xFFFFFFFF  }
0xbb: {  	_ =	strace $0x90000048  }
0xbc: {  	_ =	sfence  }
0xbd: {  	s30 =	sld [smem:$0x0];
	_ =	sdelay $0x2  }
0xbe: {  	s31 =	sshll.u32 s1, $0xD;
	s1 =	sshrl.u32 s1, $0x2  }
0xbf: {  	s3 =	sand.u32 $0x4000, s31;
	s1 =	sadd.s32 s1, s30  }
0xc0: {  	s0 =	sor.u32 s3, s0;
	s1 =	sshll.u32 s1, $0x11  }
0xc1: {  	s0 =	sor.u32 s1, s0  }
0xc2: {  	s0 =	sadd.s32 $0x8F2B, s0  }
0xc3: {  	[sflag:s0] =	ssyncadd.remote.s32 $0x1  }
0xc4: {  	_ =	sfence.sel $0xFFFF  }
0xc5: {  	[dreg:$0x0] =	wrdreg $0xFFFFFFFF;
	(pc) =	sbr.abs _section_cstart, $3  }
0xc6: {  	[dreg:$0x1] =	wrdreg $0xFFFFFFFF  }
0xc7: {  	_ =	task.clear_ibuf [dreg:s10], $0x2FFFF;
	_ =	strace $0x9FFFFFFF  }
0xc8: {  	(tm) =	ssettm $0x7FFFFFFF  }
0xc9: {  	_ =	shalt  }
tec
execute0_lowered:
.L_overlay_start_1:
0x0: {  	(tag) =	ssettag $0x1  }
0x1: {  	v42 =	vlaneseq.u32  }
0x2: {  	v0 =	vor.u32 $0x10, v42  }
0x3: {  	[tilespmem:$0x1FCE0] =	vst v0;
	v0 =	vadd.s32 $0x22, v42  }
0x4: {  	[tilespmem:$0x1FCF0] =	vst v0;
	v0 =	vadd.s32 $0x32, v42  }
0x5: {  	[tilespmem:$0x1FD00] =	vst v0;
	v0 =	vadd.s32 $0x44, v42  }
0x6: {  	[tilespmem:$0x1FD10] =	vst v0;
	v0 =	vadd.s32 $0x54, v42  }
0x7: {  	[tilespmem:$0x1FD20] =	vst v0;
	v0 =	vadd.s32 $0x76, v42  }
0x8: {  	s7 =	rddreg [dreg:$0x0];
	[tilespmem:$0x1FD30] =	vst v0;
	v0 =	vadd.s32 $0xBA, v42  }
0x9: {  	s0 =	rddreg [dreg:$0x1];
	[tilespmem:$0x1FD40] =	vst v0;
	v0 =	vadd.s32 $0xDC, v42  }
0xa: {  	s1 =	rddreg [dreg:$0x2];
	[tilespmem:$0x1FD50] =	vst v0;
	v0 =	vadd.s32 $0xEE, v42  }
0xb: {  	s2 =	rddreg [dreg:$0x3];
	[tilespmem:$0x1FD60] =	vst v0;
	v0 =	vadd.s32 $0xFE, v42  }
0xc: {  	s4 =	rddreg [dreg:$0x4];
	s5 =	simm.s32 $0x0;
	[tilespmem:$0x1FD70] =	vst v0;
	v0 =	vor.u32 $0x110, v42  }
0xd: {  	[smem:$0x7FF] =	sst s5;
	[tilespmem:$0x1FD80] =	vst v0;
	v0 =	vadd.s32 $0x1EC, v42  }
0xe: {  	s3 =	rddreg [dreg:$0x5];
	v49 =	vor.u32 $0x220, v42;
	_ =	strace $0x80000047;
	[tilespmem:$0x1FD90] =	vst v0  }
0xf: {  	v50 =	vor.u32 $0x230, v42;
	[tilespmem:$0x1FDE0] =	vst v49  }
0x10: {  	v51 =	vadd.s32 $0x242, v42;
	[tilespmem:$0x1FDF0] =	vst v50  }
0x11: {  	v26 =	vadd.s32 $0x252, v42;
	[tilespmem:$0x1FE00] =	vst v51  }
0x12: {  	v2 =	vadd.s32 $0x264, v42;
	[tilespmem:$0x1FE10] =	vst v26  }
0x13: {  	v44 =	vadd.s32 $0x274, v42;
	[tilespmem:$0x1FE20] =	vst v2  }
0x14: {  	v45 =	vadd.s32 $0x286, v42;
	[tilespmem:$0x1FE30] =	vst v44  }
0x15: {  	v36 =	vadd.s32 $0x296, v42;
	[tilespmem:$0x1FE40] =	vst v45  }
0x16: {  	v37 =	vadd.s32 $0x2A8, v42;
	[tilespmem:$0x1FE50] =	vst v36  }
0x17: {  	v38 =	vadd.s32 $0x2B8, v42;
	[tilespmem:$0x1FE60] =	vst v37  }
0x18: {  	v62 =	vadd.s32 $0x2CA, v42;
	[tilespmem:$0x1FE70] =	vst v38  }
0x19: {  	v63 =	vadd.s32 $0x2DA, v42;
	[tilespmem:$0x1FE80] =	vst v62  }
0x1a: {  	v43 =	vadd.s32 $0x30E, v42;
	[tilespmem:$0x1FE90] =	vst v63  }
0x1b: {  	v1 =	vadd.s32 $0x31E, v42;
	[tilespmem:$0x1FEA0] =	vst v43  }
0x1c: {  	v47 =	vor.u32 $0x330, v42;
	[tilespmem:$0x1FEB0] =	vst v1  }
0x1d: {  	v40 =	vadd.s32 $0x66, v42;
	[tilespmem:$0x1FEC0] =	vst v47  }
0x1e: {  	v4 =	vadd.s32 $0x88, v42;
	[tilespmem:$0x1FED0] =	vst v40  }
0x1f: {  	v5 =	vor.u32 $0x120, v42;
	[tilespmem:$0x1FEE0] =	vst v4  }
0x20: {  	v6 =	vadd.s32 $0x132, v42;
	[tilespmem:$0x1FEF0] =	vst v5  }
0x21: {  	v7 =	vadd.s32 $0x142, v42;
	[tilespmem:$0x1FF00] =	vst v6  }
0x22: {  	v8 =	vadd.s32 $0x154, v42;
	[tilespmem:$0x1FF10] =	vst v7  }
0x23: {  	v9 =	vadd.s32 $0x164, v42;
	[tilespmem:$0x1FF20] =	vst v8  }
0x24: {  	v10 =	vadd.s32 $0x176, v42;
	[tilespmem:$0x1FF30] =	vst v9  }
0x25: {  	v11 =	vadd.s32 $0x186, v42;
	[tilespmem:$0x1FF40] =	vst v10  }
0x26: {  	v12 =	vadd.s32 $0x198, v42;
	[tilespmem:$0x1FF50] =	vst v11  }
0x27: {  	v13 =	vadd.s32 $0x1A8, v42;
	[tilespmem:$0x1FF60] =	vst v12  }
0x28: {  	v14 =	vadd.s32 $0x1BA, v42;
	[tilespmem:$0x1FF70] =	vst v13  }
0x29: {  	v15 =	vadd.s32 $0x2EC, v42;
	[tilespmem:$0x1FF80] =	vst v14  }
0x2a: {  	v32 =	vadd.s32 $0x98, v42;
	[tilespmem:$0x1FF90] =	vst v15  }
0x2b: {  	s6 =	stileid.u32;
	s8 =	srdreg.scid;
	v33 =	vadd.s32 $0xAA, v42;
	[tilespmem:$0x1FFA0] =	vst v32  }
0x2c: {  	s13 =	simm.s32 $0x1D480;
	s14 =	simm.s32 $0x1D500;
	s15 =	simm.s32 $0x10000;
	v25 =	vadd.s32 $0xCC, v42;
	[tilespmem:$0x1FFB0] =	vst v33  }
0x2d: {  	s16 =	simm.s32 $0x80;
	s17 =	simm.s32 $0x400;
	s18 =	simm.s32 $0x14880;
	v48 =	vadd.s32 $0x1FE, v42;
	[tilespmem:$0x1FFC0] =	vst v25  }
0x2e: {  	s9 =	sshll.u32 s6, $0xD;
	s8 =	sand.u32 $0x1, s8;
	s10 =	sshll.u32 s6, $0x1;
	v41 =	vadd.s32 $0x1DC, v42;
	[tilespmem:$0x1FFD0] =	vst v48  }
0x2f: {  	s19 =	simm.s32 $0x0;
	v34 =	vadd.s32 $0x1CA, v42;
	s9 =	sand.u32 $0x18000, s9;
	s10 =	sor.u32 s8, s10;
	[tilespmem:$0x1FFE0] =	vst v41  }
.Ltmp0:
0x30: {  	s8 =	ssub.s32 $0x2, s8;
	s9 =	sadd.s32 s9, s4;
	v0 =	vadd.s32 $0x20E, v42;
	[tilespmem:$0x1FFF0] =	vst v34;
	(pc) =	sbr.rel .LBB2_1-.Ltmp0, $4  }
0x31: {  	s11 =	sshll.u32 s10, $0x4;
	s12 =	sshrl.u32 s8, $0x1;
	s10 =	sshll.u32 s10, $0xD;
	[tilespmem:$0x1FDA0] =	vst v0;
	v0 =	vadd.s32 $0x2FC, v42  }
0x32: {  	s11 =	sand.u32 $0x70, s11;
	s12 =	ssub.s32 s8, s12;
	s7 =	sadd.s32 s7, s10;
	[tilespmem:$0x1FDB0] =	vst v0;
	v0 =	vor.u32 $0x340, v42  }
0x33: {  	s10 =	simm.s32 $0x1;
	s31 =	sadd.s32 s11, s9;
	s9 =	smax.u32 s12, $0x1;
	[tilespmem:$0x1FDC0] =	vst v0;
	v0 =	vadd.s32 $0x352, v42  }
0x34: {  	v3 =	vimm.f32 $0.0e+00;
	s11 =	simm.s32 $0x1C880;
	s12 =	simm.s32 $0x1CE80;
	s8 =	sadd.s32 $0x200, s31;
	[tilespmem:$0x1FDD0] =	vst v0  }
.LBB2_42:
0x35: {  	s19 =	sadd.s32 $0x1, s19  }
0x36: {  	p0 =	sne.s32 s19, s9  }
.Ltmp1:
0x37: {  	_ = 	snop;
	(pc) =	sbr.rel @!p0 .LBB2_43-.Ltmp1, $4  }
0x38: {  	[hbm4b:s8+s16] =	stream.strided.scatter [tilespmem:s18], [sflag:$0x1], $0x8000, s17, s16, $0x38;
	[tilespmem:$0x1D580] =	vst v63  }
0x39: {  	_ =	swait.ge [sflag:s10], $0x8000  }
0x3a: {  	[sflag:s10] =	ssyncset.done $0x0  }
0x3b: {  	v3 =	vimm.f32 $0.0e+00;
	[sflag:s10] =	ssyncadd.s32 $0xFFFF8000  }
.LBB2_1:
0x3c: {  	[tilespmem:s5], [sflag:$0x1] =	stream.linear.gather [hbm4b:s7+s5], $0x10000, $0x38;
	[tilespmem:$0x1D580] =	vst v63  }
0x3d: {  	_ =	swait.ge [sflag:s10], $0x10000  }
0x3e: {  	[sflag:s10] =	ssyncset.done $0x0  }
0x3f: {  	[sflag:s10] =	ssyncadd.s32 $0xFFFF0000  }
0x40: {  	[tilespmem:s11], [sflag:$0x1] =	stream.linear.gather [hbm4b:s0+s5], $0x5DC, $0x38;
	[tilespmem:$0x1D580] =	vst v63  }
0x41: {  	_ =	swait.ge [sflag:s10], $0x5DC  }
0x42: {  	[sflag:s10] =	ssyncset.done $0x0  }
0x43: {  	[sflag:s10] =	ssyncadd.s32 $0xFFFFFA24  }
0x44: {  	[tilespmem:s12], [sflag:$0x1] =	stream.linear.gather [hbm4b:s1+s5], $0x5DC, $0x38;
	[tilespmem:$0x1D580] =	vst v63  }
0x45: {  	_ =	swait.ge [sflag:s10], $0x5DC  }
0x46: {  	[sflag:s10] =	ssyncset.done $0x0  }
0x47: {  	[sflag:s10] =	ssyncadd.s32 $0xFFFFFA24  }
0x48: {  	[tilespmem:s13], [sflag:$0x1] =	stream.linear.gather [hbm4b:s2+s5], $0x21, $0x38;
	[tilespmem:$0x1D580] =	vst v63  }
0x49: {  	_ =	swait.ge [sflag:s10], $0x21  }
0x4a: {  	[sflag:s10] =	ssyncset.done $0x0  }
0x4b: {  	[sflag:s10] =	ssyncadd.s32 $0xFFFFFFDF  }
0x4c: {  	[tilespmem:s14], [sflag:$0x1] =	stream.linear.gather [hbm4b:s4+s5], $0x80, $0x38;
	[tilespmem:$0x1D580] =	vst v63  }
0x4d: {  	_ =	swait.ge [sflag:s10], $0x80  }
0x4e: {  	[sflag:s10] =	ssyncset.done $0x0  }
0x4f: {  	[sflag:s10] =	ssyncadd.s32 $0xFFFFFF80  }
0x50: {  	v0 =	vld [tilespmem:$0x1D480];
	_ =	sdelay $0x4  }
0x51: {  	(v2sf) =	vpush v0, $0x0  }
0x52: {  	(v2sf) =	vpush v0, $0x1  }
0x53: {  	(v2sf) =	vpush v0, $0x2  }
0x54: {  	(v2sf) =	vpush v0, $0x3  }
0x55: {  	(v2sf) =	vpush v0, $0x4  }
0x56: {  	(v2sf) =	vpush v0, $0x5  }
0x57: {  	(v2sf) =	vpush v0, $0x6  }
0x58: {  	(v2sf) =	vpush v0, $0x7  }
0x59: {  	(v2sf) =	vpush v0, $0x8  }
0x5a: {  	(v2sf) =	vpush v0, $0x9  }
0x5b: {  	(v2sf) =	vpush v0, $0xA  }
0x5c: {  	v1 =	vld [tilespmem:$0x1D490];
	(v2sf) =	vpush v0, $0xB  }
0x5d: {  	(v2sf) =	vpush v0, $0xC  }
0x5e: {  	(v2sf) =	vpush v0, $0xD  }
0x5f: {  	(v2sf) =	vpush v0, $0xE  }
0x60: {  	s20 =	spop (v2sf);
	(v2sf) =	vpush v0, $0xF  }
0x61: {  	[smem:$0x0] =	sst s20;
	s28 =	spop (v2sf);
	(v2sf) =	vpush v1, $0x0  }
0x62: {  	[smem:$0x1] =	sst s28;
	s29 =	spop (v2sf);
	(v2sf) =	vpush v1, $0x1  }
0x63: {  	[smem:$0x2] =	sst s29;
	s30 =	spop (v2sf);
	(v2sf) =	vpush v1, $0x2  }
0x64: {  	[smem:$0x3] =	sst s30;
	s31 =	spop (v2sf);
	(v2sf) =	vpush v1, $0x3  }
0x65: {  	[smem:$0x4] =	sst s31;
	s21 =	spop (v2sf);
	(v2sf) =	vpush v1, $0x4  }
0x66: {  	[smem:$0x5] =	sst s21;
	s22 =	spop (v2sf);
	(v2sf) =	vpush v1, $0x5  }
0x67: {  	[smem:$0x6] =	sst s22;
	s23 =	spop (v2sf);
	(v2sf) =	vpush v1, $0x6  }
0x68: {  	[smem:$0x7] =	sst s23;
	s24 =	spop (v2sf);
	(v2sf) =	vpush v1, $0x7  }
0x69: {  	[smem:$0x8] =	sst s24;
	s25 =	spop (v2sf);
	(v2sf) =	vpush v1, $0x8  }
0x6a: {  	[smem:$0x9] =	sst s25;
	s26 =	spop (v2sf);
	(v2sf) =	vpush v1, $0x9  }
0x6b: {  	[smem:$0xA] =	sst s26;
	s28 =	spop (v2sf);
	(v2sf) =	vpush v1, $0xA  }
0x6c: {  	v0 =	vld [tilespmem:$0x1D4A0];
	[smem:$0xB] =	sst s28;
	s29 =	spop (v2sf);
	(v2sf) =	vpush v1, $0xB  }
0x6d: {  	v2 =	vld [tilespmem:$0x1D500];
	[smem:$0xC] =	sst s29;
	s30 =	spop (v2sf);
	(v2sf) =	vpush v1, $0xC  }
0x6e: {  	[smem:$0xD] =	sst s30;
	s31 =	spop (v2sf);
	(v2sf) =	vpush v1, $0xD  }
0x6f: {  	[smem:$0xE] =	sst s31;
	s21 =	spop (v2sf);
	(v2sf) =	vpush v1, $0xE  }
0x70: {  	[smem:$0xF] =	sst s21;
	s22 =	spop (v2sf);
	(v2sf) =	vpush v1, $0xF  }
0x71: {  	[smem:$0x10] =	sst s22;
	s23 =	spop (v2sf);
	(v2sf) =	vpush v0, $0x0  }
0x72: {  	[smem:$0x11] =	sst s23;
	s24 =	spop (v2sf);
	(v2sf) =	vpush v2, $0x0  }
0x73: {  	[smem:$0x12] =	sst s24;
	s25 =	spop (v2sf);
	(v2sf) =	vpush v2, $0x1  }
0x74: {  	[smem:$0x13] =	sst s25;
	s26 =	spop (v2sf);
	(v2sf) =	vpush v2, $0x2  }
0x75: {  	[smem:$0x14] =	sst s26;
	s28 =	spop (v2sf);
	(v2sf) =	vpush v2, $0x3  }
0x76: {  	[smem:$0x15] =	sst s28;
	s29 =	spop (v2sf);
	(v2sf) =	vpush v2, $0x4  }
0x77: {  	[smem:$0x16] =	sst s29;
	s30 =	spop (v2sf);
	(v2sf) =	vpush v2, $0x5  }
0x78: {  	[smem:$0x17] =	sst s30;
	s31 =	spop (v2sf);
	(v2sf) =	vpush v2, $0x6  }
0x79: {  	[smem:$0x18] =	sst s31;
	s21 =	spop (v2sf);
	(v2sf) =	vpush v2, $0x7  }
0x7a: {  	[smem:$0x19] =	sst s21;
	s22 =	spop (v2sf);
	(v2sf) =	vpush v2, $0x8  }
0x7b: {  	[smem:$0x1A] =	sst s22;
	s23 =	spop (v2sf);
	(v2sf) =	vpush v2, $0x9  }
0x7c: {  	[smem:$0x1B] =	sst s23;
	s24 =	spop (v2sf);
	(v2sf) =	vpush v2, $0xA  }
0x7d: {  	v0 =	vld [tilespmem:$0x1D510];
	[smem:$0x1C] =	sst s24;
	s25 =	spop (v2sf);
	(v2sf) =	vpush v2, $0xB  }
0x7e: {  	[smem:$0x1D] =	sst s25;
	s26 =	spop (v2sf);
	(v2sf) =	vpush v2, $0xC  }
0x7f: {  	[smem:$0x1E] =	sst s26;
	s28 =	spop (v2sf);
	(v2sf) =	vpush v2, $0xD  }
0x80: {  	[smem:$0x1F] =	sst s28;
	s29 =	spop (v2sf);
	(v2sf) =	vpush v2, $0xE  }
0x81: {  	[smem:$0x20] =	sst s29;
	s30 =	spop (v2sf);
	(v2sf) =	vpush v2, $0xF  }
0x82: {  	[smem:$0x80] =	sst s30;
	s31 =	spop (v2sf);
	(v2sf) =	vpush v0, $0x0  }
0x83: {  	[smem:$0x81] =	sst s31;
	s21 =	spop (v2sf);
	(v2sf) =	vpush v0, $0x1  }
0x84: {  	[smem:$0x82] =	sst s21;
	s22 =	spop (v2sf);
	(v2sf) =	vpush v0, $0x2  }
0x85: {  	[smem:$0x83] =	sst s22;
	s23 =	spop (v2sf);
	(v2sf) =	vpush v0, $0x3  }
0x86: {  	[smem:$0x84] =	sst s23;
	s24 =	spop (v2sf);
	(v2sf) =	vpush v0, $0x4  }
0x87: {  	[smem:$0x85] =	sst s24;
	s25 =	spop (v2sf);
	(v2sf) =	vpush v0, $0x5  }
0x88: {  	[smem:$0x86] =	sst s25;
	s26 =	spop (v2sf);
	(v2sf) =	vpush v0, $0x6  }
0x89: {  	[smem:$0x87] =	sst s26;
	s28 =	spop (v2sf);
	(v2sf) =	vpush v0, $0x7  }
0x8a: {  	[smem:$0x88] =	sst s28;
	s29 =	spop (v2sf);
	(v2sf) =	vpush v0, $0x8  }
0x8b: {  	[smem:$0x89] =	sst s29;
	s30 =	spop (v2sf);
	(v2sf) =	vpush v0, $0x9  }
0x8c: {  	[smem:$0x8A] =	sst s30;
	s31 =	spop (v2sf);
	(v2sf) =	vpush v0, $0xA  }
0x8d: {  	[smem:$0x8B] =	sst s31;
	s21 =	spop (v2sf);
	(v2sf) =	vpush v0, $0xB  }
0x8e: {  	[smem:$0x8C] =	sst s21;
	s22 =	spop (v2sf);
	(v2sf) =	vpush v0, $0xC  }
0x8f: {  	[smem:$0x8D] =	sst s22;
	s23 =	spop (v2sf);
	(v2sf) =	vpush v0, $0xD  }
0x90: {  	[smem:$0x8E] =	sst s23;
	s24 =	spop (v2sf);
	(v2sf) =	vpush v0, $0xE  }
0x91: {  	[smem:$0x8F] =	sst s24;
	s25 =	spop (v2sf);
	(v2sf) =	vpush v0, $0xF  }
0x92: {  	s21 =	spop (v2sf);
	[smem:$0x90] =	sst s25  }
0x93: {  	s26 =	spop (v2sf);
	[smem:$0x91] =	sst s21  }
0x94: {  	s28 =	spop (v2sf);
	[smem:$0x92] =	sst s26  }
0x95: {  	s29 =	spop (v2sf);
	[smem:$0x93] =	sst s28  }
0x96: {  	s30 =	spop (v2sf);
	[smem:$0x94] =	sst s29  }
0x97: {  	s31 =	spop (v2sf);
	[smem:$0x95] =	sst s30  }
0x98: {  	s22 =	spop (v2sf);
	[smem:$0x96] =	sst s31  }
0x99: {  	s23 =	spop (v2sf);
	[smem:$0x97] =	sst s22  }
0x9a: {  	s20 =	simm.s32 $0x10040;
	s24 =	spop (v2sf);
	[smem:$0x98] =	sst s23  }
0x9b: {  	[tilespmem:s20+$0xFFFFFFC0] =	vst v3;
	[smem:$0x99] =	sst s24;
	s25 =	spop (v2sf)  }
0x9c: {  	[tilespmem:s20+$0x30] =	vst v3;
	[smem:$0x9A] =	sst s25;
	s26 =	spop (v2sf)  }
0x9d: {  	[tilespmem:s20+$0x20] =	vst v3;
	[smem:$0x9B] =	sst s26;
	s28 =	spop (v2sf)  }
0x9e: {  	[tilespmem:s20+$0x10] =	vst v3;
	[smem:$0x9C] =	sst s28;
	s29 =	spop (v2sf)  }
0x9f: {  	[tilespmem:s20+$0x0] =	vst v3;
	[smem:$0x9D] =	sst s29;
	s30 =	spop (v2sf)  }
0xa0: {  	[tilespmem:s20+$0xFFFFFFF0] =	vst v3;
	[smem:$0x9E] =	sst s30;
	s31 =	spop (v2sf)  }
0xa1: {  	[tilespmem:s20+$0xFFFFFFE0] =	vst v3;
	s21 =	simm.s32 $0x0;
	[smem:$0x9F] =	sst s31  }
.LBB2_2:
0xa2: {  	s21 =	sadd.s32 $0x8, s21;
	[tilespmem:s20+$0xFFFFFFD0] =	vst v3;
	s20 =	sadd.s32 $0x80, s20  }
0xa3: {  	[tilespmem:s20+$0xFFFFFFC0] =	vst v3;
	p0 =	slt.u32 s21, $0x478  }
0xa4: {  	[tilespmem:s20+$0x30] =	vst v3  }
.Ltmp2:
0xa5: {  	[tilespmem:s20+$0x20] =	vst v3;
	(pc) =	sbr.rel @p0 .LBB2_2-.Ltmp2, $4  }
0xa6: {  	[tilespmem:s20+$0x10] =	vst v3  }
0xa7: {  	[tilespmem:s20+$0x0] =	vst v3  }
0xa8: {  	[tilespmem:s20+$0xFFFFFFF0] =	vst v3  }
0xa9: {  	[tilespmem:s20+$0xFFFFFFE0] =	vst v3  }
0xaa: {  	[tilespmem:s20+$0xFFFFFFD0] =	vst v3;
	s20 =	simm.s32 $0x0  }
.LBB2_4:
0xab: {  	p0 =	sne.s32 s20, $0xC0  }
.Ltmp3:
0xac: {  	_ = 	snop;
	(pc) =	sbr.rel @p0 .LBB2_4-.Ltmp3, $3  }
0xad: {  	_ =	sdelay $0x1  }
0xae: {  	s21 =	sshra.s32 s20, $0x2  }
0xaf: {  	s20 =	sadd.s32 $0x40, s20;
	[tilespmem:s21+$0x14800] =	vst v3  }
0xb0: {  	s20 =	simm.s32 $0x0  }
0xb1: {  	s21 =	simm.s32 $0x0;
	s20 =	sand.u32 $0x1C, s20  }
0xb2: {  	s22 =	simm.s32 $0x0;
	s21 =	sand.u32 $0x3FFFF000, s21;
	s23 =	sshll.u32 s20, $0x7  }
0xb3: {  	s30 =	smul.u32 $0x1210, s22;
	s23 =	sor.u32 s23, s21  }
0xb4: {  	s20 =	smul.u32 $0x88, s20;
	v0 =	vld [tilespmem:s23+$0x180];
	_ =	sdelay $0x1  }
0xb5: {  	s21 =	sshra.s32 s30, $0x2;
	v1 =	vld [tilespmem:s23+$0x0];
	s20 =	sshrl.u32 s20, $0x2  }
0xb6: {  	s22 =	simm.s32 $0x4;
	s20 =	sadd.s32 s20, s21  }
0xb7: {  	s31 =	simm.s32 $0x200;
	s24 =	sand.u32 $0x1C, s22;
	v3 =	vld [tilespmem:s23+$0x80];
	s20 =	sadd.s32 $0x10000, s20  }
0xb8: {  	s26 =	sshll.u32 s24, $0x7;
	v5 =	vld [tilespmem:s23+$0x100];
	s21 =	sand.u32 $0x3FFFF000, s31;
	[tilespmem:s20+$0x89] =	vst v0  }
0xb9: {  	s25 =	simm.s32 $0x0;
	s21 =	sor.u32 s26, s21;
	v6 =	vld [tilespmem:s23+$0x190]  }
0xba: {  	s25 =	smul.u32 $0x1210, s25;
	v2 =	vld [tilespmem:s21+$0x180];
	[tilespmem:s20+$0x23] =	vst v1  }
0xbb: {  	s24 =	smul.u32 $0x88, s24;
	v4 =	vld [tilespmem:s23+$0x10]  }
0xbc: {  	[tilespmem:s20+$0x45] =	vst v3;
	v0 =	vld [tilespmem:s21+$0x0]  }
0xbd: {  	s25 =	sshra.s32 s25, $0x2;
	s24 =	sshrl.u32 s24, $0x2;
	[tilespmem:s20+$0x67] =	vst v5;
	v1 =	vld [tilespmem:s21+$0x80]  }
0xbe: {  	s24 =	sadd.s32 s24, s25;
	v3 =	vld [tilespmem:s21+$0x100];
	[tilespmem:s20+$0x99] =	vst v6  }
.LBB2_6:
0xbf: {  	s22 =	sadd.s32 $0x4, s22;
	s24 =	sadd.s32 $0x10000, s24  }
0xc0: {  	[tilespmem:s20+$0x33] =	vst v4;
	v5 =	vld [tilespmem:s23+$0x90];
	s25 =	sand.u32 $0x1C, s22;
	s26 =	sshll.u32 s22, $0x7;
	p0 =	slt.u32 s22, $0x1FC  }
0xc1: {  	[tilespmem:s24+$0x89] =	vst v2;
	v6 =	vld [tilespmem:s23+$0x110];
	s23 =	sshrl.u32 s22, $0x5;
	s26 =	sand.u32 $0x3FFFF000, s26;
	s28 =	sshll.u32 s25, $0x7  }
0xc2: {  	[tilespmem:s24+$0x23] =	vst v0;
	v7 =	vld [tilespmem:s21+$0x190];
	s26 =	sor.u32 s28, s26;
	s28 =	smul.u32 $0x1210, s23  }
.Ltmp4:
0xc3: {  	v4 =	vld [tilespmem:s21+$0x10];
	[tilespmem:s24+$0x45] =	vst v1;
	(pc) =	sbr.rel @p0 .LBB2_6-.Ltmp4, $4  }
0xc4: {  	s25 =	smul.u32 $0x88, s25;
	s23 =	smov.u32 s21;
	v2 =	vld [tilespmem:s26+$0x180];
	[tilespmem:s24+$0x67] =	vst v3;
	s21 =	smov.u32 s26  }
0xc5: {  	v0 =	vld [tilespmem:s21+$0x0];
	[tilespmem:s20+$0x55] =	vst v5  }
0xc6: {  	s25 =	sshrl.u32 s25, $0x2;
	s26 =	sshra.s32 s28, $0x2;
	v1 =	vld [tilespmem:s21+$0x80];
	[tilespmem:s20+$0x77] =	vst v6;
	s20 =	smov.u32 s24  }
0xc7: {  	s24 =	sadd.s32 s25, s26;
	v3 =	vld [tilespmem:s21+$0x100];
	[tilespmem:s20+$0x99] =	vst v7  }
0xc8: {  	s22 =	sadd.s32 $0x10000, s24;
	[tilespmem:s20+$0x33] =	vst v4;
	v59 =	vld [tilespmem:s23+$0x90]  }
0xc9: {  	v60 =	vld [tilespmem:s23+$0x110];
	[tilespmem:s22+$0x89] =	vst v2  }
0xca: {  	[tilespmem:s22+$0x23] =	vst v0;
	v61 =	vld [tilespmem:s21+$0x190]  }
0xcb: {  	v5 =	vld [tilespmem:s21+$0x10];
	[tilespmem:s22+$0x45] =	vst v1  }
0xcc: {  	[tilespmem:s22+$0x67] =	vst v3;
	v1 =	vld [tilespmem:s21+$0x90]  }
0xcd: {  	[tilespmem:s20+$0x55] =	vst v59;
	v3 =	vld [tilespmem:s21+$0x110]  }
.Ltmp5:
0xce: {  	[tilespmem:s20+$0x77] =	vst v60;
	(pc) =	sbr.rel .LBB2_8-.Ltmp5, $4  }
0xcf: {  	[tilespmem:s22+$0x99] =	vst v61  }
0xd0: {  	[tilespmem:s22+$0x33] =	vst v5  }
0xd1: {  	[tilespmem:s22+$0x55] =	vst v1  }
0xd2: {  	s20 =	simm.s32 $0x0;
	[tilespmem:s22+$0x77] =	vst v3  }
.LBB2_33:
0xd3: {  	v1 =	vmovc v35;
	v2 =	vmovc v35;
	v3 =	vmov v35;
	v4 =	vmov v35;
	v5 =	vmov v35  }
0xd4: {  	v6 =	vmovc v35;
	v7 =	vmovc v35;
	v8 =	vmov v35;
	v9 =	vmov v35;
	v10 =	vmov v35  }
0xd5: {  	v11 =	vmovc v35;
	v12 =	vmovc v35;
	v13 =	vmov v35;
	v14 =	vmov v35;
	v0 =	vmov v35  }
.LBB2_41:
0xd6: {  	[tilespmem:s21+$0x14B80] =	vst v35  }
0xd7: {  	[tilespmem:s21+$0x14B90] =	vst v1  }
0xd8: {  	[tilespmem:s21+$0x14BA0] =	vst v2  }
0xd9: {  	[tilespmem:s21+$0x14BB0] =	vst v3  }
0xda: {  	[tilespmem:s21+$0x14BC0] =	vst v4  }
0xdb: {  	[tilespmem:s21+$0x14BD0] =	vst v5  }
0xdc: {  	[tilespmem:s21+$0x14BE0] =	vst v6  }
0xdd: {  	[tilespmem:s21+$0x14BF0] =	vst v7  }
0xde: {  	[tilespmem:s21+$0x14C00] =	vst v8  }
0xdf: {  	[tilespmem:s21+$0x14C10] =	vst v9;
	s20 =	sadd.s32 $0x1, s20  }
0xe0: {  	[tilespmem:s21+$0x14C20] =	vst v10;
	p0 =	sne.s32 s20, $0x20  }
.Ltmp6:
0xe1: {  	[tilespmem:s21+$0x14C30] =	vst v11;
	(pc) =	sbr.rel @!p0 .LBB2_42-.Ltmp6, $4  }
0xe2: {  	[tilespmem:s21+$0x14C40] =	vst v12  }
0xe3: {  	[tilespmem:s21+$0x14C50] =	vst v13  }
0xe4: {  	[tilespmem:s21+$0x14C60] =	vst v14  }
0xe5: {  	[tilespmem:s21+$0x14C70] =	vst v0  }
.LBB2_8:
0xe6: {  	s21 =	sld [smem:s20+$0x0]  }
0xe7: {  	s22 =	sld [smem:s20+$0x1];
	_ =	sdelay $0x1  }
0xe8: {  	s23 =	sld [smem:s20+$0x80]  }
0xe9: {  	s22 =	ssub.s32 s22, s21  }
0xea: {  	p1 =	slt.s32 s22, $0x1  }
.Ltmp7:
0xeb: {  	v35 =	vmov s23;
	(pc) =	sbr.rel @p1 .LBB2_16-.Ltmp7, $4  }
0xec: {  	v1 =	vmov v35  }
0xed: {  	v2 =	vmovc v35;
	v3 =	vmovc v35;
	v4 =	vmov v35;
	v5 =	vmov v35;
	v6 =	vmov v35  }
0xee: {  	s21 =	sshll.u32 s21, $0x2;
	v7 =	vmovc v35;
	v8 =	vmovc v35;
	v9 =	vmov v35;
	v10 =	vmov v35;
	v11 =	vmov v35  }
0xef: {  	s23 =	sshra.s32 s21, $0x2;
	p0 =	sne.s32 s22, $0x1;
	v12 =	vmovc v35;
	v13 =	vmovc v35;
	v14 =	vmov v35;
	v15 =	vmov v35;
	v0 =	vmov v35;
	[tilespmem:$0x1FCD0] =	vst v35  }
.Ltmp8:
0xf0: {  	(pc) =	sbr.rel @!p0 .LBB2_10-.Ltmp8, $4  }
0xf1: {  	_ = 	snop  }
0xf2: {  	v24 =	vld [tilespmem:$0x1FD50]  }
0xf3: {  	v34 =	vld [tilespmem:$0x1FD40];
	s24 =	sadd.s32 $0x1C880, s23  }
0xf4: {  	s21 =	sadd.s32 $0x1CE80, s23;
	s26 =	sadd.s32 $0xFFFFFFFF, s22;
	p2 =	por $0x0, $0x0;
	v0 =	vld.msk [tilespmem:s24+$0x0 ss:$0x0], $0xffff  }
0xf5: {  	v51 =	vld [tilespmem:$0x1FD70]  }
0xf6: {  	v43 =	vld [tilespmem:$0x1FCE0]  }
0xf7: {  	v41 =	vld [tilespmem:$0x1FCF0]  }
0xf8: {  	v38 =	vld [tilespmem:$0x1FD00]  }
0xf9: {  	v53 =	vld.msk [tilespmem:s21+$0x0 ss:$0x0], $0xffff  }
0xfa: {  	v39 =	vld [tilespmem:$0x1FD10];
	v2 =	vadd.s32 v42, v0  }
0xfb: {  	v37 =	vld [tilespmem:$0x1FD20];
	v1 =	vadd.s32 v51, v0  }
0xfc: {  	v50 =	vld [tilespmem:$0x1FD60];
	v3 =	vadd.s32 v43, v0  }
0xfd: {  	v44 =	vld [tilespmem:$0x1FEE0];
	v4 =	vadd.s32 v41, v0  }
0xfe: {  	v36 =	vlaneseq.u32;
	v42 =	vld [tilespmem:$0x1FD30];
	v5 =	vadd.s32 v38, v0  }
0xff: {  	v48 =	vmovc v25;
	v46 =	vmovc v33;
	v45 =	vmov v32;
	v11 =	vmov v35;
	v6 =	vadd.s32 v39, v0;
	v2 =	vld.idx.msk [tilespmem:v2+s15+$0x0], $0xffff  }
0x100: {  	v61 =	vmovc v35;
	v14 =	vmovc v35;
	v56 =	vmov v35;
	v54 =	vmov v35;
	v9 =	vadd.s32 v37, v0;
	v7 =	vld.idx.msk [tilespmem:v1+s15+$0x0], $0xffff  }
0x101: {  	p3 =	sne.s32 s26, $0x1;
	v52 =	vmovc v35;
	v55 =	vmovc v35;
	v57 =	vmov v35;
	v59 =	vmov v35;
	v49 =	vmov v24;
	v17 =	vld.idx.msk [tilespmem:v3+s15+$0x0], $0xffff  }
.Ltmp9:
0x102: {  	v15 =	vadd.s32 v40, v0;
	v60 =	vadd.s32 v32, v0;
	v12 =	vadd.s32 v33, v0;
	v18 =	vld.idx.msk [tilespmem:v4+s15+$0x0], $0xffff;
	(pc) =	sbr.rel @!p3 .LBB2_12-.Ltmp9, $4  }
0x103: {  	v10 =	vadd.s32 v34, v0;
	v8 =	vadd.s32 v25, v0;
	v16 =	vadd.s32 v42, v0;
	v19 =	vld.idx.msk [tilespmem:v5+s15+$0x0], $0xffff  }
0x104: {  	v58 =	vadd.s32 v24, v0;
	v13 =	vadd.s32 v44, v0;
	v20 =	vld.idx.msk [tilespmem:v6+s15+$0x0], $0xffff;
	v1 =	vadd.s32 v50, v0  }
0x105: {  	s25 =	sadd.s32 $0x1, s24;
	v47 =	vmovc v34;
	v21 =	vld.idx.msk [tilespmem:v9+s15+$0x0], $0xffff;
	v6 =	vmovc v35;
	v9 =	vmov v35;
	v3 =	vmov v35;
	v22 =	vmul.f32 v7, v53  }
0x106: {  	s26 =	sadd.s32 $0xFFFFFFFF, s26;
	p2 =	por $0x1, $0x1;
	s24 =	smov.u32 s21;
	v0 =	vld.msk [tilespmem:s25+$0x0 ss:$0x0], $0xffff;
	v4 =	vmovc v35;
	v5 =	vmovc v35;
	v23 =	vmul.f32 v53, v2;
	v2 =	vmov v35;
	v7 =	vmov v35  }
.LBB2_13:
0x107: {  	p3 =	sne.s32 s26, $0x1;
	v17 =	vmul.f32 v17, v53;
	v24 =	vld.idx.msk [tilespmem:v15+s15+$0x0], $0xffff;
	v6 =	vadd.f32 v22, v6  }
0x108: {  	v15 =	vmul.f32 v18, v53;
	v9 =	vadd.f32 v23, v9;
	v18 =	vld.idx.msk [tilespmem:v16+s15+$0x0], $0xffff  }
0x109: {  	v16 =	vmul.f32 v19, v53;
	v11 =	vadd.f32 v17, v11;
	v17 =	vld.idx.msk [tilespmem:v13+s15+$0x0], $0xffff  }
0x10a: {  	v61 =	vadd.f32 v15, v61;
	v19 =	vmul.f32 v20, v53;
	v20 =	vld.idx.msk [tilespmem:v60+s15+$0x0], $0xffff  }
0x10b: {  	v14 =	vadd.f32 v16, v14;
	v21 =	vmul.f32 v21, v53;
	v22 =	vld.idx.msk [tilespmem:v12+s15+$0x0], $0xffff  }
0x10c: {  	v23 =	vadd.s32 v36, v0;
	v25 =	vadd.s32 v43, v0;
	v26 =	vadd.s32 v51, v0;
	v27 =	vld.idx.msk [tilespmem:v10+s15+$0x0], $0xffff  }
0x10d: {  	v28 =	vadd.s32 v41, v0;
	v29 =	vadd.s32 v38, v0;
	v30 =	vadd.s32 v39, v0;
	v31 =	vld.idx.msk [tilespmem:v8+s15+$0x0], $0xffff  }
0x10e: {  	v62 =	vadd.s32 v37, v0;
	v15 =	vadd.s32 v40, v0;
	v16 =	vadd.s32 v42, v0;
	v63 =	vld.idx.msk [tilespmem:v58+s15+$0x0], $0xffff  }
0x10f: {  	s24 =	sadd.s32 $0x1, s24;
	v13 =	vadd.s32 v44, v0;
	v60 =	vadd.s32 v45, v0;
	v12 =	vadd.s32 v46, v0;
	v32 =	vld.idx.msk [tilespmem:v1+s15+$0x0], $0xffff  }
0x110: {  	v10 =	vadd.s32 v47, v0;
	v8 =	vadd.s32 v48, v0;
	v58 =	vadd.s32 v49, v0;
	v33 =	vld.msk [tilespmem:s24+$0x0 ss:$0x0], $0xffff  }
0x111: {  	v24 =	vmul.f32 v24, v53;
	v1 =	vadd.s32 v50, v0;
	v0 =	vld.idx.msk [tilespmem:v26+s15+$0x0], $0xffff;
	v26 =	vmul.f32 v18, v53  }
0x112: {  	v56 =	vadd.f32 v19, v56;
	v34 =	vmul.f32 v17, v53;
	v35 =	vmul.f32 v20, v53;
	v23 =	vld.idx.msk [tilespmem:v23+s15+$0x0], $0xffff  }
0x113: {  	v54 =	vadd.f32 v21, v54;
	v21 =	vmul.f32 v22, v53;
	v17 =	vld.idx.msk [tilespmem:v25+s15+$0x0], $0xffff;
	v25 =	vmul.f32 v27, v53  }
.Ltmp10:
0x114: {  	v3 =	vadd.f32 v24, v3;
	v24 =	vmul.f32 v31, v53;
	v27 =	vmul.f32 v63, v53;
	v18 =	vld.idx.msk [tilespmem:v28+s15+$0x0], $0xffff;
	(pc) =	sbr.rel @p3 .LBB2_13-.Ltmp10, $4  }
0x115: {  	v52 =	vadd.f32 v34, v52;
	v2 =	vadd.f32 v26, v2;
	v26 =	vmul.f32 v32, v53;
	v19 =	vld.idx.msk [tilespmem:v29+s15+$0x0], $0xffff  }
0x116: {  	v55 =	vadd.f32 v35, v55;
	v57 =	vadd.f32 v21, v57;
	v53 =	vmov v33;
	v20 =	vld.idx.msk [tilespmem:v30+s15+$0x0], $0xffff  }
0x117: {  	s25 =	sadd.s32 $0x1, s25;
	v4 =	vadd.f32 v24, v4;
	v59 =	vadd.f32 v25, v59;
	v22 =	vmul.f32 v0, v53;
	v21 =	vld.idx.msk [tilespmem:v62+s15+$0x0], $0xffff  }
0x118: {  	s26 =	sadd.s32 $0xFFFFFFFF, s26;
	v5 =	vadd.f32 v27, v5;
	v7 =	vadd.f32 v26, v7;
	v23 =	vmul.f32 v53, v23;
	v0 =	vld.msk [tilespmem:s25+$0x0 ss:$0x0], $0xffff  }
0x119: {  	v27 =	vmov v49;
	v49 =	vld [tilespmem:$0x1FDE0]  }
0x11a: {  	v28 =	vmov v50;
	v50 =	vld [tilespmem:$0x1FDF0]  }
0x11b: {  	v24 =	vmov v51;
	v51 =	vld [tilespmem:$0x1FE00]  }
0x11c: {  	v44 =	vld [tilespmem:$0x1FE30]  }
0x11d: {  	v32 =	vmov v45;
	v45 =	vld [tilespmem:$0x1FE40]  }
0x11e: {  	v36 =	vld [tilespmem:$0x1FE50]  }
0x11f: {  	v37 =	vld [tilespmem:$0x1FE60]  }
0x120: {  	v38 =	vld [tilespmem:$0x1FE70]  }
0x121: {  	v62 =	vld [tilespmem:$0x1FE80]  }
0x122: {  	v34 =	vmov v47;
	v47 =	vld [tilespmem:$0x1FEC0]  }
0x123: {  	v33 =	vmovc v46;
	v46 =	vmov v48;
	v63 =	vld [tilespmem:$0x1FE90];
	v40 =	vmov v42;
	v42 =	vlaneseq.u32  }
.LBB2_15:
0x124: {  	_ =	sdelay $0x3  }
0x125: {  	v15 =	vld.idx.msk @p2 [tilespmem:v15+s15+$0x0], $0xffff  }
0x126: {  	v16 =	vld.idx.msk @p2 [tilespmem:v16+s15+$0x0], $0xffff  }
0x127: {  	v13 =	vld.idx.msk @p2 [tilespmem:v13+s15+$0x0], $0xffff  }
0x128: {  	v12 =	vld.idx.msk @p2 [tilespmem:v12+s15+$0x0], $0xffff  }
0x129: {  	v10 =	vld.idx.msk @p2 [tilespmem:v10+s15+$0x0], $0xffff  }
0x12a: {  	v25 =	vld [tilespmem:$0x1FD00]  }
0x12b: {  	v8 =	vld.idx.msk @p2 [tilespmem:v8+s15+$0x0], $0xffff  }
0x12c: {  	v17 =	vmul.f32 @p2 v17, v53;
	v18 =	vmul.f32 @p2 v18, v53;
	v26 =	vadd.s32 v39, v0;
	v39 =	vmovc v27;
	v27 =	vld [tilespmem:$0x1FD20]  }
0x12d: {  	v6 =	vadd.f32 @p2 v22, v6;
	v9 =	vadd.f32 @p2 v23, v9;
	v19 =	vmul.f32 @p2 v19, v53;
	v30 =	vld [tilespmem:$0x1FED0]  }
0x12e: {  	v22 =	vadd.s32 v43, v0;
	v23 =	vadd.s32 v24, v0;
	v24 =	vadd.s32 v41, v0;
	v31 =	vld [tilespmem:$0x1FEE0]  }
0x12f: {  	v29 =	vadd.s32 v40, v0;
	v43 =	vadd.s32 v32, v0;
	v48 =	vadd.s32 v33, v0;
	v1 =	vld.idx.msk @p2 [tilespmem:v1+s15+$0x0], $0xffff  }
0x130: {  	s24 =	sadd.s32 @p2 $0x1, s24;
	v11 =	vadd.f32 @p2 v17, v11;
	v17 =	vadd.f32 @p2 v18, v61;
	v18 =	vmul.f32 @p2 v20, v53;
	v20 =	vld.idx.msk @p2 [tilespmem:v60+s15+$0x0], $0xffff  }
0x131: {  	s21 =	smov.u32 @p2 s24;
	v14 =	vadd.f32 @p2 v19, v14;
	v19 =	vmul.f32 @p2 v21, v53;
	v21 =	vadd.s32 v42, v0;
	v61 =	vmovc v28  }
0x132: {  	v34 =	vadd.s32 v34, v0;
	v35 =	vld.msk [tilespmem:s21+$0x0 ss:$0x0], $0xffff;
	v60 =	vadd.s32 v39, v0;
	v61 =	vadd.s32 v61, v0  }
0x133: {  	v25 =	vadd.s32 v25, v0;
	v28 =	vadd.s32 v30, v0;
	v40 =	vmov v30;
	v30 =	vld.idx.msk @p2 [tilespmem:v58+s15+$0x0], $0xffff  }
0x134: {  	v27 =	vadd.s32 v27, v0;
	v31 =	vadd.s32 v31, v0;
	v58 =	vadd.s32 v46, v0;
	v0 =	vld.idx.msk [tilespmem:v23+s15+$0x0], $0xffff  }
0x135: {  	v18 =	vadd.f32 @p2 v18, v56;
	v15 =	vmul.f32 @p2 v15, v53;
	v13 =	vmul.f32 @p2 v13, v53;
	v22 =	vld.idx.msk [tilespmem:v22+s15+$0x0], $0xffff  }
0x136: {  	v19 =	vadd.f32 @p2 v19, v54;
	v16 =	vmul.f32 @p2 v16, v53;
	v12 =	vmul.f32 @p2 v12, v53;
	v21 =	vld.idx.msk [tilespmem:v21+s15+$0x0], $0xffff  }
0x137: {  	v10 =	vmul.f32 @p2 v10, v53;
	v8 =	vmul.f32 @p2 v8, v53;
	v13 =	vadd.f32 @p2 v13, v52;
	v52 =	vld [tilespmem:$0x1FCD0]  }
0x138: {  	v54 =	vld.idx.msk [tilespmem:v43+s15+$0x0], $0xffff;
	v20 =	vmul.f32 @p2 v20, v53;
	v3 =	vadd.f32 @p2 v15, v3;
	v2 =	vadd.f32 @p2 v16, v2  }
0x139: {  	v15 =	vld.idx.msk [tilespmem:v24+s15+$0x0], $0xffff;
	v12 =	vadd.f32 @p2 v12, v57;
	v10 =	vadd.f32 @p2 v10, v59;
	v23 =	vmul.f32 @p2 v30, v53  }
0x13a: {  	v1 =	vmul.f32 @p2 v1, v53;
	v24 =	vld.idx.msk [tilespmem:v26+s15+$0x0], $0xffff;
	v4 =	vadd.f32 @p2 v8, v4;
	v20 =	vadd.f32 @p2 v20, v55  }
0x13b: {  	v16 =	vld.idx.msk [tilespmem:v25+s15+$0x0], $0xffff;
	v0 =	vmul.f32 v0, v35;
	v8 =	vmul.f32 v35, v21;
	v5 =	vadd.f32 @p2 v23, v5  }
0x13c: {  	v25 =	vld.idx.msk [tilespmem:v27+s15+$0x0], $0xffff;
	v21 =	vadd.f32 @p2 v1, v7;
	v1 =	vpsel p2, v6, v52;
	v6 =	vpsel p2, v9, v52  }
0x13d: {  	v26 =	vld.idx.msk [tilespmem:v31+s15+$0x0], $0xffff;
	v9 =	vpsel p2, v11, v52;
	v11 =	vpsel p2, v17, v52;
	v14 =	vpsel p2, v14, v52  }
0x13e: {  	v7 =	vld.idx.msk [tilespmem:v28+s15+$0x0], $0xffff;
	v18 =	vpsel p2, v18, v52;
	v19 =	vpsel p2, v19, v52;
	v53 =	vpsel p2, v3, v52  }
0x13f: {  	v17 =	vld.idx.msk [tilespmem:v29+s15+$0x0], $0xffff;
	v27 =	vpsel p2, v2, v52;
	v13 =	vpsel p2, v13, v52;
	v20 =	vpsel p2, v20, v52  }
0x140: {  	v12 =	vpsel p2, v12, v52;
	v55 =	vpsel p2, v10, v52;
	v56 =	vpsel p2, v4, v52;
	v10 =	vld.idx.msk [tilespmem:v48+s15+$0x0], $0xffff  }
0x141: {  	v2 =	vmul.f32 v22, v35;
	v3 =	vmul.f32 v15, v35;
	v15 =	vld.idx.msk [tilespmem:v34+s15+$0x0], $0xffff;
	v0 =	vadd.f32 v0, v1  }
0x142: {  	v57 =	vpsel p2, v5, v52;
	v1 =	vadd.f32 v8, v6;
	v8 =	vld.idx.msk [tilespmem:v58+s15+$0x0], $0xffff;
	v5 =	vmul.f32 v24, v35  }
0x143: {  	v2 =	vadd.f32 v2, v9;
	v3 =	vadd.f32 v3, v11;
	v9 =	vld.idx.msk [tilespmem:v60+s15+$0x0], $0xffff;
	v4 =	vmul.f32 v16, v35  }
0x144: {  	v11 =	vld.idx.msk [tilespmem:v61+s15+$0x0], $0xffff;
	v6 =	vmul.f32 v25, v35;
	v16 =	vmul.f32 v26, v35;
	v5 =	vadd.f32 v5, v18  }
0x145: {  	v4 =	vadd.f32 v4, v14;
	v7 =	vmul.f32 v7, v35;
	v14 =	vmul.f32 v17, v35  }
0x146: {  	v17 =	vmul.f32 v54, v35;
	v6 =	vadd.f32 v6, v19;
	v59 =	vmul.f32 v10, v35  }
0x147: {  	v41 =	vld [tilespmem:$0x1FFE0];
	v15 =	vmul.f32 v15, v35;
	v7 =	vadd.f32 v7, v53;
	v60 =	vmul.f32 v8, v35  }
0x148: {  	v43 =	vld [tilespmem:$0x1FEA0];
	v61 =	vmul.f32 v9, v35;
	v8 =	vadd.f32 v14, v27;
	v9 =	vadd.f32 v16, v13  }
0x149: {  	v48 =	vld [tilespmem:$0x1FFD0];
	v16 =	vmul.f32 v11, v35;
	v10 =	vadd.f32 v17, v20;
	v11 =	vadd.f32 v59, v12  }
0x14a: {  	v34 =	vld [tilespmem:$0x1FFF0];
	v17 =	vpsel p2, v21, v52;
	v12 =	vadd.f32 v15, v55;
	v13 =	vadd.f32 v60, v56  }
0x14b: {  	v25 =	vmovc v46;
	v26 =	vld [tilespmem:$0x1FE10];
	v35 =	vmov v52;
	v14 =	vadd.f32 v61, v57;
	v15 =	vadd.f32 v16, v17  }
.LBB2_16:
0x14c: {  	s21 =	sshll.u32 s20, $0xA  }
0x14d: {  	s21 =	sand.u32 $0x3FFFFC00, s21  }
0x14e: {  	[tilespmem:s21+$0x14880] =	vst v1  }
0x14f: {  	[tilespmem:s21+$0x14890] =	vst v2  }
0x150: {  	[tilespmem:s21+$0x148A0] =	vst v3  }
0x151: {  	[tilespmem:s21+$0x148B0] =	vst v4  }
0x152: {  	[tilespmem:s21+$0x148C0] =	vst v5  }
0x153: {  	[tilespmem:s21+$0x148D0] =	vst v6  }
0x154: {  	[tilespmem:s21+$0x148E0] =	vst v7  }
0x155: {  	[tilespmem:s21+$0x148F0] =	vst v8  }
0x156: {  	[tilespmem:s21+$0x14900] =	vst v9  }
0x157: {  	[tilespmem:s21+$0x14910] =	vst v10  }
0x158: {  	[tilespmem:s21+$0x14920] =	vst v11  }
.Ltmp11:
0x159: {  	[tilespmem:s21+$0x14930] =	vst v12;
	(pc) =	sbr.rel @p1 .LBB2_24-.Ltmp11, $4  }
0x15a: {  	[tilespmem:s21+$0x14940] =	vst v13;
	v1 =	vmov v35  }
0x15b: {  	[tilespmem:s21+$0x14950] =	vst v14;
	v2 =	vmovc v35;
	v3 =	vmovc v35;
	v4 =	vmov v35;
	v5 =	vmov v35;
	v6 =	vmov v35  }
0x15c: {  	[tilespmem:s21+$0x14960] =	vst v15;
	v7 =	vmovc v35;
	v8 =	vmovc v35;
	v9 =	vmov v35;
	v10 =	vmov v35;
	v11 =	vmov v35  }
0x15d: {  	[tilespmem:s21+$0x14970] =	vst v0;
	v12 =	vmovc v35;
	v13 =	vmovc v35;
	v14 =	vmov v35;
	v15 =	vmov v35;
	v0 =	vmov v35  }
.Ltmp12:
0x15e: {  	(pc) =	sbr.rel @!p0 .LBB2_18-.Ltmp12, $3  }
0x15f: {  	_ =	sdelay $0x1  }
0x160: {  	s25 =	sadd.s32 $0x1C880, s23  }
0x161: {  	s24 =	sadd.s32 $0x1CE80, s23;
	s28 =	sadd.s32 $0xFFFFFFFF, s22;
	p2 =	por $0x0, $0x0;
	v0 =	vld.msk [tilespmem:s25+$0x0 ss:$0x0], $0xffff  }
0x162: {  	v40 =	vld [tilespmem:$0x1FDA0]  }
0x163: {  	v28 =	vld [tilespmem:$0x1FD80]  }
0x164: {  	v44 =	vld [tilespmem:$0x1FEF0]  }
0x165: {  	v45 =	vld [tilespmem:$0x1FF00]  }
0x166: {  	v38 =	vld [tilespmem:$0x1FD90]  }
0x167: {  	v46 =	vld [tilespmem:$0x1FF10]  }
0x168: {  	v53 =	vld.msk [tilespmem:s24+$0x0 ss:$0x0], $0xffff  }
0x169: {  	v47 =	vld [tilespmem:$0x1FF20]  }
0x16a: {  	v39 =	vmov v48;
	v48 =	vld [tilespmem:$0x1FF30]  }
0x16b: {  	v49 =	vld [tilespmem:$0x1FF40];
	v1 =	vadd.s32 v40, v0  }
0x16c: {  	v50 =	vld [tilespmem:$0x1FF50];
	v2 =	vadd.s32 v28, v0  }
0x16d: {  	v42 =	vld [tilespmem:$0x1FF60];
	v3 =	vadd.s32 v44, v0  }
0x16e: {  	v43 =	vld [tilespmem:$0x1FF70];
	v4 =	vadd.s32 v45, v0  }
0x16f: {  	v51 =	vld [tilespmem:$0x1FF80];
	v5 =	vadd.s32 v46, v0  }
0x170: {  	v6 =	vadd.s32 v47, v0;
	v7 =	vld.idx.msk [tilespmem:v1+s15+$0x0], $0xffff  }
0x171: {  	v36 =	vmovc v34;
	v37 =	vmovc v41;
	v11 =	vmov v35;
	v61 =	vmov v35;
	v9 =	vadd.s32 v48, v0;
	v2 =	vld.idx.msk [tilespmem:v2+s15+$0x0], $0xffff  }
0x172: {  	p3 =	sne.s32 s28, $0x1;
	v14 =	vmovc v35;
	v56 =	vmovc v35;
	v54 =	vmov v35;
	v52 =	vmov v35;
	v55 =	vmov v35;
	v17 =	vld.idx.msk [tilespmem:v3+s15+$0x0], $0xffff  }
.Ltmp13:
0x173: {  	v57 =	vmovc v35;
	v59 =	vmov v35;
	v10 =	vadd.s32 v34, v0;
	v15 =	vadd.s32 v49, v0;
	v18 =	vld.idx.msk [tilespmem:v4+s15+$0x0], $0xffff;
	(pc) =	sbr.rel @!p3 .LBB2_20-.Ltmp13, $4  }
0x174: {  	v8 =	vadd.s32 v41, v0;
	v16 =	vadd.s32 v50, v0;
	v13 =	vadd.s32 v42, v0;
	v19 =	vld.idx.msk [tilespmem:v5+s15+$0x0], $0xffff  }
0x175: {  	v60 =	vadd.s32 v43, v0;
	v12 =	vadd.s32 v51, v0;
	v58 =	vadd.s32 v38, v0;
	v20 =	vld.idx.msk [tilespmem:v6+s15+$0x0], $0xffff  }
0x176: {  	s26 =	sadd.s32 $0x1, s25;
	v1 =	vadd.s32 v39, v0;
	v21 =	vld.idx.msk [tilespmem:v9+s15+$0x0], $0xffff;
	v6 =	vmovc v35;
	v9 =	vmovc v35;
	v3 =	vmov v35;
	v4 =	vmov v35  }
0x177: {  	s28 =	sadd.s32 $0xFFFFFFFF, s28;
	p2 =	por $0x1, $0x1;
	s25 =	smov.u32 s24;
	v0 =	vld.msk [tilespmem:s26+$0x0 ss:$0x0], $0xffff;
	v5 =	vmovc v35;
	v22 =	vmul.f32 v7, v53;
	v23 =	vmul.f32 v53, v2;
	v2 =	vmovc v35;
	v7 =	vmov v35  }
.LBB2_21:
0x178: {  	v24 =	vld.idx.msk [tilespmem:v15+s15+$0x0], $0xffff  }
0x179: {  	v27 =	vld.idx.msk [tilespmem:v10+s15+$0x0], $0xffff  }
0x17a: {  	v31 =	vld.idx.msk [tilespmem:v8+s15+$0x0], $0xffff;
	v6 =	vadd.f32 v22, v6;
	v17 =	vmul.f32 v17, v53  }
0x17b: {  	v9 =	vadd.f32 v23, v9;
	v15 =	vmul.f32 v18, v53;
	v18 =	vld.idx.msk [tilespmem:v16+s15+$0x0], $0xffff;
	v16 =	vmul.f32 v19, v53  }
0x17c: {  	v33 =	vld.idx.msk [tilespmem:v58+s15+$0x0], $0xffff;
	v11 =	vadd.f32 v17, v11;
	v19 =	vmul.f32 v20, v53;
	v21 =	vmul.f32 v21, v53  }
0x17d: {  	v22 =	vld.idx.msk [tilespmem:v12+s15+$0x0], $0xffff;
	v23 =	vadd.s32 v28, v0;
	v25 =	vadd.s32 v44, v0;
	v26 =	vadd.s32 v40, v0  }
0x17e: {  	v17 =	vld.idx.msk [tilespmem:v13+s15+$0x0], $0xffff;
	v28 =	vadd.s32 v45, v0;
	v29 =	vadd.s32 v46, v0;
	v30 =	vadd.s32 v47, v0  }
0x17f: {  	v20 =	vld.idx.msk [tilespmem:v60+s15+$0x0], $0xffff;
	v32 =	vadd.s32 v48, v0;
	v13 =	vadd.s32 v42, v0;
	v60 =	vadd.s32 v43, v0  }
0x180: {  	v34 =	vld.idx.msk [tilespmem:v1+s15+$0x0], $0xffff;
	s25 =	sadd.s32 $0x1, s25;
	v12 =	vadd.s32 v51, v0;
	v10 =	vadd.s32 v36, v0;
	v8 =	vadd.s32 v37, v0  }
0x181: {  	v35 =	vld.msk [tilespmem:s25+$0x0 ss:$0x0], $0xffff;
	v58 =	vadd.s32 v38, v0;
	v1 =	vadd.s32 v39, v0;
	v61 =	vadd.f32 v15, v61  }
0x182: {  	v14 =	vadd.f32 v16, v14;
	v15 =	vadd.s32 v49, v0;
	v16 =	vadd.s32 v50, v0;
	v0 =	vld.idx.msk [tilespmem:v26+s15+$0x0], $0xffff  }
0x183: {  	v24 =	vmul.f32 v24, v53;
	v41 =	vmul.f32 v31, v53;
	v23 =	vld.idx.msk [tilespmem:v23+s15+$0x0], $0xffff  }
0x184: {  	v54 =	vadd.f32 v21, v54;
	v21 =	vmul.f32 v22, v53;
	v62 =	vmul.f32 v17, v53;
	v17 =	vld.idx.msk [tilespmem:v25+s15+$0x0], $0xffff  }
0x185: {  	p3 =	sne.s32 s28, $0x1;
	v56 =	vadd.f32 v19, v56;
	v3 =	vadd.f32 v24, v3;
	v26 =	vmul.f32 v18, v53;
	v18 =	vld.idx.msk [tilespmem:v28+s15+$0x0], $0xffff  }
.Ltmp14:
0x186: {  	v4 =	vadd.f32 v41, v4;
	v57 =	vadd.f32 v21, v57;
	v63 =	vmul.f32 v20, v53;
	v19 =	vld.idx.msk [tilespmem:v29+s15+$0x0], $0xffff;
	(pc) =	sbr.rel @p3 .LBB2_21-.Ltmp14, $4  }
0x187: {  	v25 =	vmul.f32 v27, v53;
	v27 =	vmul.f32 v33, v53;
	v20 =	vld.idx.msk [tilespmem:v30+s15+$0x0], $0xffff;
	v2 =	vadd.f32 v26, v2  }
0x188: {  	v21 =	vld.idx.msk [tilespmem:v32+s15+$0x0], $0xffff;
	v52 =	vadd.f32 v62, v52;
	v62 =	vmul.f32 v34, v53;
	v55 =	vadd.f32 v63, v55  }
0x189: {  	s26 =	sadd.s32 $0x1, s26;
	v28 =	vld [tilespmem:$0x1FD80];
	v53 =	vmov v35;
	v59 =	vadd.f32 v25, v59;
	v5 =	vadd.f32 v27, v5  }
0x18a: {  	s28 =	sadd.s32 $0xFFFFFFFF, s28;
	v7 =	vadd.f32 v62, v7;
	v22 =	vmul.f32 v0, v53;
	v0 =	vld.msk [tilespmem:s26+$0x0 ss:$0x0], $0xffff;
	v23 =	vmul.f32 v53, v23  }
0x18b: {  	v49 =	vld [tilespmem:$0x1FDE0]  }
0x18c: {  	v50 =	vld [tilespmem:$0x1FDF0]  }
0x18d: {  	v51 =	vld [tilespmem:$0x1FE00]  }
0x18e: {  	v44 =	vld [tilespmem:$0x1FE30]  }
0x18f: {  	v45 =	vld [tilespmem:$0x1FE40]  }
0x190: {  	v34 =	vmov v36;
	v36 =	vld [tilespmem:$0x1FE50]  }
0x191: {  	v41 =	vmov v37;
	v37 =	vld [tilespmem:$0x1FE60]  }
0x192: {  	v43 =	vmov v38;
	v38 =	vld [tilespmem:$0x1FE70]  }
0x193: {  	v62 =	vld [tilespmem:$0x1FE80]  }
0x194: {  	v63 =	vld [tilespmem:$0x1FE90]  }
0x195: {  	v42 =	vld [tilespmem:$0x1FEA0]  }
0x196: {  	v47 =	vld [tilespmem:$0x1FEC0]  }
0x197: {  	v24 =	vmov v40;
	v40 =	vld [tilespmem:$0x1FFC0]  }
0x198: {  	v48 =	vmov v39;
	v46 =	vld [tilespmem:$0x1FED0]  }
.LBB2_23:
0x199: {  	_ =	sdelay $0x3  }
0x19a: {  	v15 =	vld.idx.msk @p2 [tilespmem:v15+s15+$0x0], $0xffff  }
0x19b: {  	v16 =	vld.idx.msk @p2 [tilespmem:v16+s15+$0x0], $0xffff  }
0x19c: {  	v13 =	vld.idx.msk @p2 [tilespmem:v13+s15+$0x0], $0xffff  }
0x19d: {  	v12 =	vld.idx.msk @p2 [tilespmem:v12+s15+$0x0], $0xffff  }
0x19e: {  	v35 =	vld [tilespmem:$0x1FEF0]  }
0x19f: {  	v9 =	vadd.f32 @p2 v23, v9;
	v23 =	vadd.s32 v24, v0;
	v24 =	vld [tilespmem:$0x1FF00]  }
0x1a0: {  	v25 =	vld [tilespmem:$0x1FF10]  }
0x1a1: {  	v26 =	vld [tilespmem:$0x1FF20]  }
0x1a2: {  	v27 =	vld [tilespmem:$0x1FF30]  }
0x1a3: {  	v39 =	vld [tilespmem:$0x1FF40]  }
0x1a4: {  	v29 =	vld [tilespmem:$0x1FF50]  }
0x1a5: {  	v30 =	vld.idx.msk @p2 [tilespmem:v58+s15+$0x0], $0xffff  }
0x1a6: {  	v17 =	vmul.f32 @p2 v17, v53;
	v18 =	vmul.f32 @p2 v18, v53;
	v31 =	vld [tilespmem:$0x1FF60]  }
0x1a7: {  	v6 =	vadd.f32 @p2 v22, v6;
	v19 =	vmul.f32 @p2 v19, v53;
	v32 =	vld [tilespmem:$0x1FF70];
	v58 =	vadd.s32 v41, v0  }
0x1a8: {  	v33 =	vld [tilespmem:$0x1FF80];
	v11 =	vadd.f32 @p2 v17, v11;
	v17 =	vadd.f32 @p2 v18, v61;
	v18 =	vmul.f32 @p2 v20, v53  }
0x1a9: {  	v10 =	vld.idx.msk @p2 [tilespmem:v10+s15+$0x0], $0xffff;
	v14 =	vadd.f32 @p2 v19, v14;
	v19 =	vmul.f32 @p2 v21, v53;
	v21 =	vadd.s32 v28, v0  }
0x1aa: {  	v20 =	vld.idx.msk @p2 [tilespmem:v60+s15+$0x0], $0xffff;
	v60 =	vadd.s32 v43, v0;
	v61 =	vadd.s32 v48, v0;
	v22 =	vadd.s32 v35, v0  }
0x1ab: {  	v8 =	vld.idx.msk @p2 [tilespmem:v8+s15+$0x0], $0xffff;
	s25 =	sadd.s32 @p2 $0x1, s25;
	v24 =	vadd.s32 v24, v0;
	v25 =	vadd.s32 v25, v0;
	v26 =	vadd.s32 v26, v0  }
0x1ac: {  	v1 =	vld.idx.msk @p2 [tilespmem:v1+s15+$0x0], $0xffff;
	s24 =	smov.u32 @p2 s25;
	v27 =	vadd.s32 v27, v0;
	v28 =	vadd.s32 v39, v0;
	v29 =	vadd.s32 v29, v0  }
0x1ad: {  	v31 =	vadd.s32 v31, v0;
	v32 =	vadd.s32 v32, v0;
	v33 =	vadd.s32 v33, v0;
	v35 =	vld.msk [tilespmem:s24+$0x0 ss:$0x0], $0xffff  }
0x1ae: {  	v39 =	vmov v34;
	v34 =	vadd.s32 v34, v0;
	v0 =	vld.idx.msk [tilespmem:v23+s15+$0x0], $0xffff;
	v13 =	vmul.f32 @p2 v13, v53  }
0x1af: {  	v43 =	vmovc v42;
	v42 =	vlaneseq.u32;
	v18 =	vadd.f32 @p2 v18, v56;
	v15 =	vmul.f32 @p2 v15, v53;
	v21 =	vld.idx.msk [tilespmem:v21+s15+$0x0], $0xffff  }
0x1b0: {  	v16 =	vmul.f32 @p2 v16, v53;
	v12 =	vmul.f32 @p2 v12, v53;
	v13 =	vadd.f32 @p2 v13, v52;
	v52 =	vld [tilespmem:$0x1FCD0]  }
0x1b1: {  	v19 =	vadd.f32 @p2 v19, v54;
	v10 =	vmul.f32 @p2 v10, v53;
	v8 =	vmul.f32 @p2 v8, v53;
	v22 =	vld.idx.msk [tilespmem:v22+s15+$0x0], $0xffff  }
0x1b2: {  	v23 =	vmul.f32 @p2 v30, v53;
	v3 =	vadd.f32 @p2 v15, v3;
	v2 =	vadd.f32 @p2 v16, v2;
	v15 =	vld.idx.msk [tilespmem:v24+s15+$0x0], $0xffff  }
0x1b3: {  	v20 =	vmul.f32 @p2 v20, v53;
	v12 =	vadd.f32 @p2 v12, v57;
	v10 =	vadd.f32 @p2 v10, v59;
	v16 =	vld.idx.msk [tilespmem:v25+s15+$0x0], $0xffff  }
0x1b4: {  	v1 =	vmul.f32 @p2 v1, v53;
	v4 =	vadd.f32 @p2 v8, v4;
	v5 =	vadd.f32 @p2 v23, v5;
	v24 =	vld.idx.msk [tilespmem:v26+s15+$0x0], $0xffff  }
0x1b5: {  	v20 =	vadd.f32 @p2 v20, v55;
	v0 =	vmul.f32 v0, v35;
	v25 =	vld.idx.msk [tilespmem:v27+s15+$0x0], $0xffff;
	v8 =	vmul.f32 v35, v21  }
0x1b6: {  	v26 =	vld.idx.msk [tilespmem:v31+s15+$0x0], $0xffff;
	v21 =	vadd.f32 @p2 v1, v7;
	v1 =	vpsel p2, v6, v52;
	v6 =	vpsel p2, v9, v52  }
0x1b7: {  	v54 =	vld.idx.msk [tilespmem:v32+s15+$0x0], $0xffff;
	v9 =	vpsel p2, v11, v52;
	v11 =	vpsel p2, v17, v52;
	v14 =	vpsel p2, v14, v52  }
0x1b8: {  	v7 =	vld.idx.msk [tilespmem:v28+s15+$0x0], $0xffff;
	v18 =	vpsel p2, v18, v52;
	v19 =	vpsel p2, v19, v52;
	v53 =	vpsel p2, v3, v52  }
0x1b9: {  	v17 =	vld.idx.msk [tilespmem:v29+s15+$0x0], $0xffff;
	v27 =	vpsel p2, v2, v52;
	v13 =	vpsel p2, v13, v52;
	v20 =	vpsel p2, v20, v52  }
0x1ba: {  	v12 =	vpsel p2, v12, v52;
	v55 =	vpsel p2, v10, v52;
	v56 =	vpsel p2, v4, v52;
	v10 =	vld.idx.msk [tilespmem:v33+s15+$0x0], $0xffff  }
0x1bb: {  	v0 =	vadd.f32 v0, v1;
	v1 =	vadd.f32 v8, v6;
	v8 =	vld.idx.msk [tilespmem:v58+s15+$0x0], $0xffff;
	v2 =	vmul.f32 v22, v35  }
0x1bc: {  	v57 =	vpsel p2, v5, v52;
	v3 =	vmul.f32 v15, v35;
	v15 =	vld.idx.msk [tilespmem:v34+s15+$0x0], $0xffff;
	v4 =	vmul.f32 v16, v35  }
0x1bd: {  	v5 =	vmul.f32 v24, v35;
	v6 =	vmul.f32 v25, v35;
	v2 =	vadd.f32 v2, v9;
	v9 =	vld.idx.msk [tilespmem:v60+s15+$0x0], $0xffff  }
0x1be: {  	v16 =	vmul.f32 v26, v35;
	v3 =	vadd.f32 v3, v11;
	v4 =	vadd.f32 v4, v14;
	v11 =	vld.idx.msk [tilespmem:v61+s15+$0x0], $0xffff  }
0x1bf: {  	v7 =	vmul.f32 v7, v35;
	v14 =	vmul.f32 v17, v35;
	v5 =	vadd.f32 v5, v18  }
0x1c0: {  	v17 =	vmul.f32 v54, v35;
	v6 =	vadd.f32 v6, v19;
	v59 =	vmul.f32 v10, v35  }
0x1c1: {  	v7 =	vadd.f32 v7, v53;
	v60 =	vmul.f32 v8, v35;
	v8 =	vadd.f32 v14, v27  }
0x1c2: {  	v10 =	vadd.f32 v17, v20;
	v15 =	vmul.f32 v15, v35;
	v61 =	vmul.f32 v9, v35  }
0x1c3: {  	v32 =	vld [tilespmem:$0x1FFA0];
	v9 =	vadd.f32 v16, v13;
	v16 =	vmul.f32 v11, v35;
	v11 =	vadd.f32 v59, v12  }
0x1c4: {  	v33 =	vld [tilespmem:$0x1FFB0];
	v34 =	vmovc v39;
	v17 =	vpsel p2, v21, v52;
	v12 =	vadd.f32 v15, v55;
	v13 =	vadd.f32 v60, v56  }
0x1c5: {  	v25 =	vmovc v40;
	v40 =	vmovc v46;
	v26 =	vld [tilespmem:$0x1FE10];
	v35 =	vmov v52;
	v14 =	vadd.f32 v61, v57;
	v15 =	vadd.f32 v16, v17  }
.LBB2_24:
0x1c6: {  	[tilespmem:s21+$0x14980] =	vst v1  }
0x1c7: {  	[tilespmem:s21+$0x14990] =	vst v2  }
0x1c8: {  	[tilespmem:s21+$0x149A0] =	vst v3  }
0x1c9: {  	[tilespmem:s21+$0x149B0] =	vst v4  }
0x1ca: {  	[tilespmem:s21+$0x149C0] =	vst v5  }
0x1cb: {  	[tilespmem:s21+$0x149D0] =	vst v6  }
0x1cc: {  	[tilespmem:s21+$0x149E0] =	vst v7  }
0x1cd: {  	[tilespmem:s21+$0x149F0] =	vst v8  }
0x1ce: {  	[tilespmem:s21+$0x14A00] =	vst v9  }
0x1cf: {  	[tilespmem:s21+$0x14A10] =	vst v10  }
0x1d0: {  	[tilespmem:s21+$0x14A20] =	vst v11  }
.Ltmp15:
0x1d1: {  	[tilespmem:s21+$0x14A30] =	vst v12;
	(pc) =	sbr.rel @p1 .LBB2_32-.Ltmp15, $4  }
0x1d2: {  	[tilespmem:s21+$0x14A40] =	vst v13;
	v1 =	vmov v35  }
0x1d3: {  	[tilespmem:s21+$0x14A70] =	vst v0;
	v2 =	vmovc v35;
	v3 =	vmovc v35;
	v4 =	vmov v35;
	v5 =	vmov v35;
	v6 =	vmov v35  }
0x1d4: {  	v7 =	vmovc v35;
	v8 =	vmovc v35;
	v9 =	vmov v35;
	v10 =	vmov v35;
	v11 =	vmov v35;
	[tilespmem:s21+$0x14A50] =	vst v14  }
0x1d5: {  	v12 =	vmovc v35;
	v13 =	vmovc v35;
	v0 =	vmov v35;
	[tilespmem:s21+$0x14A60] =	vst v15;
	v14 =	vmov v35;
	v15 =	vmov v35  }
.Ltmp16:
0x1d6: {  	(pc) =	sbr.rel @!p0 .LBB2_26-.Ltmp16, $3  }
0x1d7: {  	_ =	sdelay $0x1  }
0x1d8: {  	s25 =	sadd.s32 $0x1C880, s23  }
0x1d9: {  	s24 =	sadd.s32 $0x1CE80, s23;
	s28 =	sadd.s32 $0xFFFFFFFF, s22;
	p2 =	por $0x0, $0x0;
	v0 =	vld.msk [tilespmem:s25+$0x0 ss:$0x0], $0xffff  }
0x1da: {  	_ = 	snop  }
0x1db: {  	v47 =	vld [tilespmem:$0x1FEB0];
	_ =	sdelay $0x2  }
0x1dc: {  	v2 =	vadd.s32 v49, v0  }
0x1dd: {  	v30 =	vld [tilespmem:$0x1FE20];
	v3 =	vadd.s32 v50, v0  }
0x1de: {  	v53 =	vld.msk [tilespmem:s24+$0x0 ss:$0x0], $0xffff;
	v1 =	vadd.s32 v47, v0  }
0x1df: {  	v42 =	vld [tilespmem:$0x1FF90];
	v4 =	vadd.s32 v51, v0  }
0x1e0: {  	v46 =	vmov v43;
	v43 =	vld [tilespmem:$0x1FDB0];
	v5 =	vadd.s32 v26, v0  }
0x1e1: {  	v9 =	vadd.s32 v44, v0;
	v2 =	vld.idx.msk [tilespmem:v2+s15+$0x0], $0xffff  }
0x1e2: {  	v39 =	vmovc v48;
	v41 =	vmovc v26;
	v11 =	vmov v35;
	v61 =	vmov v35;
	v6 =	vadd.s32 v30, v0;
	v17 =	vld.idx.msk [tilespmem:v3+s15+$0x0], $0xffff  }
0x1e3: {  	p3 =	sne.s32 s28, $0x1;
	v14 =	vmovc v35;
	v56 =	vmovc v35;
	v54 =	vmov v35;
	v52 =	vmov v35;
	v55 =	vmov v35;
	v7 =	vld.idx.msk [tilespmem:v1+s15+$0x0], $0xffff  }
.Ltmp17:
0x1e4: {  	v57 =	vmovc v35;
	v59 =	vmov v35;
	v15 =	vadd.s32 v45, v0;
	v16 =	vadd.s32 v36, v0;
	v18 =	vld.idx.msk [tilespmem:v4+s15+$0x0], $0xffff;
	(pc) =	sbr.rel @!p3 .LBB2_28-.Ltmp17, $4  }
0x1e5: {  	v13 =	vadd.s32 v37, v0;
	v60 =	vadd.s32 v38, v0;
	v10 =	vadd.s32 v63, v0;
	v19 =	vld.idx.msk [tilespmem:v5+s15+$0x0], $0xffff  }
0x1e6: {  	v12 =	vadd.s32 v62, v0;
	v8 =	vadd.s32 v42, v0;
	v58 =	vadd.s32 v43, v0;
	v21 =	vld.idx.msk [tilespmem:v9+s15+$0x0], $0xffff  }
0x1e7: {  	s26 =	sadd.s32 $0x1, s25;
	v9 =	vmovc v35;
	v3 =	vmovc v35;
	v4 =	vmov v35;
	v5 =	vmov v35;
	v20 =	vld.idx.msk [tilespmem:v6+s15+$0x0], $0xffff;
	v1 =	vadd.s32 v46, v0  }
0x1e8: {  	s28 =	sadd.s32 $0xFFFFFFFF, s28;
	p2 =	por $0x1, $0x1;
	s25 =	smov.u32 s24;
	v0 =	vld.msk [tilespmem:s26+$0x0 ss:$0x0], $0xffff;
	v6 =	vmovc v35;
	v23 =	vmul.f32 v53, v2;
	v2 =	vmovc v35;
	v22 =	vmul.f32 v7, v53;
	v7 =	vmov v35  }
.LBB2_29:
0x1e9: {  	v24 =	vld.idx.msk [tilespmem:v15+s15+$0x0], $0xffff  }
0x1ea: {  	v27 =	vld.idx.msk [tilespmem:v10+s15+$0x0], $0xffff  }
0x1eb: {  	v31 =	vld.idx.msk [tilespmem:v8+s15+$0x0], $0xffff  }
0x1ec: {  	v33 =	vld.idx.msk [tilespmem:v58+s15+$0x0], $0xffff;
	v17 =	vmul.f32 v17, v53  }
0x1ed: {  	v34 =	vld.idx.msk [tilespmem:v1+s15+$0x0], $0xffff;
	v6 =	vadd.f32 v22, v6;
	v9 =	vadd.f32 v23, v9;
	v15 =	vmul.f32 v18, v53  }
0x1ee: {  	v18 =	vld.idx.msk [tilespmem:v16+s15+$0x0], $0xffff;
	v11 =	vadd.f32 v17, v11;
	v16 =	vmul.f32 v19, v53;
	v19 =	vmul.f32 v20, v53  }
0x1ef: {  	v22 =	vld.idx.msk [tilespmem:v12+s15+$0x0], $0xffff;
	v23 =	vadd.s32 v49, v0;
	v25 =	vadd.s32 v50, v0;
	v26 =	vadd.s32 v47, v0  }
0x1f0: {  	v17 =	vld.idx.msk [tilespmem:v13+s15+$0x0], $0xffff;
	v28 =	vadd.s32 v51, v0;
	v29 =	vadd.s32 v41, v0;
	v30 =	vadd.s32 v30, v0  }
0x1f1: {  	s25 =	sadd.s32 $0x1, s25;
	v20 =	vld.idx.msk [tilespmem:v60+s15+$0x0], $0xffff;
	v32 =	vadd.s32 v44, v0;
	v13 =	vadd.s32 v37, v0;
	v60 =	vadd.s32 v38, v0  }
0x1f2: {  	v35 =	vld.msk [tilespmem:s25+$0x0 ss:$0x0], $0xffff;
	v12 =	vadd.s32 v62, v0;
	v10 =	vadd.s32 v63, v0;
	v8 =	vadd.s32 v42, v0  }
0x1f3: {  	v58 =	vadd.s32 v43, v0;
	v1 =	vadd.s32 v46, v0;
	v62 =	vld [tilespmem:$0x1FE80];
	v61 =	vadd.f32 v15, v61  }
0x1f4: {  	v14 =	vadd.f32 v16, v14;
	v15 =	vadd.s32 v45, v0;
	v16 =	vadd.s32 v36, v0;
	v0 =	vld.idx.msk [tilespmem:v26+s15+$0x0], $0xffff  }
0x1f5: {  	v21 =	vmul.f32 v21, v53;
	v24 =	vmul.f32 v24, v53;
	v23 =	vld.idx.msk [tilespmem:v23+s15+$0x0], $0xffff  }
0x1f6: {  	v40 =	vmul.f32 v33, v53;
	v48 =	vmul.f32 v17, v53;
	v17 =	vld.idx.msk [tilespmem:v25+s15+$0x0], $0xffff  }
0x1f7: {  	v56 =	vadd.f32 v19, v56;
	v54 =	vadd.f32 v21, v54;
	v26 =	vmul.f32 v18, v53;
	v18 =	vld.idx.msk [tilespmem:v28+s15+$0x0], $0xffff  }
0x1f8: {  	p3 =	sne.s32 s28, $0x1;
	v21 =	vmul.f32 v22, v53;
	v3 =	vadd.f32 v24, v3;
	v24 =	vmul.f32 v31, v53;
	v19 =	vld.idx.msk [tilespmem:v29+s15+$0x0], $0xffff  }
.Ltmp18:
0x1f9: {  	v5 =	vadd.f32 v40, v5;
	v63 =	vmul.f32 v20, v53;
	v20 =	vld.idx.msk [tilespmem:v30+s15+$0x0], $0xffff;
	(pc) =	sbr.rel @p3 .LBB2_29-.Ltmp18, $4  }
0x1fa: {  	v57 =	vadd.f32 v21, v57;
	v25 =	vmul.f32 v27, v53;
	v21 =	vld.idx.msk [tilespmem:v32+s15+$0x0], $0xffff;
	v4 =	vadd.f32 v24, v4  }
0x1fb: {  	v30 =	vld [tilespmem:$0x1FE20];
	v2 =	vadd.f32 v26, v2;
	v52 =	vadd.f32 v48, v52;
	v48 =	vmul.f32 v34, v53  }
0x1fc: {  	s26 =	sadd.s32 $0x1, s26;
	v55 =	vadd.f32 v63, v55;
	v63 =	vld [tilespmem:$0x1FE90];
	v53 =	vmov v35;
	v59 =	vadd.f32 v25, v59  }
0x1fd: {  	s28 =	sadd.s32 $0xFFFFFFFF, s28;
	v7 =	vadd.f32 v48, v7;
	v22 =	vmul.f32 v0, v53;
	v0 =	vld.msk [tilespmem:s26+$0x0 ss:$0x0], $0xffff;
	v23 =	vmul.f32 v53, v23  }
0x1fe: {  	v24 =	vmov v47;
	v47 =	vld [tilespmem:$0x1FEC0]  }
0x1ff: {  	v43 =	vmov v46;
	v40 =	vld [tilespmem:$0x1FFC0];
	v48 =	vmov v39;
	v26 =	vmov v41  }
.LBB2_31:
0x200: {  	_ =	sdelay $0x3  }
0x201: {  	v15 =	vld.idx.msk @p2 [tilespmem:v15+s15+$0x0], $0xffff  }
0x202: {  	v16 =	vld.idx.msk @p2 [tilespmem:v16+s15+$0x0], $0xffff  }
0x203: {  	v13 =	vld.idx.msk @p2 [tilespmem:v13+s15+$0x0], $0xffff  }
0x204: {  	v12 =	vld.idx.msk @p2 [tilespmem:v12+s15+$0x0], $0xffff  }
0x205: {  	v17 =	vmul.f32 @p2 v17, v53;
	v18 =	vmul.f32 @p2 v18, v53;
	v10 =	vld.idx.msk @p2 [tilespmem:v10+s15+$0x0], $0xffff  }
0x206: {  	v6 =	vadd.f32 @p2 v22, v6;
	v9 =	vadd.f32 @p2 v23, v9;
	v19 =	vmul.f32 @p2 v19, v53;
	v8 =	vld.idx.msk @p2 [tilespmem:v8+s15+$0x0], $0xffff  }
0x207: {  	v42 =	vld [tilespmem:$0x1FF90];
	v11 =	vadd.f32 @p2 v17, v11;
	v17 =	vadd.f32 @p2 v18, v61;
	v18 =	vmul.f32 @p2 v20, v53  }
0x208: {  	v41 =	vmovc v26;
	v39 =	vld [tilespmem:$0x1FDB0];
	v14 =	vadd.f32 @p2 v19, v14;
	v19 =	vmul.f32 @p2 v21, v53;
	v21 =	vadd.s32 v49, v0  }
0x209: {  	v1 =	vld.idx.msk @p2 [tilespmem:v1+s15+$0x0], $0xffff;
	v22 =	vadd.s32 v50, v0;
	v23 =	vadd.s32 v24, v0;
	v24 =	vadd.s32 v51, v0  }
0x20a: {  	s25 =	sadd.s32 @p2 $0x1, s25;
	v20 =	vld.idx.msk @p2 [tilespmem:v60+s15+$0x0], $0xffff;
	v25 =	vadd.s32 v26, v0;
	v26 =	vadd.s32 v30, v0;
	v27 =	vadd.s32 v44, v0  }
0x20b: {  	s24 =	smov.u32 @p2 s25;
	v28 =	vadd.s32 v45, v0;
	v29 =	vadd.s32 v36, v0;
	v30 =	vld.idx.msk @p2 [tilespmem:v58+s15+$0x0], $0xffff;
	v31 =	vadd.s32 v37, v0  }
0x20c: {  	v32 =	vadd.s32 v38, v0;
	v33 =	vadd.s32 v62, v0;
	v34 =	vadd.s32 v63, v0;
	v35 =	vld.msk [tilespmem:s24+$0x0 ss:$0x0], $0xffff  }
0x20d: {  	v46 =	vadd.s32 v43, v0;
	v58 =	vadd.s32 v42, v0;
	v42 =	vadd.s32 v39, v0;
	v39 =	vld [tilespmem:$0x1FCD0]  }
0x20e: {  	v18 =	vadd.f32 @p2 v18, v56;
	v15 =	vmul.f32 @p2 v15, v53;
	v16 =	vmul.f32 @p2 v16, v53;
	v0 =	vld.idx.msk [tilespmem:v23+s15+$0x0], $0xffff  }
0x20f: {  	v19 =	vadd.f32 @p2 v19, v54;
	v13 =	vmul.f32 @p2 v13, v53;
	v12 =	vmul.f32 @p2 v12, v53;
	v21 =	vld.idx.msk [tilespmem:v21+s15+$0x0], $0xffff  }
0x210: {  	v10 =	vmul.f32 @p2 v10, v53;
	v8 =	vmul.f32 @p2 v8, v53;
	v22 =	vld.idx.msk [tilespmem:v22+s15+$0x0], $0xffff;
	v3 =	vadd.f32 @p2 v15, v3  }
0x211: {  	v20 =	vmul.f32 @p2 v20, v53;
	v15 =	vld.idx.msk [tilespmem:v24+s15+$0x0], $0xffff;
	v2 =	vadd.f32 @p2 v16, v2;
	v13 =	vadd.f32 @p2 v13, v52  }
0x212: {  	v23 =	vmul.f32 @p2 v30, v53;
	v16 =	vld.idx.msk [tilespmem:v25+s15+$0x0], $0xffff;
	v12 =	vadd.f32 @p2 v12, v57;
	v10 =	vadd.f32 @p2 v10, v59  }
0x213: {  	v1 =	vmul.f32 @p2 v1, v53;
	v24 =	vld.idx.msk [tilespmem:v26+s15+$0x0], $0xffff;
	v4 =	vadd.f32 @p2 v8, v4;
	v20 =	vadd.f32 @p2 v20, v55  }
0x214: {  	v25 =	vld.idx.msk [tilespmem:v27+s15+$0x0], $0xffff;
	v5 =	vadd.f32 @p2 v23, v5;
	v14 =	vpsel p2, v14, v39;
	v18 =	vpsel p2, v18, v39  }
0x215: {  	v26 =	vld.idx.msk [tilespmem:v31+s15+$0x0], $0xffff;
	v19 =	vpsel p2, v19, v39;
	v53 =	vpsel p2, v3, v39;
	v27 =	vpsel p2, v2, v39  }
0x216: {  	v54 =	vld.idx.msk [tilespmem:v32+s15+$0x0], $0xffff;
	v13 =	vpsel p2, v13, v39;
	v12 =	vpsel p2, v12, v39;
	v55 =	vpsel p2, v10, v39  }
0x217: {  	v56 =	vpsel p2, v4, v39;
	v10 =	vld.idx.msk [tilespmem:v33+s15+$0x0], $0xffff;
	v20 =	vpsel p2, v20, v39;
	v0 =	vmul.f32 v0, v35  }
0x218: {  	v8 =	vmul.f32 v35, v21;
	v21 =	vadd.f32 @p2 v1, v7;
	v1 =	vpsel p2, v6, v39;
	v7 =	vld.idx.msk [tilespmem:v28+s15+$0x0], $0xffff  }
0x219: {  	v6 =	vpsel p2, v9, v39;
	v9 =	vpsel p2, v11, v39;
	v11 =	vpsel p2, v17, v39;
	v17 =	vld.idx.msk [tilespmem:v29+s15+$0x0], $0xffff  }
0x21a: {  	v57 =	vpsel p2, v5, v39;
	v2 =	vmul.f32 v22, v35;
	v3 =	vmul.f32 v15, v35;
	v15 =	vld.idx.msk [tilespmem:v34+s15+$0x0], $0xffff  }
0x21b: {  	v4 =	vmul.f32 v16, v35;
	v0 =	vadd.f32 v0, v1;
	v1 =	vadd.f32 v8, v6;
	v8 =	vld.idx.msk [tilespmem:v58+s15+$0x0], $0xffff  }
0x21c: {  	v5 =	vmul.f32 v24, v35;
	v16 =	vmul.f32 v26, v35;
	v2 =	vadd.f32 v2, v9;
	v9 =	vld.idx.msk [tilespmem:v42+s15+$0x0], $0xffff  }
0x21d: {  	v3 =	vadd.f32 v3, v11;
	v4 =	vadd.f32 v4, v14;
	v6 =	vmul.f32 v25, v35;
	v11 =	vld.idx.msk [tilespmem:v46+s15+$0x0], $0xffff  }
0x21e: {  	v5 =	vadd.f32 v5, v18;
	v59 =	vmul.f32 v10, v35;
	v7 =	vmul.f32 v7, v35  }
0x21f: {  	v6 =	vadd.f32 v6, v19;
	v14 =	vmul.f32 v17, v35;
	v17 =	vmul.f32 v54, v35  }
0x220: {  	v32 =	vld [tilespmem:$0x1FFA0];
	v15 =	vmul.f32 v15, v35;
	v7 =	vadd.f32 v7, v53;
	v60 =	vmul.f32 v8, v35  }
0x221: {  	v33 =	vld [tilespmem:$0x1FFB0];
	v61 =	vmul.f32 v9, v35;
	v8 =	vadd.f32 v14, v27;
	v9 =	vadd.f32 v16, v13  }
0x222: {  	v26 =	vmovc v41;
	v41 =	vld [tilespmem:$0x1FFE0];
	v16 =	vmul.f32 v11, v35;
	v10 =	vadd.f32 v17, v20;
	v11 =	vadd.f32 v59, v12  }
0x223: {  	v34 =	vld [tilespmem:$0x1FFF0];
	v17 =	vpsel p2, v21, v39;
	v12 =	vadd.f32 v15, v55;
	v13 =	vadd.f32 v60, v56  }
0x224: {  	v42 =	vlaneseq.u32;
	v25 =	vmovc v40;
	v40 =	vld [tilespmem:$0x1FED0];
	v35 =	vmovc v39;
	v14 =	vadd.f32 v61, v57;
	v15 =	vadd.f32 v16, v17  }
.LBB2_32:
0x225: {  	[tilespmem:s21+$0x14A80] =	vst v1  }
0x226: {  	[tilespmem:s21+$0x14A90] =	vst v2  }
0x227: {  	[tilespmem:s21+$0x14AA0] =	vst v3  }
0x228: {  	[tilespmem:s21+$0x14AB0] =	vst v4  }
0x229: {  	[tilespmem:s21+$0x14AC0] =	vst v5  }
0x22a: {  	[tilespmem:s21+$0x14AD0] =	vst v6  }
0x22b: {  	[tilespmem:s21+$0x14AE0] =	vst v7  }
0x22c: {  	[tilespmem:s21+$0x14AF0] =	vst v8  }
0x22d: {  	[tilespmem:s21+$0x14B00] =	vst v9  }
0x22e: {  	[tilespmem:s21+$0x14B10] =	vst v10  }
0x22f: {  	[tilespmem:s21+$0x14B20] =	vst v11  }
.Ltmp19:
0x230: {  	[tilespmem:s21+$0x14B30] =	vst v12;
	(pc) =	sbr.rel @p1 .LBB2_33-.Ltmp19, $4  }
0x231: {  	[tilespmem:s21+$0x14B40] =	vst v13  }
0x232: {  	[tilespmem:s21+$0x14B70] =	vst v0  }
0x233: {  	[tilespmem:s21+$0x14B50] =	vst v14  }
0x234: {  	[tilespmem:s21+$0x14B60] =	vst v15  }
.Ltmp20:
0x235: {  	(pc) =	sbr.rel @!p0 .LBB2_35-.Ltmp20, $4  }
0x236: {  	v57 =	vadd.s32 $0x362, v42;
	v58 =	vadd.s32 $0x374, v42  }
0x237: {  	v59 =	vadd.s32 $0x384, v42;
	v53 =	vadd.s32 $0x396, v42;
	v54 =	vadd.s32 $0x3A6, v42  }
0x238: {  	s24 =	sadd.s32 $0x1C880, s23;
	v60 =	vadd.s32 $0x3B8, v42;
	v55 =	vadd.s32 $0x3C8, v42;
	v56 =	vadd.s32 $0x3DA, v42  }
0x239: {  	s23 =	sadd.s32 $0x1CE80, s23;
	s22 =	sadd.s32 $0xFFFFFFFF, s22;
	p1 =	por $0x0, $0x0;
	v63 =	vadd.s32 $0x3EA, v42;
	v61 =	vadd.s32 $0x3FC, v42;
	v62 =	vadd.s32 $0x40C, v42;
	v52 =	vld.msk [tilespmem:s24+$0x0 ss:$0x0], $0xffff  }
0x23a: {  	_ =	sdelay $0x2  }
0x23b: {  	v18 =	vadd.s32 $0x42E, v42  }
0x23c: {  	v32 =	vmov v35;
	v35 =	vld [tilespmem:$0x1FDC0];
	v0 =	vadd.s32 v18, v52  }
0x23d: {  	v2 =	vadd.s32 v47, v52  }
0x23e: {  	v36 =	vld [tilespmem:$0x1FDD0];
	v5 =	vadd.s32 v57, v52  }
0x23f: {  	v6 =	vadd.s32 v58, v52  }
0x240: {  	v1 =	vld.msk [tilespmem:s23+$0x0 ss:$0x0], $0xffff;
	v7 =	vadd.s32 v59, v52  }
0x241: {  	v3 =	vadd.s32 v35, v52;
	v0 =	vld.idx.msk [tilespmem:v0+s15+$0x0], $0xffff  }
0x242: {  	v8 =	vadd.s32 v53, v52;
	v2 =	vld.idx.msk [tilespmem:v2+s15+$0x0], $0xffff  }
0x243: {  	v4 =	vadd.s32 v36, v52;
	v5 =	vld.idx.msk [tilespmem:v5+s15+$0x0], $0xffff  }
0x244: {  	v9 =	vadd.s32 v54, v52;
	v25 =	vld.idx.msk [tilespmem:v6+s15+$0x0], $0xffff  }
0x245: {  	v10 =	vadd.s32 v60, v52;
	v26 =	vld.idx.msk [tilespmem:v7+s15+$0x0], $0xffff  }
0x246: {  	v3 =	vld.idx.msk [tilespmem:v3+s15+$0x0], $0xffff  }
0x247: {  	v48 =	vmovc v41;
	v44 =	vmovc v34;
	v24 =	vadd.s32 $0x41E, v42;
	v12 =	vmov v32;
	v13 =	vmov v32;
	v27 =	vld.idx.msk [tilespmem:v8+s15+$0x0], $0xffff  }
0x248: {  	p0 =	sne.s32 s22, $0x1;
	v17 =	vmovc v32;
	v14 =	vmovc v32;
	v15 =	vmov v32;
	v11 =	vmov v32;
	v21 =	vadd.s32 v55, v52;
	v4 =	vld.idx.msk [tilespmem:v4+s15+$0x0], $0xffff  }
.Ltmp21:
0x249: {  	v20 =	vadd.s32 v56, v52;
	v22 =	vadd.s32 v63, v52;
	v16 =	vadd.s32 v24, v52;
	v28 =	vld.idx.msk [tilespmem:v9+s15+$0x0], $0xffff;
	(pc) =	sbr.rel @!p0 .LBB2_37-.Ltmp21, $4  }
0x24a: {  	v23 =	vadd.s32 v61, v52;
	v19 =	vadd.s32 v62, v52;
	v29 =	vld.idx.msk [tilespmem:v10+s15+$0x0], $0xffff;
	v0 =	vmul.f32 v0, v1  }
0x24b: {  	s24 =	sadd.s32 $0x1, s24;
	v6 =	vmovc v32;
	v7 =	vmovc v32;
	v8 =	vmov v32;
	v2 =	vmul.f32 v1, v2;
	v3 =	vmul.f32 v3, v1  }
0x24c: {  	v52 =	vld.msk [tilespmem:s24+$0x0 ss:$0x0], $0xffff;
	v10 =	vmovc v32;
	v9 =	vmovc v32;
	v31 =	vmul.f32 v5, v1;
	v5 =	vmov v32;
	v0 =	vadd.f32 v0, v32  }
0x24d: {  	s25 =	sadd.s32 $0xFFFFFFFF, s22;
	p1 =	por $0x1, $0x1;
	s22 =	smov.u32 s23;
	v30 =	vmul.f32 v4, v1;
	v4 =	vmovc v32;
	v2 =	vadd.f32 v2, v32;
	v3 =	vadd.f32 v3, v32  }
.LBB2_38:
0x24e: {  	v46 =	vld.idx.msk [tilespmem:v16+s15+$0x0], $0xffff  }
0x24f: {  	v16 =	vld [tilespmem:$0x1FDD0];
	v12 =	vadd.f32 v30, v12  }
0x250: {  	v30 =	vld.idx.msk [tilespmem:v21+s15+$0x0], $0xffff;
	v13 =	vadd.f32 v31, v13;
	v25 =	vmul.f32 v25, v1;
	v21 =	vmul.f32 v26, v1  }
0x251: {  	v26 =	vld.idx.msk [tilespmem:v20+s15+$0x0], $0xffff;
	v20 =	vmul.f32 v27, v1;
	v27 =	vmul.f32 v28, v1;
	v32 =	vadd.s32 v47, v52  }
0x252: {  	s22 =	sadd.s32 $0x1, s22;
	v31 =	vld.idx.msk [tilespmem:v19+s15+$0x0], $0xffff;
	v33 =	vadd.s32 v35, v52;
	v34 =	vadd.s32 v18, v52;
	v37 =	vadd.s32 v57, v52  }
0x253: {  	v43 =	vld.msk [tilespmem:s22+$0x0 ss:$0x0], $0xffff;
	v38 =	vadd.s32 v58, v52;
	v39 =	vadd.s32 v59, v52;
	v40 =	vadd.s32 v53, v52  }
0x254: {  	v28 =	vld.idx.msk [tilespmem:v23+s15+$0x0], $0xffff;
	v41 =	vadd.s32 v54, v52;
	v42 =	vadd.s32 v60, v52;
	v23 =	vadd.s32 v61, v52  }
0x255: {  	v19 =	vadd.s32 v62, v52;
	v35 =	vld [tilespmem:$0x1FDC0];
	v36 =	vadd.s32 v16, v52;
	v17 =	vadd.f32 v25, v17  }
0x256: {  	s24 =	sadd.s32 $0x1, s24;
	v16 =	vadd.s32 v24, v52;
	v25 =	vld.idx.msk [tilespmem:v22+s15+$0x0], $0xffff;
	v14 =	vadd.f32 v21, v14;
	v15 =	vadd.f32 v20, v15  }
0x257: {  	v21 =	vadd.s32 v55, v52;
	v20 =	vadd.s32 v56, v52;
	v22 =	vadd.s32 v63, v52;
	v52 =	vld.msk [tilespmem:s24+$0x0 ss:$0x0], $0xffff  }
0x258: {  	v34 =	vld.idx.msk [tilespmem:v34+s15+$0x0], $0xffff  }
0x259: {  	v29 =	vmul.f32 v29, v1;
	v32 =	vld.idx.msk [tilespmem:v32+s15+$0x0], $0xffff  }
0x25a: {  	v6 =	vadd.f32 v27, v6;
	v27 =	vmul.f32 v28, v1;
	v28 =	vld.idx.msk [tilespmem:v33+s15+$0x0], $0xffff  }
0x25b: {  	v30 =	vmul.f32 v30, v1;
	v5 =	vadd.f32 v29, v5;
	v29 =	vmul.f32 v31, v1;
	v37 =	vld.idx.msk [tilespmem:v37+s15+$0x0], $0xffff  }
0x25c: {  	v26 =	vmul.f32 v26, v1;
	v31 =	vld.idx.msk [tilespmem:v36+s15+$0x0], $0xffff  }
0x25d: {  	p0 =	sne.s32 s25, $0x1;
	v45 =	vmul.f32 v46, v1;
	v4 =	vadd.f32 v30, v4;
	v11 =	vadd.f32 v29, v11;
	v36 =	vld [tilespmem:$0x1FDD0]  }
.Ltmp22:
0x25e: {  	v25 =	vmul.f32 v25, v1;
	v7 =	vadd.f32 v26, v7;
	v1 =	vmov v43;
	v26 =	vld.idx.msk [tilespmem:v39+s15+$0x0], $0xffff;
	(pc) =	sbr.rel @p0 .LBB2_38-.Ltmp22, $4  }
0x25f: {  	v10 =	vadd.f32 v27, v10;
	v27 =	vld.idx.msk [tilespmem:v40+s15+$0x0], $0xffff;
	v29 =	vmul.f32 v34, v1;
	v30 =	vmul.f32 v1, v32  }
0x260: {  	v9 =	vadd.f32 v45, v9;
	v8 =	vadd.f32 v25, v8;
	v25 =	vld.idx.msk [tilespmem:v38+s15+$0x0], $0xffff;
	v46 =	vmul.f32 v28, v1  }
0x261: {  	v28 =	vld.idx.msk [tilespmem:v41+s15+$0x0], $0xffff;
	v0 =	vadd.f32 v29, v0;
	v2 =	vadd.f32 v30, v2  }
0x262: {  	s25 =	sadd.s32 $0xFFFFFFFF, s25;
	v30 =	vmul.f32 v31, v1;
	v29 =	vld.idx.msk [tilespmem:v42+s15+$0x0], $0xffff;
	v3 =	vadd.f32 v46, v3;
	v31 =	vmul.f32 v37, v1  }
0x263: {  	v42 =	vmov v44;
	v44 =	vld [tilespmem:$0x1FE30]  }
0x264: {  	v45 =	vld [tilespmem:$0x1FE40]  }
0x265: {  	v43 =	vld [tilespmem:$0x1FEA0]  }
0x266: {  	v32 =	vlaneseq.u32;
	v46 =	vld [tilespmem:$0x1FFC0]  }
.LBB2_40:
0x267: {  	_ =	sdelay $0x3  }
0x268: {  	v21 =	vld.idx.msk @p1 [tilespmem:v21+s15+$0x0], $0xffff  }
0x269: {  	v20 =	vld.idx.msk @p1 [tilespmem:v20+s15+$0x0], $0xffff  }
0x26a: {  	v23 =	vld.idx.msk @p1 [tilespmem:v23+s15+$0x0], $0xffff  }
0x26b: {  	v19 =	vld.idx.msk @p1 [tilespmem:v19+s15+$0x0], $0xffff  }
0x26c: {  	v18 =	vmul.f32 @p1 v25, v1;
	v12 =	vadd.f32 @p1 v30, v12;
	v24 =	vadd.s32 $0x42E, v32;
	v16 =	vld.idx.msk @p1 [tilespmem:v16+s15+$0x0], $0xffff  }
0x26d: {  	v25 =	vmul.f32 @p1 v26, v1;
	v30 =	vadd.s32 v57, v52;
	v34 =	vadd.s32 v53, v52;
	v53 =	vld [tilespmem:$0x1FCD0]  }
0x26e: {  	v26 =	vadd.s32 $0x41E, v32;
	s22 =	sadd.s32 @p1 $0x1, s22;
	v32 =	vld [tilespmem:$0x1FFA0];
	v41 =	vadd.s32 v24, v52;
	v24 =	vmul.f32 @p1 v27, v1  }
0x26f: {  	v37 =	vadd.s32 v55, v52;
	s23 =	smov.u32 @p1 s22;
	v17 =	vadd.f32 @p1 v18, v17;
	v18 =	vld.idx.msk @p1 [tilespmem:v22+s15+$0x0], $0xffff  }
0x270: {  	v39 =	vadd.s32 v63, v52;
	v33 =	vld.msk [tilespmem:s23+$0x0 ss:$0x0], $0xffff;
	v15 =	vadd.f32 @p1 v24, v15;
	v24 =	vmul.f32 @p1 v29, v1  }
0x271: {  	v13 =	vadd.f32 @p1 v31, v13;
	v31 =	vadd.s32 v58, v52;
	v29 =	vadd.s32 v36, v52;
	v36 =	vld [tilespmem:$0x1FE50]  }
0x272: {  	v40 =	vadd.s32 v61, v52;
	v27 =	vadd.s32 v47, v52;
	v5 =	vadd.f32 @p1 v24, v5;
	v24 =	vld.idx.msk [tilespmem:v30+s15+$0x0], $0xffff  }
0x273: {  	v14 =	vadd.f32 @p1 v25, v14;
	v25 =	vmul.f32 @p1 v28, v1;
	v28 =	vadd.s32 v35, v52;
	v61 =	vld.idx.msk [tilespmem:v34+s15+$0x0], $0xffff  }
0x274: {  	v59 =	vadd.s32 v59, v52;
	v57 =	vadd.s32 v54, v52;
	v58 =	vadd.s32 v60, v52;
	v54 =	vld.idx.msk [tilespmem:v37+s15+$0x0], $0xffff  }
0x275: {  	v38 =	vadd.s32 v56, v52;
	v63 =	vadd.s32 v26, v52;
	v21 =	vmul.f32 @p1 v21, v1;
	v56 =	vld.idx.msk [tilespmem:v39+s15+$0x0], $0xffff  }
0x276: {  	v6 =	vadd.f32 @p1 v25, v6;
	v20 =	vmul.f32 @p1 v20, v1;
	v23 =	vmul.f32 @p1 v23, v1;
	v22 =	vld.idx.msk [tilespmem:v41+s15+$0x0], $0xffff  }
0x277: {  	v19 =	vmul.f32 @p1 v19, v1;
	v12 =	vpsel p1, v12, v53;
	v13 =	vpsel p1, v13, v53;
	v27 =	vld.idx.msk [tilespmem:v27+s15+$0x0], $0xffff  }
0x278: {  	v17 =	vpsel p1, v17, v53;
	v14 =	vpsel p1, v14, v53;
	v28 =	vld.idx.msk [tilespmem:v28+s15+$0x0], $0xffff;
	v18 =	vmul.f32 @p1 v18, v1  }
0x279: {  	v1 =	vmul.f32 @p1 v16, v1;
	v4 =	vadd.f32 @p1 v21, v4;
	v7 =	vadd.f32 @p1 v20, v7;
	v16 =	vld.idx.msk [tilespmem:v31+s15+$0x0], $0xffff  }
0x27a: {  	v15 =	vpsel p1, v15, v53;
	v10 =	vadd.f32 @p1 v23, v10;
	v11 =	vadd.f32 @p1 v19, v11;
	v25 =	vld.idx.msk [tilespmem:v29+s15+$0x0], $0xffff  }
0x27b: {  	v41 =	vadd.s32 v62, v52;
	v8 =	vadd.f32 @p1 v18, v8;
	v18 =	vld.idx.msk [tilespmem:v59+s15+$0x0], $0xffff;
	v26 =	vadd.f32 @p1 v1, v9  }
0x27c: {  	v9 =	vld.idx.msk [tilespmem:v57+s15+$0x0], $0xffff;
	v55 =	vpsel p1, v4, v53;
	v57 =	vpsel p1, v7, v53;
	v59 =	vmul.f32 v22, v33  }
0x27d: {  	v52 =	vld.idx.msk [tilespmem:v58+s15+$0x0], $0xffff;
	v60 =	vmul.f32 v33, v27;
	v27 =	vpsel p1, v5, v53;
	v58 =	vpsel p1, v8, v53  }
0x27e: {  	v37 =	vld [tilespmem:$0x1FE60];
	v62 =	vmul.f32 v28, v33;
	v4 =	vmul.f32 v16, v33;
	v0 =	vadd.f32 v59, v0  }
0x27f: {  	v8 =	vld.idx.msk [tilespmem:v40+s15+$0x0], $0xffff;
	v19 =	vadd.f32 v60, v2;
	v2 =	vmul.f32 v25, v33;
	v25 =	vpsel p1, v6, v53  }
0x280: {  	v59 =	vpsel p1, v10, v53;
	v60 =	vpsel p1, v11, v53;
	v10 =	vld.idx.msk [tilespmem:v41+s15+$0x0], $0xffff;
	v6 =	vmul.f32 v61, v33  }
0x281: {  	v11 =	vld.idx.msk [tilespmem:v63+s15+$0x0], $0xffff;
	v63 =	vpsel p1, v26, v53;
	v1 =	vadd.f32 v62, v3;
	v3 =	vmul.f32 v24, v33  }
0x282: {  	v24 =	vld.idx.msk [tilespmem:v38+s15+$0x0], $0xffff;
	v5 =	vmul.f32 v18, v33;
	v4 =	vadd.f32 v4, v17;
	v7 =	vmul.f32 v9, v33  }
0x283: {  	v40 =	vld [tilespmem:$0x1FED0];
	v9 =	vmul.f32 v52, v33;
	v2 =	vadd.f32 v2, v12;
	v6 =	vadd.f32 v6, v15  }
0x284: {  	v26 =	vld [tilespmem:$0x1FE10];
	v12 =	vmul.f32 v54, v33;
	v3 =	vadd.f32 v3, v13;
	v5 =	vadd.f32 v5, v14  }
.Ltmp23:
0x285: {  	v41 =	vmovc v48;
	v48 =	vld [tilespmem:$0x1FFD0];
	v7 =	vadd.f32 v7, v25;
	v14 =	vmul.f32 v56, v33;
	v15 =	vmul.f32 v8, v33;
	(pc) =	sbr.rel .LBB2_41-.Ltmp23, $4  }
0x286: {  	v38 =	vld [tilespmem:$0x1FE70];
	v8 =	vadd.f32 v9, v27;
	v9 =	vadd.f32 v12, v55;
	v62 =	vmul.f32 v11, v33  }
0x287: {  	v61 =	vmul.f32 v10, v33;
	v11 =	vadd.f32 v14, v58;
	v13 =	vmul.f32 v24, v33;
	v33 =	vld [tilespmem:$0x1FFB0]  }
0x288: {  	v34 =	vmov v42;
	v12 =	vadd.f32 v15, v59;
	v14 =	vadd.f32 v62, v63;
	v62 =	vld [tilespmem:$0x1FE80]  }
0x289: {  	v42 =	vlaneseq.u32;
	v35 =	vmovc v19;
	v25 =	vmovc v46;
	v63 =	vld [tilespmem:$0x1FE90];
	v10 =	vadd.f32 v13, v57;
	v13 =	vadd.f32 v61, v60  }
.LBB2_10:
0x28a: {  	v28 =	vld [tilespmem:$0x1FD60]  }
.Ltmp24:
0x28b: {  	v43 =	vld [tilespmem:$0x1FCE0];
	(pc) =	sbr.rel .LBB2_15-.Ltmp24, $4  }
0x28c: {  	v6 =	vmov v35;
	v9 =	vmov v35;
	v11 =	vmov v35;
	v41 =	vld [tilespmem:$0x1FCF0]  }
0x28d: {  	v61 =	vmovc v35;
	v14 =	vmovc v35;
	v56 =	vmov v35;
	v54 =	vmov v35;
	v3 =	vmov v35;
	v39 =	vld [tilespmem:$0x1FD10]  }
0x28e: {  	v2 =	vmovc v35;
	v52 =	vmovc v35;
	v55 =	vmov v35;
	v57 =	vmov v35;
	v59 =	vmov v35;
	v40 =	vld [tilespmem:$0x1FD30]  }
0x28f: {  	s24 =	smov.u32 s21;
	v4 =	vmovc v35;
	v5 =	vmovc v35;
	v7 =	vmov v35;
	v46 =	vmov v25;
	v27 =	vmov v24;
	v24 =	vld [tilespmem:$0x1FD70]  }
.LBB2_18:
.Ltmp25:
0x290: {  	(pc) =	sbr.rel .LBB2_23-.Ltmp25, $4  }
0x291: {  	v46 =	vmovc v40;
	v40 =	vmov v25;
	v42 =	vmov v43;
	v6 =	vmov v35  }
0x292: {  	v9 =	vmovc v35;
	v11 =	vmovc v35;
	v61 =	vmov v35;
	v14 =	vmov v35;
	v56 =	vmov v35;
	v28 =	vld [tilespmem:$0x1FD80]  }
0x293: {  	v54 =	vmovc v35;
	v3 =	vmovc v35;
	v2 =	vmov v35;
	v52 =	vmov v35;
	v55 =	vmov v35;
	v24 =	vld [tilespmem:$0x1FDA0]  }
0x294: {  	s25 =	smov.u32 s24;
	v57 =	vmovc v35;
	v59 =	vmovc v35;
	v4 =	vmov v35;
	v5 =	vmov v35;
	v7 =	vmov v35;
	v43 =	vld [tilespmem:$0x1FD90]  }
.LBB2_26:
.Ltmp26:
0x295: {  	(pc) =	sbr.rel .LBB2_31-.Ltmp26, $4  }
0x296: {  	v40 =	vmov v25;
	v6 =	vmov v35  }
0x297: {  	v9 =	vmovc v35;
	v11 =	vmovc v35;
	v61 =	vmov v35;
	v14 =	vmov v35;
	v56 =	vmov v35  }
0x298: {  	v54 =	vmovc v35;
	v3 =	vmovc v35;
	v2 =	vmov v35;
	v52 =	vmov v35;
	v55 =	vmov v35;
	v24 =	vld [tilespmem:$0x1FEB0]  }
0x299: {  	s25 =	smov.u32 s24;
	v57 =	vmovc v35;
	v59 =	vmovc v35;
	v4 =	vmov v35;
	v5 =	vmov v35;
	v7 =	vmov v35;
	v30 =	vld [tilespmem:$0x1FE20]  }
.LBB2_35:
.Ltmp27:
0x29a: {  	v12 =	vmov v35;
	(pc) =	sbr.rel .LBB2_40-.Ltmp27, $4  }
0x29b: {  	v13 =	vmovc v35;
	v17 =	vmovc v35;
	v14 =	vmov v35;
	v15 =	vmov v35;
	v6 =	vmov v35  }
0x29c: {  	v5 =	vmovc v35;
	v4 =	vmovc v35;
	v7 =	vmov v35;
	v8 =	vmov v35;
	v10 =	vmov v35  }
0x29d: {  	v11 =	vmovc v35;
	v9 =	vmovc v35;
	v0 =	vmov v35;
	v2 =	vmov v35;
	v3 =	vmov v35;
	v35 =	vld [tilespmem:$0x1FDC0]  }
0x29e: {  	v46 =	vmovc v25;
	v32 =	vlaneseq.u32;
	v42 =	vmov v34;
	v48 =	vmov v41;
	s22 =	smov.u32 s23;
	v36 =	vld [tilespmem:$0x1FDD0]  }
.LBB2_12:
0x29f: {  	v7 =	vld [tilespmem:$0x1FCD0]  }
0x2a0: {  	v27 =	vmov v49;
	v49 =	vld [tilespmem:$0x1FDE0]  }
0x2a1: {  	v28 =	vmov v50;
	v50 =	vld [tilespmem:$0x1FDF0]  }
0x2a2: {  	v24 =	vmov v51;
	v51 =	vld [tilespmem:$0x1FE00]  }
0x2a3: {  	v44 =	vld [tilespmem:$0x1FE30]  }
0x2a4: {  	v32 =	vmov v45;
	v45 =	vld [tilespmem:$0x1FE40]  }
0x2a5: {  	v36 =	vld [tilespmem:$0x1FE50]  }
.Ltmp28:
0x2a6: {  	v37 =	vld [tilespmem:$0x1FE60];
	(pc) =	sbr.rel .LBB2_15-.Ltmp28, $4  }
0x2a7: {  	v33 =	vmovc v46;
	v34 =	vmovc v47;
	v46 =	vmov v48;
	v38 =	vld [tilespmem:$0x1FE70];
	v40 =	vmov v42;
	v42 =	vlaneseq.u32  }
0x2a8: {  	v62 =	vld [tilespmem:$0x1FE80];
	v6 =	vmovc v7;
	v9 =	vmovc v7;
	v11 =	vmov v7;
	v61 =	vmov v7;
	v14 =	vmov v7  }
0x2a9: {  	v47 =	vld [tilespmem:$0x1FEC0];
	v56 =	vmovc v7;
	v54 =	vmovc v7;
	v3 =	vmov v7;
	v2 =	vmov v7;
	v52 =	vmov v7  }
0x2aa: {  	s24 =	smov.u32 s21;
	v63 =	vld [tilespmem:$0x1FE90];
	v55 =	vmovc v7;
	v57 =	vmovc v7;
	v59 =	vmov v7;
	v4 =	vmov v7;
	v5 =	vmov v7  }
.LBB2_20:
0x2ab: {  	v7 =	vld [tilespmem:$0x1FCD0]  }
0x2ac: {  	v49 =	vld [tilespmem:$0x1FDE0]  }
0x2ad: {  	v50 =	vld [tilespmem:$0x1FDF0]  }
0x2ae: {  	v51 =	vld [tilespmem:$0x1FE00]  }
0x2af: {  	v44 =	vld [tilespmem:$0x1FE30]  }
0x2b0: {  	v45 =	vld [tilespmem:$0x1FE40]  }
0x2b1: {  	v34 =	vmov v36;
	v36 =	vld [tilespmem:$0x1FE50]  }
0x2b2: {  	v41 =	vmov v37;
	v37 =	vld [tilespmem:$0x1FE60]  }
0x2b3: {  	v43 =	vmov v38;
	v38 =	vld [tilespmem:$0x1FE70]  }
0x2b4: {  	v62 =	vld [tilespmem:$0x1FE80]  }
.Ltmp29:
0x2b5: {  	v63 =	vld [tilespmem:$0x1FE90];
	(pc) =	sbr.rel .LBB2_23-.Ltmp29, $4  }
0x2b6: {  	v48 =	vmov v39;
	v24 =	vmov v40;
	v42 =	vld [tilespmem:$0x1FEA0]  }
0x2b7: {  	v47 =	vld [tilespmem:$0x1FEC0];
	v6 =	vmovc v7;
	v9 =	vmovc v7;
	v11 =	vmov v7;
	v61 =	vmov v7;
	v14 =	vmov v7  }
0x2b8: {  	v40 =	vld [tilespmem:$0x1FFC0];
	v56 =	vmovc v7;
	v54 =	vmovc v7;
	v3 =	vmov v7;
	v2 =	vmov v7;
	v52 =	vmov v7  }
0x2b9: {  	s25 =	smov.u32 s24;
	v46 =	vld [tilespmem:$0x1FED0];
	v55 =	vmovc v7;
	v57 =	vmovc v7;
	v59 =	vmov v7;
	v4 =	vmov v7;
	v5 =	vmov v7  }
.LBB2_28:
0x2ba: {  	v7 =	vld [tilespmem:$0x1FCD0];
	_ =	sdelay $0x2  }
.Ltmp30:
0x2bb: {  	_ = 	snop;
	(pc) =	sbr.rel .LBB2_31-.Ltmp30, $4  }
0x2bc: {  	v43 =	vmovc v46;
	v24 =	vmov v47;
	v48 =	vmov v39;
	v26 =	vmov v41  }
0x2bd: {  	v6 =	vmovc v7;
	v9 =	vmovc v7;
	v11 =	vmov v7;
	v61 =	vmov v7;
	v14 =	vmov v7  }
0x2be: {  	v47 =	vld [tilespmem:$0x1FEC0];
	v56 =	vmovc v7;
	v54 =	vmovc v7;
	v3 =	vmov v7;
	v2 =	vmov v7;
	v52 =	vmov v7  }
0x2bf: {  	s25 =	smov.u32 s24;
	v40 =	vld [tilespmem:$0x1FFC0];
	v55 =	vmovc v7;
	v57 =	vmovc v7;
	v59 =	vmov v7;
	v4 =	vmov v7;
	v5 =	vmov v7  }
.LBB2_37:
0x2c0: {  	v9 =	vld [tilespmem:$0x1FCD0];
	_ =	sdelay $0x2  }
.Ltmp31:
0x2c1: {  	_ = 	snop;
	(pc) =	sbr.rel .LBB2_40-.Ltmp31, $4  }
0x2c2: {  	v42 =	vmov v44;
	v44 =	vld [tilespmem:$0x1FE30]  }
0x2c3: {  	v32 =	vlaneseq.u32;
	v45 =	vld [tilespmem:$0x1FE40];
	v12 =	vmov v9;
	v13 =	vmov v9  }
0x2c4: {  	v43 =	vld [tilespmem:$0x1FEA0];
	v17 =	vmovc v9;
	v14 =	vmovc v9;
	v15 =	vmov v9;
	v6 =	vmov v9;
	v5 =	vmov v9  }
0x2c5: {  	s22 =	smov.u32 s23;
	v46 =	vld [tilespmem:$0x1FFC0];
	v4 =	vmovc v9;
	v7 =	vmovc v9;
	v8 =	vmov v9;
	v10 =	vmov v9;
	v11 =	vmov v9  }
.LBB2_43:
0x2c6: {  	_ =	sfence.sel $0x180000  }
0x2c7: {  	[bflag:$0x0] =	sbarrier.arrive $0xFFFF  }
0x2c8: {  	p0 =	sne.s32 s6, $0x0;
	_ =	strace $0x90000047  }
0x2c9: {  	s0 =	sadd.s32 @!p0 $0x100000, s3;
	[bflag:$0x2] =	sbarrier.arrive $0xFFFF  }
0x2ca: {  	[sflag:s0] =	ssyncadd.tile.s32 @!p0 $0x1;
	_ =	shalt  }
.Lfunc_end2:
_tile_overlayer_lowered:
.L_overlay_start_2:
0x2cb: {  	(tag) =	ssettag $0x2  }
0x2cc: {  	s0 =	rddreg [dreg:$0x0];
	s2 =	stileid.u32  }
0x2cd: {  	s1 =	rddreg [dreg:$0x1];
	p0 =	sne.s32 s2, $0x0  }
0x2ce: {  	s3 =	rddreg [dreg:$0x2];
	[bflag:$0x3] =	sbarrier.arrive $0xFFFF;
	s2 =	simm.s32 @!p0 $0x1C01  }
0x2cf: {  	[timem:s3], [sflag:s2] =	dma.local @!p0 [hbm:s0], s1  }
0x2d0: {  	s0 =	simm.s32 @!p0 $0x1  }
0x2d1: {  	_ =	swait.ge @!p0 [sflag:s0], s1  }
0x2d2: {  	s1 =	ssub.s32 @!p0 $0x0, s1;
	[sflag:s0] =	ssyncset.done @!p0 $0x0  }
0x2d3: {  	[sflag:s0] =	ssyncadd.s32 @!p0 s1  }
0x2d4: {  	[bflag:$0x3] =	sbarrier.arrive $0xFFFF  }
0x2d5: {  	_ =	shalt  }

</sc_bundles>
